<compile_context>
chip_gen: v7x
topology: tpu7x:2x2x1
jax: 0.10.2.dev20260603
libtpu: 0.0.44.dev20260713+nightly
codegen_flags: <defaults>
</compile_context>

<pallas_src>
import functools

import jax
import jax.numpy as jnp
from jax import lax
from jax.experimental import pallas as pl
from jax.experimental.pallas import tpu as pltpu
from jax.experimental.pallas import tpu_sc as plsc

N = 50000
E = 800000
B = 64
M = 50000
NBLK = 25
BLK = 2000

NCHUNK = E // 128
DEGT = 3200
DEGP = 16 * DEGT
GROWS = 16 * 3136
QHALF = 1600000
QPAD = QHALF + 128
QT = 100000

_mesh = plsc.VectorSubcoreMesh(core_axis_name="c", subcore_axis_name="s")


def _zero_fill(ref, n):
    def body(i, c):
        ref[pl.ds(i * 16, 16)] = jnp.zeros((16,), jnp.float32)
        return c
    lax.fori_loop(0, n // 16, body, 0)


@functools.partial(
    pl.kernel,
    out_type=[jax.ShapeDtypeStruct((2 * DEGP,), jnp.float32)],
    mesh=_mesh,
    compiler_params=pltpu.CompilerParams(use_tc_tiling_on_sc=False),
    scratch_types=[
        pltpu.VMEM_SHARED((DEGP,), jnp.float32),
        pltpu.VMEM((128,), jnp.int32),
        pltpu.VMEM((128,), jnp.float32),
        pltpu.VMEM((DEGT,), jnp.float32),
    ],
)
def _sc_degree(dst_hbm, deg_hbm, acc, didx, ones, buf):
    cid = lax.axis_index("c")
    sid = lax.axis_index("s")
    wid = cid * 16 + sid
    _zero_fill(buf, DEGT)
    for g in range(8):
        ones[pl.ds(g * 16, 16)] = jnp.full((16,), 1.0, jnp.float32)
    pltpu.sync_copy(buf, acc.at[pl.ds(sid * DEGT, DEGT)])
    plsc.subcore_barrier()
    start = wid * 195 + jnp.minimum(wid, 10)
    nch = 195 + jnp.where(wid < 10, 1, 0)

    def chunk(j, carry):
        off = (start + j) * 128
        pltpu.sync_copy(dst_hbm.at[pl.ds(off, 128)], didx)
        pltpu.sync_copy(ones, acc.at[didx], add=True)
        return carry

    lax.fori_loop(0, nch, chunk, 0)
    plsc.subcore_barrier()
    pltpu.sync_copy(acc.at[pl.ds(sid * DEGT, DEGT)], buf)
    pltpu.sync_copy(buf, deg_hbm.at[pl.ds(cid * DEGP + sid * DEGT, DEGT)])


@functools.partial(
    pl.kernel,
    out_type=[jax.ShapeDtypeStruct((GROWS, 32), jnp.float32),
              jax.ShapeDtypeStruct((GROWS, 32), jnp.float32)],
    mesh=_mesh,
    compiler_params=pltpu.CompilerParams(use_tc_tiling_on_sc=False),
    scratch_types=[
        pltpu.VMEM_SHARED((GROWS, 32), jnp.float32),
        pltpu.VMEM((128,), jnp.int32),
        pltpu.VMEM((128,), jnp.int32),
        pltpu.VMEM((128, 32), jnp.float32),
        pltpu.VMEM((128,), jnp.int32),
        pltpu.VMEM((128,), jnp.int32),
        pltpu.VMEM((128, 32), jnp.float32),
        pltpu.VMEM((196, 32), jnp.float32),
        pltpu.SemaphoreType.DMA,
        pltpu.SemaphoreType.DMA,
        pltpu.SemaphoreType.DMA,
        pltpu.SemaphoreType.DMA,
        pltpu.SemaphoreType.DMA,
        pltpu.SemaphoreType.DMA,
    ],
)
def _sc_aggregate(src_hbm, dst_hbm, y0_hbm, y1_hbm,
                  g0_hbm, g1_hbm, acc, sidx_a, didx_a, rows_a,
                  sidx_b, didx_b, rows_b, buf,
                  sia, sib, sga, sgb, ssa, ssb):
    cid = lax.axis_index("c")
    sid = lax.axis_index("s")

    def zrow(i, c):
        buf[i, pl.ds(0, 16)] = jnp.zeros((16,), jnp.float32)
        buf[i, pl.ds(16, 16)] = jnp.zeros((16,), jnp.float32)
        return c
    lax.fori_loop(0, 196, zrow, 0)

    def zcopy(k, c):
        pltpu.sync_copy(buf, acc.at[pl.ds(sid * 3136 + k * 196, 196)])
        return c
    lax.fori_loop(0, 16, zcopy, 0)
    plsc.subcore_barrier()

    def gather_start(sidx, rows, sg):
        @pl.when(cid == 0)
        def _():
            pltpu.async_copy(y0_hbm.at[sidx], rows, sg)

        @pl.when(cid == 1)
        def _():
            pltpu.async_copy(y1_hbm.at[sidx], rows, sg)

    start0 = sid * 390

    def chunk2(j, carry):
        @pl.when(j > 0)
        def _():
            pltpu.make_async_copy(rows_a, acc.at[didx_a], ssa).wait()
            pltpu.make_async_copy(rows_b, acc.at[didx_b], ssb).wait()
        offa = (start0 + j * 2) * 128
        offb = offa + 128
        ia1 = pltpu.async_copy(src_hbm.at[pl.ds(offa, 128)], sidx_a, sia)
        ia2 = pltpu.async_copy(dst_hbm.at[pl.ds(offa, 128)], didx_a, sia)
        ib1 = pltpu.async_copy(src_hbm.at[pl.ds(offb, 128)], sidx_b, sib)
        ib2 = pltpu.async_copy(dst_hbm.at[pl.ds(offb, 128)], didx_b, sib)
        ia1.wait()
        ia2.wait()
        gather_start(sidx_a, rows_a, sga)
        ib1.wait()
        ib2.wait()
        gather_start(sidx_b, rows_b, sgb)
        pltpu.make_async_copy(y0_hbm.at[sidx_a], rows_a, sga).wait()
        pltpu.async_copy(rows_a, acc.at[didx_a], ssa, add=True)
        pltpu.make_async_copy(y0_hbm.at[sidx_b], rows_b, sgb).wait()
        pltpu.async_copy(rows_b, acc.at[didx_b], ssb, add=True)
        return carry

    lax.fori_loop(0, 195, chunk2, 0)
    pltpu.make_async_copy(rows_a, acc.at[didx_a], ssa).wait()
    pltpu.make_async_copy(rows_b, acc.at[didx_b], ssb).wait()

    @pl.when(sid < 10)
    def _():
        off = (6240 + sid) * 128
        pltpu.sync_copy(src_hbm.at[pl.ds(off, 128)], sidx_a)
        pltpu.sync_copy(dst_hbm.at[pl.ds(off, 128)], didx_a)

        @pl.when(cid == 0)
        def _():
            pltpu.sync_copy(y0_hbm.at[sidx_a], rows_a)

        @pl.when(cid == 1)
        def _():
            pltpu.sync_copy(y1_hbm.at[sidx_a], rows_a)

        pltpu.sync_copy(rows_a, acc.at[didx_a], add=True)

    plsc.subcore_barrier()

    def drain(k, c):
        r0 = sid * 3136 + k * 196
        pltpu.sync_copy(acc.at[pl.ds(r0, 196)], buf)

        @pl.when(cid == 0)
        def _():
            pltpu.sync_copy(buf, g0_hbm.at[pl.ds(r0, 196)])

        @pl.when(cid == 1)
        def _():
            pltpu.sync_copy(buf, g1_hbm.at[pl.ds(r0, 196)])
        return c
    lax.fori_loop(0, 16, drain, 0)


@functools.partial(
    pl.kernel,
    out_type=[jax.ShapeDtypeStruct((2 * QHALF,), jnp.float32)],
    mesh=_mesh,
    compiler_params=pltpu.CompilerParams(use_tc_tiling_on_sc=False),
    scratch_types=[
        pltpu.VMEM_SHARED((QPAD,), jnp.float32),
        pltpu.VMEM((128,), jnp.int32),
        pltpu.VMEM((128,), jnp.int32),
        pltpu.VMEM((128,), jnp.int32),
        pltpu.VMEM((128,), jnp.int32),
        pltpu.VMEM((128,), jnp.float32),
        pltpu.VMEM((128,), jnp.int32),
        pltpu.VMEM((128,), jnp.int32),
        pltpu.VMEM((128,), jnp.int32),
        pltpu.VMEM((128,), jnp.int32),
        pltpu.VMEM((128,), jnp.float32),
        pltpu.VMEM((2000,), jnp.float32),
        pltpu.SemaphoreType.DMA,
        pltpu.SemaphoreType.DMA,
        pltpu.SemaphoreType.DMA,
        pltpu.SemaphoreType.DMA,
        pltpu.SemaphoreType.DMA,
        pltpu.SemaphoreType.DMA,
    ],
)
def _sc_pool_matrix(src_hbm, dst_hbm, dinv_hbm, batch_hbm, q_hbm,
                    acc, sidx_a, didx_a, bvals_a, fidx_a, val_a,
                    sidx_b, didx_b, bvals_b, fidx_b, val_b, buf,
                    sia, sib, sga, sgb, ssa, ssb):
    cid = lax.axis_index("c")
    sid = lax.axis_index("s")
    wid = cid * 16 + sid
    _zero_fill(buf, 2000)

    def zcopy(k, c):
        pltpu.sync_copy(buf, acc.at[pl.ds(sid * QT + k * 2000, 2000)])
        return c
    lax.fori_loop(0, 50, zcopy, 0)

    @pl.when(wid == 0)
    def _():
        pltpu.sync_copy(buf.at[pl.ds(0, 128)], acc.at[pl.ds(QHALF, 128)])

    plsc.subcore_barrier()

    base = cid * 25000
    iota16 = lax.iota(jnp.int32, 16)
    start0 = sid * 390

    def make_fidx(sidx, bvals, fidx):
        for g in range(8):
            b = bvals[pl.ds(g * 16, 16)]
            s = sidx[pl.ds(g * 16, 16)]
            sl = s - base
            ok = (sl >= 0) & (sl < 25000)
            flat = jnp.where(ok, sl * 64 + b, QHALF + iota16)
            fidx[pl.ds(g * 16, 16)] = flat

    def chunk2(j, carry):
        @pl.when(j > 0)
        def _():
            pltpu.make_async_copy(val_a, acc.at[fidx_a], ssa).wait()
            pltpu.make_async_copy(val_b, acc.at[fidx_b], ssb).wait()
        offa = (start0 + j * 2) * 128
        offb = offa + 128
        ia1 = pltpu.async_copy(src_hbm.at[pl.ds(offa, 128)], sidx_a, sia)
        ia2 = pltpu.async_copy(dst_hbm.at[pl.ds(offa, 128)], didx_a, sia)
        ib1 = pltpu.async_copy(src_hbm.at[pl.ds(offb, 128)], sidx_b, sib)
        ib2 = pltpu.async_copy(dst_hbm.at[pl.ds(offb, 128)], didx_b, sib)
        ia1.wait()
        ia2.wait()
        pltpu.async_copy(dinv_hbm.at[didx_a], val_a, sga)
        pltpu.async_copy(batch_hbm.at[didx_a], bvals_a, sga)
        ib1.wait()
        ib2.wait()
        pltpu.async_copy(dinv_hbm.at[didx_b], val_b, sgb)
        pltpu.async_copy(batch_hbm.at[didx_b], bvals_b, sgb)
        pltpu.make_async_copy(dinv_hbm.at[didx_a], val_a, sga).wait()
        pltpu.make_async_copy(batch_hbm.at[didx_a], bvals_a, sga).wait()
        make_fidx(sidx_a, bvals_a, fidx_a)
        pltpu.async_copy(val_a, acc.at[fidx_a], ssa, add=True)
        pltpu.make_async_copy(dinv_hbm.at[didx_b], val_b, sgb).wait()
        pltpu.make_async_copy(batch_hbm.at[didx_b], bvals_b, sgb).wait()
        make_fidx(sidx_b, bvals_b, fidx_b)
        pltpu.async_copy(val_b, acc.at[fidx_b], ssb, add=True)
        return carry

    lax.fori_loop(0, 195, chunk2, 0)
    pltpu.make_async_copy(val_a, acc.at[fidx_a], ssa).wait()
    pltpu.make_async_copy(val_b, acc.at[fidx_b], ssb).wait()

    @pl.when(sid < 10)
    def _():
        off = (6240 + sid) * 128
        pltpu.sync_copy(src_hbm.at[pl.ds(off, 128)], sidx_a)
        pltpu.sync_copy(dst_hbm.at[pl.ds(off, 128)], didx_a)
        pltpu.sync_copy(dinv_hbm.at[didx_a], val_a)
        pltpu.sync_copy(batch_hbm.at[didx_a], bvals_a)
        make_fidx(sidx_a, bvals_a, fidx_a)
        pltpu.sync_copy(val_a, acc.at[fidx_a], add=True)

    plsc.subcore_barrier()

    def drain(k, c):
        pltpu.sync_copy(acc.at[pl.ds(sid * QT + k * 2000, 2000)], buf)
        pltpu.sync_copy(buf,
                        q_hbm.at[pl.ds(cid * QHALF + sid * QT + k * 2000,
                                       2000)])
        return c
    lax.fori_loop(0, 50, drain, 0)


def _tc_prep_body(dega_ref, degb_ref, x_ref,
                  y0_ref, y1_ref, dinv_ref):
    da = dega_ref[0]
    db = degb_ref[0]
    dv = lax.rsqrt(da + db + 1.0)
    x = x_ref[0]
    y = x * dv
    y0_ref[0] = y[:, :32]
    y1_ref[0] = jnp.concatenate(
        [y[:, 32:], jnp.zeros((BLK, 14), jnp.float32)], axis=1)
    dinv_ref[0] = dv


def _tc_prep(dega, degb, x):
    spec = lambda f: pl.BlockSpec((1, BLK, f), lambda i: (i, 0, 0))
    return pl.pallas_call(
        _tc_prep_body,
        grid=(NBLK,),
        in_specs=[spec(1), spec(1), spec(50)],
        out_specs=[spec(32), spec(32), spec(1)],
        out_shape=[jax.ShapeDtypeStruct((NBLK, BLK, 32), jnp.float32),
                   jax.ShapeDtypeStruct((NBLK, BLK, 32), jnp.float32),
                   jax.ShapeDtypeStruct((NBLK, BLK, 1), jnp.float32)],
    )(dega, degb, x)


def _tc_dense_body(g0_ref, g1_ref, q_ref, x_ref, dinv_ref, batch_ref,
                   lx_ref, lb_ref, w1_ref, b1_ref, w1t_ref, b1t_ref,
                   sg_ref, st_ref, cnt_ref, lsum_ref, cntl_ref):
    i = pl.program_id(0)

    @pl.when(i == 0)
    def _():
        sg_ref[...] = jnp.zeros_like(sg_ref)
        st_ref[...] = jnp.zeros_like(st_ref)
        cnt_ref[...] = jnp.zeros_like(cnt_ref)
        lsum_ref[...] = jnp.zeros_like(lsum_ref)
        cntl_ref[...] = jnp.zeros_like(cntl_ref)

    dv = dinv_ref[0]
    x = x_ref[0]
    xp = jnp.concatenate(
        [x, jnp.zeros((BLK, 14), jnp.float32)], axis=1)
    g = jnp.concatenate([g0_ref[0], g1_ref[0]], axis=1)
    agg = dv * (g + xp * dv)
    hg = jnp.maximum(agg @ w1_ref[...] + b1_ref[...], 0.0)
    ht = jnp.maximum(agg @ w1t_ref[...] + b1t_ref[...], 0.0)
    bcol = batch_ref[0]
    oh = (lax.broadcasted_iota(jnp.int32, (BLK, B), 1) == bcol
          ).astype(jnp.float32)
    pmat = dv * q_ref[0] + oh * (dv * dv)
    dn = (((0,), (0,)), ((), ()))
    f32 = jnp.float32
    sg_ref[...] += lax.dot_general(pmat, hg, dn, preferred_element_type=f32)
    st_ref[...] += lax.dot_general(pmat, ht, dn, preferred_element_type=f32)
    ones1 = jnp.ones((BLK, 1), jnp.float32)
    cnt_ref[...] += lax.dot_general(oh, ones1, dn, preferred_element_type=f32)
    lb = lb_ref[0]
    ohl = (lax.broadcasted_iota(jnp.int32, (BLK, B), 1) == lb
           ).astype(jnp.float32)
    lsum_ref[...] += lax.dot_general(ohl, lx_ref[0], dn,
                                     preferred_element_type=f32)
    cntl_ref[...] += lax.dot_general(ohl, ones1, dn,
                                     preferred_element_type=f32)


def _tc_dense(g0, g1, q, x, dinv, batch, lx, lb, w1p, b1r, w1tp, b1tr):
    spec = lambda f: pl.BlockSpec((1, BLK, f), lambda i: (i, 0, 0))
    wspec = lambda r, c: pl.BlockSpec((r, c), lambda i: (0, 0))
    return pl.pallas_call(
        _tc_dense_body,
        grid=(NBLK,),
        in_specs=[spec(32), spec(32), spec(64), spec(50), spec(1), spec(1),
                  spec(50), spec(1),
                  wspec(64, 64), wspec(1, 64), wspec(64, 64), wspec(1, 64)],
        out_specs=[wspec(B, 64), wspec(B, 64), wspec(B, 1),
                   wspec(B, 50), wspec(B, 1)],
        out_shape=[jax.ShapeDtypeStruct((B, 64), jnp.float32),
                   jax.ShapeDtypeStruct((B, 64), jnp.float32),
                   jax.ShapeDtypeStruct((B, 1), jnp.float32),
                   jax.ShapeDtypeStruct((B, 50), jnp.float32),
                   jax.ShapeDtypeStruct((B, 1), jnp.float32)],
    )(g0, g1, q, x, dinv, batch, lx, lb, w1p, b1r, w1tp, b1tr)


def _tc_final_body(sg_ref, st_ref, cnt_ref, lsum_ref, cntl_ref,
                   w2_ref, b2_ref, w2t_ref, b2t_ref,
                   wlg_ref, blg_ref, wlt_ref, blt_ref, out_ref):
    cnt = cnt_ref[...]
    cm = jnp.maximum(cnt, 1.0)
    pg = (sg_ref[...] @ w2_ref[...] + cnt * b2_ref[...]) / cm
    pt = (st_ref[...] @ w2t_ref[...] + cnt * b2t_ref[...]) / cm
    d1 = pt - pg + 1e-6
    cntl = cntl_ref[...]
    cml = jnp.maximum(cntl, 1.0)
    lsum = lsum_ref[...]
    lg = (lsum @ wlg_ref[...] + cntl * blg_ref[...]) / cml
    lt = (lsum @ wlt_ref[...] + cntl * blt_ref[...]) / cml
    d2 = lt - lg + 1e-6
    out_ref[...] = jnp.reshape(
        (jnp.sum(d1 * d1) + jnp.sum(d2 * d2)) / B, (1, 1))


def _tc_final(sg, st, cnt, lsum, cntl, w2, b2r, w2t, b2tr,
              wlg, blgr, wlt, bltr):
    return pl.pallas_call(
        _tc_final_body,
        out_shape=jax.ShapeDtypeStruct((1, 1), jnp.float32),
    )(sg, st, cnt, lsum, cntl, w2, b2r, w2t, b2tr, wlg, blgr, wlt, bltr)


def kernel(dom_x, dom_edge_index, dom_batch, logs_x, logs_batch,
           W1, b1, W2, b2, W1t, b1t, W2t, b2t, Wlg, blg, Wlt, blt):
    src = dom_edge_index[0].astype(jnp.int32)
    dst = dom_edge_index[1].astype(jnp.int32)
    batch = dom_batch.astype(jnp.int32)
    lb = logs_batch.astype(jnp.int32)

    (degflat,) = _sc_degree(dst)
    dega = degflat[:N].reshape(NBLK, BLK, 1)
    degb = degflat[DEGP:DEGP + N].reshape(NBLK, BLK, 1)

    x_r = dom_x.reshape(NBLK, BLK, 50)
    batch_r = batch.reshape(NBLK, BLK, 1)
    y0_r, y1_r, dinv_r = _tc_prep(dega, degb, x_r)

    g0, g1 = _sc_aggregate(src, dst, y0_r.reshape(N, 32),
                           y1_r.reshape(N, 32))

    (qflat,) = _sc_pool_matrix(src, dst, dinv_r.reshape(N), batch)
    q_r = qflat.reshape(NBLK, BLK, 64)

    w1p = jnp.zeros((64, 64), jnp.float32).at[:50].set(W1)
    w1tp = jnp.zeros((64, 64), jnp.float32).at[:50].set(W1t)
    sg, st, cnt, lsum, cntl = _tc_dense(
        g0[:N].reshape(NBLK, BLK, 32), g1[:N].reshape(NBLK, BLK, 32), q_r,
        x_r, dinv_r, batch_r,
        logs_x.reshape(NBLK, BLK, 50), lb.reshape(NBLK, BLK, 1),
        w1p, b1.reshape(1, 64), w1tp, b1t.reshape(1, 64))

    out = _tc_final(sg, st, cnt, lsum, cntl,
                    W2, b2.reshape(1, 32), W2t, b2t.reshape(1, 32),
                    Wlg, blg.reshape(1, 25), Wlt, blt.reshape(1, 25))
    return out.reshape(())

# --- scband reference (transcript-rebuilt; emitter-appended) ---
"""Pipeline reference for scband-rdnscorer-29600914604615 (READ-ONLY COPY).

The authoritative reference and input builder live on the scoring server;
editing this copy changes nothing except your own understanding.
"""

import jax, jax.numpy as jnp
import numpy as np

N = 50000
E = 800000
B = 64
M = 50000
IN = 50
HID = 64  # 2*out_channels, GAE encoder hidden
OUT = 32
T = 25  # text_embed_size


def gcn_conv(x, src, dst, W, b, n):
    # GCNConv: linear transform, then symmetric-normalized aggregation with self loops
    h = x @ W
    loop = jnp.arange(n, dtype=src.dtype)
    s = jnp.concatenate([src, loop])
    d = jnp.concatenate([dst, loop])
    deg = jnp.zeros((n,), dtype=h.dtype).at[d].add(1.0)
    dinv = 1.0 / jnp.sqrt(jnp.maximum(deg, 1.0))
    norm = dinv[s] * dinv[d]
    msg = h[s] * norm[:, None]
    out = jnp.zeros((n, h.shape[1]), dtype=h.dtype).at[d].add(msg)
    return out + b


def encoder(x, src, dst, W1, b1, W2, b2, n):
    h = jax.nn.relu(gcn_conv(x, src, dst, W1, b1, n))
    return gcn_conv(h, src, dst, W2, b2, n)


def global_mean_pool(x, batch, num_graphs):
    sums = jax.ops.segment_sum(x, batch, num_segments=num_graphs)
    cnts = jax.ops.segment_sum(jnp.ones((x.shape[0],), dtype=x.dtype), batch, num_segments=num_graphs)
    return sums / jnp.maximum(cnts, 1.0)[:, None]


def pairwise_sq_mean(a, b):
    # F.pairwise_distance(a, b, p=2, eps=1e-6) ** 2, then mean
    d = jnp.sqrt(jnp.sum((a - b + 1e-6) ** 2, axis=1))
    return jnp.mean(d ** 2)


def setup_inputs(seed: int = 0) -> dict:
    key = jax.random.key(seed)
    ks = jax.random.split(key, 16)
    dom_x = jax.random.normal(ks[0], (N, IN), dtype=jnp.float32)
    dom_edge_index = jax.random.randint(ks[1], (2, E), 0, N, dtype=jnp.int64)
    dom_batch = jnp.sort(jax.random.randint(ks[2], (N,), 0, B, dtype=jnp.int64))
    logs_x = jax.random.normal(ks[3], (M, 2 * T), dtype=jnp.float32)
    logs_batch = jnp.sort(jax.random.randint(ks[4], (M,), 0, B, dtype=jnp.int64))
    sc = 0.1
    # dom_guesser (trainable GAE encoder)
    W1 = jax.random.normal(ks[5], (IN, HID), dtype=jnp.float32) * sc
    b1 = jnp.zeros((HID,), dtype=jnp.float32)
    W2 = jax.random.normal(ks[6], (HID, OUT), dtype=jnp.float32) * sc
    b2 = jnp.zeros((OUT,), dtype=jnp.float32)
    # dom_target (frozen target encoder)
    W1t = jax.random.normal(ks[7], (IN, HID), dtype=jnp.float32) * sc
    b1t = jnp.zeros((HID,), dtype=jnp.float32)
    W2t = jax.random.normal(ks[8], (HID, OUT), dtype=jnp.float32) * sc
    b2t = jnp.zeros((OUT,), dtype=jnp.float32)
    # log_guesser / log_target linear layers: (2*T) -> T
    Wlg = jax.random.normal(ks[9], (2 * T, T), dtype=jnp.float32) * sc
    blg = jnp.zeros((T,), dtype=jnp.float32)
    Wlt = jax.random.normal(ks[10], (2 * T, T), dtype=jnp.float32) * sc
    blt = jnp.zeros((T,), dtype=jnp.float32)
    return {
        'dom_x': dom_x, 'dom_edge_index': dom_edge_index, 'dom_batch': dom_batch,
        'logs_x': logs_x, 'logs_batch': logs_batch,
        'W1': W1, 'b1': b1, 'W2': W2, 'b2': b2,
        'W1t': W1t, 'b1t': b1t, 'W2t': W2t, 'b2t': b2t,
        'Wlg': Wlg, 'blg': blg, 'Wlt': Wlt, 'blt': blt,
    }


def reference(dom_x, dom_edge_index, dom_batch, logs_x, logs_batch,
              W1, b1, W2, b2, W1t, b1t, W2t, b2t, Wlg, blg, Wlt, blt):
    src = dom_edge_index[0]
    dst = dom_edge_index[1]
    # guess_dom
    zg = encoder(dom_x, src, dst, W1, b1, W2, b2, N)
    guess_dom = global_mean_pool(zg, dom_batch, B)
    # actual_dom (no_grad target)
    zt = encoder(dom_x, src, dst, W1t, b1t, W2t, b2t, N)
    actual_dom = global_mean_pool(zt, dom_batch, B)
    # guess_logs / actual_logs
    guess_logs = global_mean_pool(logs_x @ Wlg + blg, logs_batch, B)
    actual_logs = global_mean_pool(logs_x @ Wlt + blt, logs_batch, B)
    # score
    return pairwise_sq_mean(actual_dom, guess_dom) + pairwise_sq_mean(actual_logs, guess_logs)

if __name__ == "__main__":
    import jax
    _d = setup_inputs()
    print(jax.jit(kernel)(*tuple(_d.values())))

</pallas_src>

<mosaic_0001>
#map = affine_map<(d0, d1) -> (0)>
module attributes {stable_mosaic.version = 14 : i64} {
  func.func @_sc_degree(%arg0: i32, %arg1: i32, %arg2: memref<800000xi32, #tpu.memory_space<hbm>>, %arg3: memref<102400xf32, #tpu.memory_space<hbm>>, %arg4: memref<51200xf32, #tpu.memory_space<vmem_shared>>, %arg5: memref<128xi32, #tpu.memory_space<vmem>>, %arg6: memref<128xf32, #tpu.memory_space<vmem>>, %arg7: memref<3200xf32, #tpu.memory_space<vmem>>) attributes {dimension_semantics = [#tpu.dimension_semantics<core_parallel>, #tpu.dimension_semantics<subcore_parallel>], iteration_bounds = array<i64: 2, 16>, scalar_prefetch = 0 : i64, scratch_operands = 4 : i64, tpu.core_type = #tpu.core_type<sc_vector_subcore>, window_params = [{transform_indices = #map}, {transform_indices = #map}]} {
    %mul3A = arith.constant 16 : i32
    %mul3A_0 = arith.muli %arg0, %mul3A : i32
    %add3A = arith.addi %mul3A_0, %arg1 : i32
    %scan3A = arith.constant 0 : i32
    %scan3A_1 = arith.constant 0 : i32
    %scan3A_2 = arith.constant 200 : i32
    %scan3A_3 = arith.addi %scan3A_1, %scan3A_2 : i32
    %scan3A_4 = arith.constant 1 : i32
    scf.for %scan3A_79 = %scan3A_1 to %scan3A_3 step %scan3A_4  : i32 {
      %broadcast_in_dim3A_80 = arith.constant 0.000000e+00 : f32
      %broadcast_in_dim3A_81 = vector.broadcast %broadcast_in_dim3A_80 : f32 to vector<16xf32>
      %mul3A_82 = arith.constant 16 : i32
      %mul3A_83 = arith.muli %scan3A_79, %mul3A_82 : i32
      %swap3A_84 = arith.index_cast %mul3A_83 : i32 to index
      %swap3A_85 = tpu.vector_load %arg7[%swap3A_84] {strides = array<i32>} : memref<3200xf32, #tpu.memory_space<vmem>>, vector<16xf32>,
      %swap3A_86 = vector.shape_cast %swap3A_85 : vector<16xf32> to vector<16xf32>
      %swap3A_87 = vector.shape_cast %broadcast_in_dim3A_81 : vector<16xf32> to vector<16xf32>
      tpu.vector_store %arg7[%swap3A_84], %swap3A_87 {strides = array<i32>} : memref<3200xf32, #tpu.memory_space<vmem>>, vector<16xf32>,
    }
    %scan3A_5 = arith.constant 200 : i32
    %broadcast_in_dim3A = arith.constant 1.000000e+00 : f32
    %broadcast_in_dim3A_6 = vector.broadcast %broadcast_in_dim3A : f32 to vector<16xf32>
    %swap3A = arith.constant 0 : index
    %swap3A_7 = tpu.vector_load %arg6[%swap3A] {strides = array<i32>} : memref<128xf32, #tpu.memory_space<vmem>>, vector<16xf32>,
    %swap3A_8 = vector.shape_cast %swap3A_7 : vector<16xf32> to vector<16xf32>
    %swap3A_9 = vector.shape_cast %broadcast_in_dim3A_6 : vector<16xf32> to vector<16xf32>
    tpu.vector_store %arg6[%swap3A], %swap3A_9 {strides = array<i32>} : memref<128xf32, #tpu.memory_space<vmem>>, vector<16xf32>,
    %broadcast_in_dim3A_10 = arith.constant 1.000000e+00 : f32
    %broadcast_in_dim3A_11 = vector.broadcast %broadcast_in_dim3A_10 : f32 to vector<16xf32>
    %swap3A_12 = arith.constant 16 : index
    %swap3A_13 = tpu.vector_load %arg6[%swap3A_12] {strides = array<i32>} : memref<128xf32, #tpu.memory_space<vmem>>, vector<16xf32>,
    %swap3A_14 = vector.shape_cast %swap3A_13 : vector<16xf32> to vector<16xf32>
    %swap3A_15 = vector.shape_cast %broadcast_in_dim3A_11 : vector<16xf32> to vector<16xf32>
    tpu.vector_store %arg6[%swap3A_12], %swap3A_15 {strides = array<i32>} : memref<128xf32, #tpu.memory_space<vmem>>, vector<16xf32>,
    %broadcast_in_dim3A_16 = arith.constant 1.000000e+00 : f32
    %broadcast_in_dim3A_17 = vector.broadcast %broadcast_in_dim3A_16 : f32 to vector<16xf32>
    %swap3A_18 = arith.constant 32 : index
    %swap3A_19 = tpu.vector_load %arg6[%swap3A_18] {strides = array<i32>} : memref<128xf32, #tpu.memory_space<vmem>>, vector<16xf32>,
    %swap3A_20 = vector.shape_cast %swap3A_19 : vector<16xf32> to vector<16xf32>
    %swap3A_21 = vector.shape_cast %broadcast_in_dim3A_17 : vector<16xf32> to vector<16xf32>
    tpu.vector_store %arg6[%swap3A_18], %swap3A_21 {strides = array<i32>} : memref<128xf32, #tpu.memory_space<vmem>>, vector<16xf32>,
    %broadcast_in_dim3A_22 = arith.constant 1.000000e+00 : f32
    %broadcast_in_dim3A_23 = vector.broadcast %broadcast_in_dim3A_22 : f32 to vector<16xf32>
    %swap3A_24 = arith.constant 48 : index
    %swap3A_25 = tpu.vector_load %arg6[%swap3A_24] {strides = array<i32>} : memref<128xf32, #tpu.memory_space<vmem>>, vector<16xf32>,
    %swap3A_26 = vector.shape_cast %swap3A_25 : vector<16xf32> to vector<16xf32>
    %swap3A_27 = vector.shape_cast %broadcast_in_dim3A_23 : vector<16xf32> to vector<16xf32>
    tpu.vector_store %arg6[%swap3A_24], %swap3A_27 {strides = array<i32>} : memref<128xf32, #tpu.memory_space<vmem>>, vector<16xf32>,
    %broadcast_in_dim3A_28 = arith.constant 1.000000e+00 : f32
    %broadcast_in_dim3A_29 = vector.broadcast %broadcast_in_dim3A_28 : f32 to vector<16xf32>
    %swap3A_30 = arith.constant 64 : index
    %swap3A_31 = tpu.vector_load %arg6[%swap3A_30] {strides = array<i32>} : memref<128xf32, #tpu.memory_space<vmem>>, vector<16xf32>,
    %swap3A_32 = vector.shape_cast %swap3A_31 : vector<16xf32> to vector<16xf32>
    %swap3A_33 = vector.shape_cast %broadcast_in_dim3A_29 : vector<16xf32> to vector<16xf32>
    tpu.vector_store %arg6[%swap3A_30], %swap3A_33 {strides = array<i32>} : memref<128xf32, #tpu.memory_space<vmem>>, vector<16xf32>,
    %broadcast_in_dim3A_34 = arith.constant 1.000000e+00 : f32
    %broadcast_in_dim3A_35 = vector.broadcast %broadcast_in_dim3A_34 : f32 to vector<16xf32>
    %swap3A_36 = arith.constant 80 : index
    %swap3A_37 = tpu.vector_load %arg6[%swap3A_36] {strides = array<i32>} : memref<128xf32, #tpu.memory_space<vmem>>, vector<16xf32>,
    %swap3A_38 = vector.shape_cast %swap3A_37 : vector<16xf32> to vector<16xf32>
    %swap3A_39 = vector.shape_cast %broadcast_in_dim3A_35 : vector<16xf32> to vector<16xf32>
    tpu.vector_store %arg6[%swap3A_36], %swap3A_39 {strides = array<i32>} : memref<128xf32, #tpu.memory_space<vmem>>, vector<16xf32>,
    %broadcast_in_dim3A_40 = arith.constant 1.000000e+00 : f32
    %broadcast_in_dim3A_41 = vector.broadcast %broadcast_in_dim3A_40 : f32 to vector<16xf32>
    %swap3A_42 = arith.constant 96 : index
    %swap3A_43 = tpu.vector_load %arg6[%swap3A_42] {strides = array<i32>} : memref<128xf32, #tpu.memory_space<vmem>>, vector<16xf32>,
    %swap3A_44 = vector.shape_cast %swap3A_43 : vector<16xf32> to vector<16xf32>
    %swap3A_45 = vector.shape_cast %broadcast_in_dim3A_41 : vector<16xf32> to vector<16xf32>
    tpu.vector_store %arg6[%swap3A_42], %swap3A_45 {strides = array<i32>} : memref<128xf32, #tpu.memory_space<vmem>>, vector<16xf32>,
    %broadcast_in_dim3A_46 = arith.constant 1.000000e+00 : f32
    %broadcast_in_dim3A_47 = vector.broadcast %broadcast_in_dim3A_46 : f32 to vector<16xf32>
    %swap3A_48 = arith.constant 112 : index
    %swap3A_49 = tpu.vector_load %arg6[%swap3A_48] {strides = array<i32>} : memref<128xf32, #tpu.memory_space<vmem>>, vector<16xf32>,
    %swap3A_50 = vector.shape_cast %swap3A_49 : vector<16xf32> to vector<16xf32>
    %swap3A_51 = vector.shape_cast %broadcast_in_dim3A_47 : vector<16xf32> to vector<16xf32>
    tpu.vector_store %arg6[%swap3A_48], %swap3A_51 {strides = array<i32>} : memref<128xf32, #tpu.memory_space<vmem>>, vector<16xf32>,
    %mul3A_52 = arith.constant 3200 : i32
    %mul3A_53 = arith.muli %arg1, %mul3A_52 : i32
    "tpu.region"() ({
      %run_scoped3A = tpu.sem_alloc : memref<!tpu.dma_semaphore, #tpu.memory_space<semaphore_mem>>
      %dma_start3A = tpu.memref_slice %arg4[%mul3A_53] : memref<51200xf32, #tpu.memory_space<vmem_shared>> -> memref<3200xf32, #tpu.memory_space<vmem_shared>>
      %dma_start3A_79 = tpu.memref_slice %arg4[%mul3A_53] : memref<51200xf32, #tpu.memory_space<vmem_shared>> -> memref<3200xf32, #tpu.memory_space<vmem_shared>>
      tpu.enqueue_dma source(%arg7 : memref<3200xf32, #tpu.memory_space<vmem>>) target(%dma_start3A_79 : memref<3200xf32, #tpu.memory_space<vmem_shared>>) target_semaphore(%run_scoped3A : memref<!tpu.dma_semaphore, #tpu.memory_space<semaphore_mem>>)
      %dma_wait3A = tpu.memref_slice %arg4[%mul3A_53] : memref<51200xf32, #tpu.memory_space<vmem_shared>> -> memref<3200xf32, #tpu.memory_space<vmem_shared>>
      %dma_wait3A_80 = tpu.memref_slice %arg4[%mul3A_53] : memref<51200xf32, #tpu.memory_space<vmem_shared>> -> memref<3200xf32, #tpu.memory_space<vmem_shared>>
      tpu.wait_dma2 semaphore(%run_scoped3A : memref<!tpu.dma_semaphore, #tpu.memory_space<semaphore_mem>>) src(%arg7 : memref<3200xf32, #tpu.memory_space<vmem>>) dst(%dma_wait3A_80 : memref<3200xf32, #tpu.memory_space<vmem_shared>>)
      tpu.yield
    }) : () -> ()
    %barrier3A = arith.constant 0 : index
    tpu.barrier barrier_id(%barrier3A)
    %mul3A_54 = arith.constant 195 : i32
    %mul3A_55 = arith.muli %add3A, %mul3A_54 : i32
    %min3A = arith.constant 10 : i32
    %min3A_56 = arith.minsi %add3A, %min3A : i32
    %add3A_57 = arith.addi %mul3A_55, %min3A_56 : i32
    %lt3A = arith.constant 10 : i32
    %lt3A_58 = arith.cmpi slt, %add3A, %lt3A : i32
    %jit3A = arith.constant 1 : i32
    %jit3A_59 = arith.constant 0 : i32
    %select_n3A = arith.select %lt3A_58, %jit3A, %jit3A_59 : i32
    %add3A_60 = arith.constant 195 : i32
    %add3A_61 = arith.addi %add3A_60, %select_n3A : i32
    %while3A = arith.constant 0 : i32
    %while3A_62 = arith.constant 0 : i32
    %while3A_63 = arith.subi %add3A_61, %while3A_62 : i32
    %while3A_64 = arith.addi %while3A_62, %while3A_63 : i32
    %while3A_65 = arith.constant 1 : i32
    %while3A_66 = arith.divsi %while3A_63, %while3A_65 : i32
    %while3A_67 = arith.muli %while3A_66, %while3A_65 : i32
    %while3A_68 = arith.addi %while3A_62, %while3A_67 : i32
    %while3A_69 = arith.constant 1 : i32
    scf.for %while3A_79 = %while3A_62 to %while3A_68 step %while3A_69  : i32 {
      %add3A_80 = arith.addi %add3A_57, %while3A_79 : i32
      %mul3A_81 = arith.constant 128 : i32
      %mul3A_82 = arith.muli %add3A_80, %mul3A_81 : i32
      "tpu.region"() ({
        %run_scoped3A = tpu.sem_alloc : memref<!tpu.dma_semaphore, #tpu.memory_space<semaphore_mem>>
        %dma_start3A = tpu.memref_slice %arg2[%mul3A_82] : memref<800000xi32, #tpu.memory_space<hbm>> -> memref<128xi32, #tpu.memory_space<hbm>>
        %dma_start3A_83 = tpu.memref_slice %arg2[%mul3A_82] : memref<800000xi32, #tpu.memory_space<hbm>> -> memref<128xi32, #tpu.memory_space<hbm>>
        tpu.enqueue_dma source(%dma_start3A_83 : memref<128xi32, #tpu.memory_space<hbm>>) target(%arg5 : memref<128xi32, #tpu.memory_space<vmem>>) target_semaphore(%run_scoped3A : memref<!tpu.dma_semaphore, #tpu.memory_space<semaphore_mem>>)
        %dma_wait3A = tpu.memref_slice %arg2[%mul3A_82] : memref<800000xi32, #tpu.memory_space<hbm>> -> memref<128xi32, #tpu.memory_space<hbm>>
        %dma_wait3A_84 = tpu.memref_slice %arg2[%mul3A_82] : memref<800000xi32, #tpu.memory_space<hbm>> -> memref<128xi32, #tpu.memory_space<hbm>>
        tpu.wait_dma2 semaphore(%run_scoped3A : memref<!tpu.dma_semaphore, #tpu.memory_space<semaphore_mem>>) src(%dma_wait3A_84 : memref<128xi32, #tpu.memory_space<hbm>>) dst(%arg5 : memref<128xi32, #tpu.memory_space<vmem>>)
        tpu.yield
      }) : () -> ()
      "tpu.region"() ({
        %run_scoped3A = tpu.sem_alloc : memref<!tpu.dma_semaphore, #tpu.memory_space<semaphore_mem>>
        %dma_start3A = arith.constant 0 : i32
        %dma_start3A_83 = tpu.memref_slice %arg4[%dma_start3A] : memref<51200xf32, #tpu.memory_space<vmem_shared>> -> memref<51200xf32, #tpu.memory_space<vmem_shared>>
        tpu.enqueue_indirect_dma source(%arg6 : memref<128xf32, #tpu.memory_space<vmem>>) target(%dma_start3A_83 : memref<51200xf32, #tpu.memory_space<vmem_shared>>) offsets(%arg5 : memref<128xi32, #tpu.memory_space<vmem>>) semaphore(%run_scoped3A : memref<!tpu.dma_semaphore, #tpu.memory_space<semaphore_mem>>) {add = true}
        %dma_wait3A = arith.constant 0 : i32
        %dma_wait3A_84 = tpu.memref_slice %arg4[%dma_wait3A] : memref<51200xf32, #tpu.memory_space<vmem_shared>> -> memref<51200xf32, #tpu.memory_space<vmem_shared>>
        tpu.wait_indirect_dma semaphore(%run_scoped3A : memref<!tpu.dma_semaphore, #tpu.memory_space<semaphore_mem>>) src(%arg6 : memref<128xf32, #tpu.memory_space<vmem>>) dst(%dma_wait3A_84 : memref<51200xf32, #tpu.memory_space<vmem_shared>>)
        tpu.yield
      }) : () -> ()
    }
    %while3A_70 = arith.constant 1 : i32
    scf.for %while3A_79 = %while3A_68 to %while3A_64 step %while3A_70  : i32 {
      %add3A_80 = arith.addi %add3A_57, %while3A_79 : i32
      %mul3A_81 = arith.constant 128 : i32
      %mul3A_82 = arith.muli %add3A_80, %mul3A_81 : i32
      "tpu.region"() ({
        %run_scoped3A = tpu.sem_alloc : memref<!tpu.dma_semaphore, #tpu.memory_space<semaphore_mem>>
        %dma_start3A = tpu.memref_slice %arg2[%mul3A_82] : memref<800000xi32, #tpu.memory_space<hbm>> -> memref<128xi32, #tpu.memory_space<hbm>>
        %dma_start3A_83 = tpu.memref_slice %arg2[%mul3A_82] : memref<800000xi32, #tpu.memory_space<hbm>> -> memref<128xi32, #tpu.memory_space<hbm>>
        tpu.enqueue_dma source(%dma_start3A_83 : memref<128xi32, #tpu.memory_space<hbm>>) target(%arg5 : memref<128xi32, #tpu.memory_space<vmem>>) target_semaphore(%run_scoped3A : memref<!tpu.dma_semaphore, #tpu.memory_space<semaphore_mem>>)
        %dma_wait3A = tpu.memref_slice %arg2[%mul3A_82] : memref<800000xi32, #tpu.memory_space<hbm>> -> memref<128xi32, #tpu.memory_space<hbm>>
        %dma_wait3A_84 = tpu.memref_slice %arg2[%mul3A_82] : memref<800000xi32, #tpu.memory_space<hbm>> -> memref<128xi32, #tpu.memory_space<hbm>>
        tpu.wait_dma2 semaphore(%run_scoped3A : memref<!tpu.dma_semaphore, #tpu.memory_space<semaphore_mem>>) src(%dma_wait3A_84 : memref<128xi32, #tpu.memory_space<hbm>>) dst(%arg5 : memref<128xi32, #tpu.memory_space<vmem>>)
        tpu.yield
      }) : () -> ()
      "tpu.region"() ({
        %run_scoped3A = tpu.sem_alloc : memref<!tpu.dma_semaphore, #tpu.memory_space<semaphore_mem>>
        %dma_start3A = arith.constant 0 : i32
        %dma_start3A_83 = tpu.memref_slice %arg4[%dma_start3A] : memref<51200xf32, #tpu.memory_space<vmem_shared>> -> memref<51200xf32, #tpu.memory_space<vmem_shared>>
        tpu.enqueue_indirect_dma source(%arg6 : memref<128xf32, #tpu.memory_space<vmem>>) target(%dma_start3A_83 : memref<51200xf32, #tpu.memory_space<vmem_shared>>) offsets(%arg5 : memref<128xi32, #tpu.memory_space<vmem>>) semaphore(%run_scoped3A : memref<!tpu.dma_semaphore, #tpu.memory_space<semaphore_mem>>) {add = true}
        %dma_wait3A = arith.constant 0 : i32
        %dma_wait3A_84 = tpu.memref_slice %arg4[%dma_wait3A] : memref<51200xf32, #tpu.memory_space<vmem_shared>> -> memref<51200xf32, #tpu.memory_space<vmem_shared>>
        tpu.wait_indirect_dma semaphore(%run_scoped3A : memref<!tpu.dma_semaphore, #tpu.memory_space<semaphore_mem>>) src(%arg6 : memref<128xf32, #tpu.memory_space<vmem>>) dst(%dma_wait3A_84 : memref<51200xf32, #tpu.memory_space<vmem_shared>>)
        tpu.yield
      }) : () -> ()
    }
    %barrier3A_71 = arith.constant 0 : index
    tpu.barrier barrier_id(%barrier3A_71)
    %mul3A_72 = arith.constant 3200 : i32
    %mul3A_73 = arith.muli %arg1, %mul3A_72 : i32
    "tpu.region"() ({
      %run_scoped3A = tpu.sem_alloc : memref<!tpu.dma_semaphore, #tpu.memory_space<semaphore_mem>>
      %dma_start3A = tpu.memref_slice %arg4[%mul3A_73] : memref<51200xf32, #tpu.memory_space<vmem_shared>> -> memref<3200xf32, #tpu.memory_space<vmem_shared>>
      %dma_start3A_79 = tpu.memref_slice %arg4[%mul3A_73] : memref<51200xf32, #tpu.memory_space<vmem_shared>> -> memref<3200xf32, #tpu.memory_space<vmem_shared>>
      tpu.enqueue_dma source(%dma_start3A_79 : memref<3200xf32, #tpu.memory_space<vmem_shared>>) target(%arg7 : memref<3200xf32, #tpu.memory_space<vmem>>) target_semaphore(%run_scoped3A : memref<!tpu.dma_semaphore, #tpu.memory_space<semaphore_mem>>)
      %dma_wait3A = tpu.memref_slice %arg4[%mul3A_73] : memref<51200xf32, #tpu.memory_space<vmem_shared>> -> memref<3200xf32, #tpu.memory_space<vmem_shared>>
      %dma_wait3A_80 = tpu.memref_slice %arg4[%mul3A_73] : memref<51200xf32, #tpu.memory_space<vmem_shared>> -> memref<3200xf32, #tpu.memory_space<vmem_shared>>
      tpu.wait_dma2 semaphore(%run_scoped3A : memref<!tpu.dma_semaphore, #tpu.memory_space<semaphore_mem>>) src(%dma_wait3A_80 : memref<3200xf32, #tpu.memory_space<vmem_shared>>) dst(%arg7 : memref<3200xf32, #tpu.memory_space<vmem>>)
      tpu.yield
    }) : () -> ()
    %mul3A_74 = arith.constant 51200 : i32
    %mul3A_75 = arith.muli %arg0, %mul3A_74 : i32
    %mul3A_76 = arith.constant 3200 : i32
    %mul3A_77 = arith.muli %arg1, %mul3A_76 : i32
    %add3A_78 = arith.addi %mul3A_75, %mul3A_77 : i32
    "tpu.region"() ({
      %run_scoped3A = tpu.sem_alloc : memref<!tpu.dma_semaphore, #tpu.memory_space<semaphore_mem>>
      %dma_start3A = tpu.memref_slice %arg3[%add3A_78] : memref<102400xf32, #tpu.memory_space<hbm>> -> memref<3200xf32, #tpu.memory_space<hbm>>
      %dma_start3A_79 = tpu.memref_slice %arg3[%add3A_78] : memref<102400xf32, #tpu.memory_space<hbm>> -> memref<3200xf32, #tpu.memory_space<hbm>>
      tpu.enqueue_dma source(%arg7 : memref<3200xf32, #tpu.memory_space<vmem>>) target(%dma_start3A_79 : memref<3200xf32, #tpu.memory_space<hbm>>) target_semaphore(%run_scoped3A : memref<!tpu.dma_semaphore, #tpu.memory_space<semaphore_mem>>)
      %dma_wait3A = tpu.memref_slice %arg3[%add3A_78] : memref<102400xf32, #tpu.memory_space<hbm>> -> memref<3200xf32, #tpu.memory_space<hbm>>
      %dma_wait3A_80 = tpu.memref_slice %arg3[%add3A_78] : memref<102400xf32, #tpu.memory_space<hbm>> -> memref<3200xf32, #tpu.memory_space<hbm>>
      tpu.wait_dma2 semaphore(%run_scoped3A : memref<!tpu.dma_semaphore, #tpu.memory_space<semaphore_mem>>) src(%arg7 : memref<3200xf32, #tpu.memory_space<vmem>>) dst(%dma_wait3A_80 : memref<3200xf32, #tpu.memory_space<hbm>>)
      tpu.yield
    }) : () -> ()
    return
  }
}

#map = affine_map<(d0, d1) -> (0)>
module attributes {stable_mosaic.version = 14 : i64} {
  func.func @_sc_pool_matrix(%arg0: i32, %arg1: i32, %arg2: memref<800000xi32, #tpu.memory_space<hbm>>, %arg3: memref<800000xi32, #tpu.memory_space<hbm>>, %arg4: memref<50000xf32, #tpu.memory_space<hbm>>, %arg5: memref<50000xi32, #tpu.memory_space<hbm>>, %arg6: memref<3200000xf32, #tpu.memory_space<hbm>>, %arg7: memref<1600128xf32, #tpu.memory_space<vmem_shared>>, %arg8: memref<128xi32, #tpu.memory_space<vmem>>, %arg9: memref<128xi32, #tpu.memory_space<vmem>>, %arg10: memref<128xi32, #tpu.memory_space<vmem>>, %arg11: memref<128xi32, #tpu.memory_space<vmem>>, %arg12: memref<128xf32, #tpu.memory_space<vmem>>, %arg13: memref<128xi32, #tpu.memory_space<vmem>>, %arg14: memref<128xi32, #tpu.memory_space<vmem>>, %arg15: memref<128xi32, #tpu.memory_space<vmem>>, %arg16: memref<128xi32, #tpu.memory_space<vmem>>, %arg17: memref<128xf32, #tpu.memory_space<vmem>>, %arg18: memref<2000xf32, #tpu.memory_space<vmem>>, %arg19: memref<!tpu.dma_semaphore, #tpu.memory_space<semaphore_mem>>, %arg20: memref<!tpu.dma_semaphore, #tpu.memory_space<semaphore_mem>>, %arg21: memref<!tpu.dma_semaphore, #tpu.memory_space<semaphore_mem>>, %arg22: memref<!tpu.dma_semaphore, #tpu.memory_space<semaphore_mem>>, %arg23: memref<!tpu.dma_semaphore, #tpu.memory_space<semaphore_mem>>, %arg24: memref<!tpu.dma_semaphore, #tpu.memory_space<semaphore_mem>>) attributes {dimension_semantics = [#tpu.dimension_semantics<core_parallel>, #tpu.dimension_semantics<subcore_parallel>], iteration_bounds = array<i64: 2, 16>, scalar_prefetch = 0 : i64, scratch_operands = 18 : i64, tpu.core_type = #tpu.core_type<sc_vector_subcore>, window_params = [{transform_indices = #map}, {transform_indices = #map}, {transform_indices = #map}, {transform_indices = #map}, {transform_indices = #map}]} {
    %mul3A = arith.constant 16 : i32
    %mul3A_0 = arith.muli %arg0, %mul3A : i32
    %add3A = arith.addi %mul3A_0, %arg1 : i32
    %scan3A = arith.constant 0 : i32
    %scan3A_1 = arith.constant 0 : i32
    %scan3A_2 = arith.constant 125 : i32
    %scan3A_3 = arith.addi %scan3A_1, %scan3A_2 : i32
    %scan3A_4 = arith.constant 1 : i32
    scf.for %scan3A_38 = %scan3A_1 to %scan3A_3 step %scan3A_4  : i32 {
      %broadcast_in_dim3A = arith.constant 0.000000e+00 : f32
      %broadcast_in_dim3A_39 = vector.broadcast %broadcast_in_dim3A : f32 to vector<16xf32>
      %mul3A_40 = arith.constant 16 : i32
      %mul3A_41 = arith.muli %scan3A_38, %mul3A_40 : i32
      %swap3A = arith.index_cast %mul3A_41 : i32 to index
      %swap3A_42 = tpu.vector_load %arg18[%swap3A] {strides = array<i32>} : memref<2000xf32, #tpu.memory_space<vmem>>, vector<16xf32>,
      %swap3A_43 = vector.shape_cast %swap3A_42 : vector<16xf32> to vector<16xf32>
      %swap3A_44 = vector.shape_cast %broadcast_in_dim3A_39 : vector<16xf32> to vector<16xf32>
      tpu.vector_store %arg18[%swap3A], %swap3A_44 {strides = array<i32>} : memref<2000xf32, #tpu.memory_space<vmem>>, vector<16xf32>,
    }
    %scan3A_5 = arith.constant 125 : i32
    %scan3A_6 = arith.constant 0 : i32
    %scan3A_7 = arith.constant 0 : i32
    %scan3A_8 = arith.constant 50 : i32
    %scan3A_9 = arith.addi %scan3A_7, %scan3A_8 : i32
    %scan3A_10 = arith.constant 1 : i32
    scf.for %scan3A_38 = %scan3A_7 to %scan3A_9 step %scan3A_10  : i32 {
      %mul3A_39 = arith.constant 100000 : i32
      %mul3A_40 = arith.muli %arg1, %mul3A_39 : i32
      %mul3A_41 = arith.constant 2000 : i32
      %mul3A_42 = arith.muli %scan3A_38, %mul3A_41 : i32
      %add3A_43 = arith.addi %mul3A_40, %mul3A_42 : i32
      "tpu.region"() ({
        %run_scoped3A = tpu.sem_alloc : memref<!tpu.dma_semaphore, #tpu.memory_space<semaphore_mem>>
        %dma_start3A = tpu.memref_slice %arg7[%add3A_43] : memref<1600128xf32, #tpu.memory_space<vmem_shared>> -> memref<2000xf32, #tpu.memory_space<vmem_shared>>
        %dma_start3A_44 = tpu.memref_slice %arg7[%add3A_43] : memref<1600128xf32, #tpu.memory_space<vmem_shared>> -> memref<2000xf32, #tpu.memory_space<vmem_shared>>
        tpu.enqueue_dma source(%arg18 : memref<2000xf32, #tpu.memory_space<vmem>>) target(%dma_start3A_44 : memref<2000xf32, #tpu.memory_space<vmem_shared>>) target_semaphore(%run_scoped3A : memref<!tpu.dma_semaphore, #tpu.memory_space<semaphore_mem>>)
        %dma_wait3A_45 = tpu.memref_slice %arg7[%add3A_43] : memref<1600128xf32, #tpu.memory_space<vmem_shared>> -> memref<2000xf32, #tpu.memory_space<vmem_shared>>
        %dma_wait3A_46 = tpu.memref_slice %arg7[%add3A_43] : memref<1600128xf32, #tpu.memory_space<vmem_shared>> -> memref<2000xf32, #tpu.memory_space<vmem_shared>>
        tpu.wait_dma2 semaphore(%run_scoped3A : memref<!tpu.dma_semaphore, #tpu.memory_space<semaphore_mem>>) src(%arg18 : memref<2000xf32, #tpu.memory_space<vmem>>) dst(%dma_wait3A_46 : memref<2000xf32, #tpu.memory_space<vmem_shared>>)
        tpu.yield
      }) : () -> ()
    }
    %scan3A_11 = arith.constant 50 : i32
    %eq3A = arith.constant 0 : i32
    %eq3A_12 = arith.cmpi eq, %add3A, %eq3A : i32
    %convert_element_type3A = arith.extui %eq3A_12 : i1 to i32
    %cond3A = arith.constant 0 : i32
    %cond3A_13 = arith.cmpi ne, %convert_element_type3A, %cond3A : i32
    scf.if %cond3A_13 {
      "tpu.region"() ({
        %run_scoped3A = tpu.sem_alloc : memref<!tpu.dma_semaphore, #tpu.memory_space<semaphore_mem>>
        %dma_start3A = arith.constant 0 : i32
        %dma_start3A_38 = tpu.memref_slice %arg18[%dma_start3A] : memref<2000xf32, #tpu.memory_space<vmem>> -> memref<128xf32, #tpu.memory_space<vmem>>
        %dma_start3A_39 = arith.constant 1600000 : i32
        %dma_start3A_40 = tpu.memref_slice %arg7[%dma_start3A_39] : memref<1600128xf32, #tpu.memory_space<vmem_shared>> -> memref<128xf32, #tpu.memory_space<vmem_shared>>
        %dma_start3A_41 = arith.constant 1600000 : i32
        %dma_start3A_42 = tpu.memref_slice %arg7[%dma_start3A_41] : memref<1600128xf32, #tpu.memory_space<vmem_shared>> -> memref<128xf32, #tpu.memory_space<vmem_shared>>
        %dma_start3A_43 = arith.constant 0 : i32
        %dma_start3A_44 = tpu.memref_slice %arg18[%dma_start3A_43] : memref<2000xf32, #tpu.memory_space<vmem>> -> memref<128xf32, #tpu.memory_space<vmem>>
        tpu.enqueue_dma source(%dma_start3A_44 : memref<128xf32, #tpu.memory_space<vmem>>) target(%dma_start3A_42 : memref<128xf32, #tpu.memory_space<vmem_shared>>) target_semaphore(%run_scoped3A : memref<!tpu.dma_semaphore, #tpu.memory_space<semaphore_mem>>)
        %dma_wait3A_45 = arith.constant 0 : i32
        %dma_wait3A_46 = tpu.memref_slice %arg18[%dma_wait3A_45] : memref<2000xf32, #tpu.memory_space<vmem>> -> memref<128xf32, #tpu.memory_space<vmem>>
        %dma_wait3A_47 = arith.constant 1600000 : i32
        %dma_wait3A_48 = tpu.memref_slice %arg7[%dma_wait3A_47] : memref<1600128xf32, #tpu.memory_space<vmem_shared>> -> memref<128xf32, #tpu.memory_space<vmem_shared>>
        %dma_wait3A_49 = arith.constant 1600000 : i32
        %dma_wait3A_50 = tpu.memref_slice %arg7[%dma_wait3A_49] : memref<1600128xf32, #tpu.memory_space<vmem_shared>> -> memref<128xf32, #tpu.memory_space<vmem_shared>>
        %dma_wait3A_51 = arith.constant 0 : i32
        %dma_wait3A_52 = tpu.memref_slice %arg18[%dma_wait3A_51] : memref<2000xf32, #tpu.memory_space<vmem>> -> memref<128xf32, #tpu.memory_space<vmem>>
        tpu.wait_dma2 semaphore(%run_scoped3A : memref<!tpu.dma_semaphore, #tpu.memory_space<semaphore_mem>>) src(%dma_wait3A_52 : memref<128xf32, #tpu.memory_space<vmem>>) dst(%dma_wait3A_50 : memref<128xf32, #tpu.memory_space<vmem_shared>>)
        tpu.yield
      }) : () -> ()
    } else {
    }
    %barrier3A = arith.constant 0 : index
    tpu.barrier barrier_id(%barrier3A)
    %mul3A_14 = arith.constant 25000 : i32
    %mul3A_15 = arith.muli %arg0, %mul3A_14 : i32
    %iota3A = tpu.iota {dimensions = array<i32: 0>} : vector<16xi32>
    %mul3A_16 = arith.constant 390 : i32
    %mul3A_17 = arith.muli %arg1, %mul3A_16 : i32
    %scan3A_18 = arith.constant 0 : i32
    %scan3A_19 = arith.constant 0 : i32
    %scan3A_20 = arith.constant 195 : i32
    %scan3A_21 = arith.addi %scan3A_19, %scan3A_20 : i32
    %scan3A_22 = arith.constant 1 : i32
    scf.for %scan3A_38 = %scan3A_19 to %scan3A_21 step %scan3A_22  : i32 {
      %gt3A = arith.constant 0 : i32
      %gt3A_39 = arith.cmpi sgt, %scan3A_38, %gt3A : i32
      %convert_element_type3A_40 = arith.extui %gt3A_39 : i1 to i32
      %cond3A_41 = arith.constant 0 : i32
      %cond3A_42 = arith.cmpi ne, %convert_element_type3A_40, %cond3A_41 : i32
      scf.if %cond3A_42 {
        %dma_wait3A_511 = arith.constant 0 : i32
        %dma_wait3A_512 = tpu.memref_slice %arg7[%dma_wait3A_511] : memref<1600128xf32, #tpu.memory_space<vmem_shared>> -> memref<1600128xf32, #tpu.memory_space<vmem_shared>>
        tpu.wait_indirect_dma semaphore(%arg23 : memref<!tpu.dma_semaphore, #tpu.memory_space<semaphore_mem>>) src(%arg12 : memref<128xf32, #tpu.memory_space<vmem>>) dst(%dma_wait3A_512 : memref<1600128xf32, #tpu.memory_space<vmem_shared>>)
        %dma_wait3A_513 = arith.constant 0 : i32
        %dma_wait3A_514 = tpu.memref_slice %arg7[%dma_wait3A_513] : memref<1600128xf32, #tpu.memory_space<vmem_shared>> -> memref<1600128xf32, #tpu.memory_space<vmem_shared>>
        tpu.wait_indirect_dma semaphore(%arg24 : memref<!tpu.dma_semaphore, #tpu.memory_space<semaphore_mem>>) src(%arg17 : memref<128xf32, #tpu.memory_space<vmem>>) dst(%dma_wait3A_514 : memref<1600128xf32, #tpu.memory_space<vmem_shared>>)
      } else {
      }
      %mul3A_43 = arith.constant 2 : i32
      %mul3A_44 = arith.muli %scan3A_38, %mul3A_43 : i32
      %add3A_45 = arith.addi %mul3A_17, %mul3A_44 : i32
      %mul3A_46 = arith.constant 128 : i32
      %mul3A_47 = arith.muli %add3A_45, %mul3A_46 : i32
      %add3A_48 = arith.constant 128 : i32
      %add3A_49 = arith.addi %mul3A_47, %add3A_48 : i32
      %dma_start3A = tpu.memref_slice %arg2[%mul3A_47] : memref<800000xi32, #tpu.memory_space<hbm>> -> memref<128xi32, #tpu.memory_space<hbm>>
      %dma_start3A_50 = tpu.memref_slice %arg2[%mul3A_47] : memref<800000xi32, #tpu.memory_space<hbm>> -> memref<128xi32, #tpu.memory_space<hbm>>
      tpu.enqueue_dma source(%dma_start3A_50 : memref<128xi32, #tpu.memory_space<hbm>>) target(%arg8 : memref<128xi32, #tpu.memory_space<vmem>>) target_semaphore(%arg19 : memref<!tpu.dma_semaphore, #tpu.memory_space<semaphore_mem>>)
      %dma_start3A_51 = tpu.memref_slice %arg3[%mul3A_47] : memref<800000xi32, #tpu.memory_space<hbm>> -> memref<128xi32, #tpu.memory_space<hbm>>
      %dma_start3A_52 = tpu.memref_slice %arg3[%mul3A_47] : memref<800000xi32, #tpu.memory_space<hbm>> -> memref<128xi32, #tpu.memory_space<hbm>>
      tpu.enqueue_dma source(%dma_start3A_52 : memref<128xi32, #tpu.memory_space<hbm>>) target(%arg9 : memref<128xi32, #tpu.memory_space<vmem>>) target_semaphore(%arg19 : memref<!tpu.dma_semaphore, #tpu.memory_space<semaphore_mem>>)
      %dma_start3A_53 = tpu.memref_slice %arg2[%add3A_49] : memref<800000xi32, #tpu.memory_space<hbm>> -> memref<128xi32, #tpu.memory_space<hbm>>
      %dma_start3A_54 = tpu.memref_slice %arg2[%add3A_49] : memref<800000xi32, #tpu.memory_space<hbm>> -> memref<128xi32, #tpu.memory_space<hbm>>
      tpu.enqueue_dma source(%dma_start3A_54 : memref<128xi32, #tpu.memory_space<hbm>>) target(%arg13 : memref<128xi32, #tpu.memory_space<vmem>>) target_semaphore(%arg20 : memref<!tpu.dma_semaphore, #tpu.memory_space<semaphore_mem>>)
      %dma_start3A_55 = tpu.memref_slice %arg3[%add3A_49] : memref<800000xi32, #tpu.memory_space<hbm>> -> memref<128xi32, #tpu.memory_space<hbm>>
      %dma_start3A_56 = tpu.memref_slice %arg3[%add3A_49] : memref<800000xi32, #tpu.memory_space<hbm>> -> memref<128xi32, #tpu.memory_space<hbm>>
      tpu.enqueue_dma source(%dma_start3A_56 : memref<128xi32, #tpu.memory_space<hbm>>) target(%arg14 : memref<128xi32, #tpu.memory_space<vmem>>) target_semaphore(%arg20 : memref<!tpu.dma_semaphore, #tpu.memory_space<semaphore_mem>>)
      %dma_wait3A_57 = tpu.memref_slice %arg2[%mul3A_47] : memref<800000xi32, #tpu.memory_space<hbm>> -> memref<128xi32, #tpu.memory_space<hbm>>
      %dma_wait3A_58 = tpu.memref_slice %arg2[%mul3A_47] : memref<800000xi32, #tpu.memory_space<hbm>> -> memref<128xi32, #tpu.memory_space<hbm>>
      tpu.wait_dma2 semaphore(%arg19 : memref<!tpu.dma_semaphore, #tpu.memory_space<semaphore_mem>>) src(%dma_wait3A_58 : memref<128xi32, #tpu.memory_space<hbm>>) dst(%arg8 : memref<128xi32, #tpu.memory_space<vmem>>)
      %dma_wait3A_59 = tpu.memref_slice %arg3[%mul3A_47] : memref<800000xi32, #tpu.memory_space<hbm>> -> memref<128xi32, #tpu.memory_space<hbm>>
      %dma_wait3A_60 = tpu.memref_slice %arg3[%mul3A_47] : memref<800000xi32, #tpu.memory_space<hbm>> -> memref<128xi32, #tpu.memory_space<hbm>>
      tpu.wait_dma2 semaphore(%arg19 : memref<!tpu.dma_semaphore, #tpu.memory_space<semaphore_mem>>) src(%dma_wait3A_60 : memref<128xi32, #tpu.memory_space<hbm>>) dst(%arg9 : memref<128xi32, #tpu.memory_space<vmem>>)
      %dma_start3A_61 = arith.constant 0 : i32
      %dma_start3A_62 = tpu.memref_slice %arg4[%dma_start3A_61] : memref<50000xf32, #tpu.memory_space<hbm>> -> memref<50000xf32, #tpu.memory_space<hbm>>
      tpu.enqueue_indirect_dma source(%dma_start3A_62 : memref<50000xf32, #tpu.memory_space<hbm>>) target(%arg12 : memref<128xf32, #tpu.memory_space<vmem>>) offsets(%arg9 : memref<128xi32, #tpu.memory_space<vmem>>) semaphore(%arg21 : memref<!tpu.dma_semaphore, #tpu.memory_space<semaphore_mem>>)
      %dma_start3A_63 = arith.constant 0 : i32
      %dma_start3A_64 = tpu.memref_slice %arg5[%dma_start3A_63] : memref<50000xi32, #tpu.memory_space<hbm>> -> memref<50000xi32, #tpu.memory_space<hbm>>
      tpu.enqueue_indirect_dma source(%dma_start3A_64 : memref<50000xi32, #tpu.memory_space<hbm>>) target(%arg10 : memref<128xi32, #tpu.memory_space<vmem>>) offsets(%arg9 : memref<128xi32, #tpu.memory_space<vmem>>) semaphore(%arg21 : memref<!tpu.dma_semaphore, #tpu.memory_space<semaphore_mem>>)
      %dma_wait3A_65 = tpu.memref_slice %arg2[%add3A_49] : memref<800000xi32, #tpu.memory_space<hbm>> -> memref<128xi32, #tpu.memory_space<hbm>>
      %dma_wait3A_66 = tpu.memref_slice %arg2[%add3A_49] : memref<800000xi32, #tpu.memory_space<hbm>> -> memref<128xi32, #tpu.memory_space<hbm>>
      tpu.wait_dma2 semaphore(%arg20 : memref<!tpu.dma_semaphore, #tpu.memory_space<semaphore_mem>>) src(%dma_wait3A_66 : memref<128xi32, #tpu.memory_space<hbm>>) dst(%arg13 : memref<128xi32, #tpu.memory_space<vmem>>)
      %dma_wait3A_67 = tpu.memref_slice %arg3[%add3A_49] : memref<800000xi32, #tpu.memory_space<hbm>> -> memref<128xi32, #tpu.memory_space<hbm>>
      %dma_wait3A_68 = tpu.memref_slice %arg3[%add3A_49] : memref<800000xi32, #tpu.memory_space<hbm>> -> memref<128xi32, #tpu.memory_space<hbm>>
      tpu.wait_dma2 semaphore(%arg20 : memref<!tpu.dma_semaphore, #tpu.memory_space<semaphore_mem>>) src(%dma_wait3A_68 : memref<128xi32, #tpu.memory_space<hbm>>) dst(%arg14 : memref<128xi32, #tpu.memory_space<vmem>>)
      %dma_start3A_69 = arith.constant 0 : i32
      %dma_start3A_70 = tpu.memref_slice %arg4[%dma_start3A_69] : memref<50000xf32, #tpu.memory_space<hbm>> -> memref<50000xf32, #tpu.memory_space<hbm>>
      tpu.enqueue_indirect_dma source(%dma_start3A_70 : memref<50000xf32, #tpu.memory_space<hbm>>) target(%arg17 : memref<128xf32, #tpu.memory_space<vmem>>) offsets(%arg14 : memref<128xi32, #tpu.memory_space<vmem>>) semaphore(%arg22 : memref<!tpu.dma_semaphore, #tpu.memory_space<semaphore_mem>>)
      %dma_start3A_71 = arith.constant 0 : i32
      %dma_start3A_72 = tpu.memref_slice %arg5[%dma_start3A_71] : memref<50000xi32, #tpu.memory_space<hbm>> -> memref<50000xi32, #tpu.memory_space<hbm>>
      tpu.enqueue_indirect_dma source(%dma_start3A_72 : memref<50000xi32, #tpu.memory_space<hbm>>) target(%arg15 : memref<128xi32, #tpu.memory_space<vmem>>) offsets(%arg14 : memref<128xi32, #tpu.memory_space<vmem>>) semaphore(%arg22 : memref<!tpu.dma_semaphore, #tpu.memory_space<semaphore_mem>>)
      %dma_wait3A_73 = arith.constant 0 : i32
      %dma_wait3A_74 = tpu.memref_slice %arg4[%dma_wait3A_73] : memref<50000xf32, #tpu.memory_space<hbm>> -> memref<50000xf32, #tpu.memory_space<hbm>>
      tpu.wait_indirect_dma semaphore(%arg21 : memref<!tpu.dma_semaphore, #tpu.memory_space<semaphore_mem>>) src(%dma_wait3A_74 : memref<50000xf32, #tpu.memory_space<hbm>>) dst(%arg12 : memref<128xf32, #tpu.memory_space<vmem>>)
      %dma_wait3A_75 = arith.constant 0 : i32
      %dma_wait3A_76 = tpu.memref_slice %arg5[%dma_wait3A_75] : memref<50000xi32, #tpu.memory_space<hbm>> -> memref<50000xi32, #tpu.memory_space<hbm>>
      tpu.wait_indirect_dma semaphore(%arg21 : memref<!tpu.dma_semaphore, #tpu.memory_space<semaphore_mem>>) src(%dma_wait3A_76 : memref<50000xi32, #tpu.memory_space<hbm>>) dst(%arg10 : memref<128xi32, #tpu.memory_space<vmem>>)
      %get3A = arith.constant 0 : index
      %get3A_77 = tpu.vector_load %arg10[%get3A] {strides = array<i32>} : memref<128xi32, #tpu.memory_space<vmem>>, vector<16xi32>,
      %get3A_78 = vector.shape_cast %get3A_77 : vector<16xi32> to vector<16xi32>
      %get3A_79 = arith.constant 0 : index
      %get3A_80 = tpu.vector_load %arg8[%get3A_79] {strides = array<i32>} : memref<128xi32, #tpu.memory_space<vmem>>, vector<16xi32>,
      %get3A_81 = vector.shape_cast %get3A_80 : vector<16xi32> to vector<16xi32>
      %sub3A = vector.broadcast %mul3A_15 : i32 to vector<16xi32>
      %sub3A_82 = arith.subi %get3A_81, %sub3A : vector<16xi32>
      %ge3A = arith.constant 0 : i32
      %ge3A_83 = vector.broadcast %ge3A : i32 to vector<16xi32>
      %ge3A_84 = arith.cmpi sge, %sub3A_82, %ge3A_83 : vector<16xi32>
      %lt3A_85 = arith.constant 25000 : i32
      %lt3A_86 = vector.broadcast %lt3A_85 : i32 to vector<16xi32>
      %lt3A_87 = arith.cmpi slt, %sub3A_82, %lt3A_86 : vector<16xi32>
      %and3A = arith.andi %ge3A_84, %lt3A_87 : vector<16xi1>
      %mul3A_88 = arith.constant 64 : i32
      %mul3A_89 = vector.broadcast %mul3A_88 : i32 to vector<16xi32>
      %mul3A_90 = arith.muli %sub3A_82, %mul3A_89 : vector<16xi32>
      %add3A_91 = arith.addi %mul3A_90, %get3A_78 : vector<16xi32>
      %add3A_92 = arith.constant 1600000 : i32
      %add3A_93 = vector.broadcast %add3A_92 : i32 to vector<16xi32>
      %add3A_94 = arith.addi %add3A_93, %iota3A : vector<16xi32>
      %select_n3A = arith.select %and3A, %add3A_91, %add3A_94 : vector<16xi1>, vector<16xi32>
      %swap3A = arith.constant 0 : index
      %swap3A_95 = tpu.vector_load %arg11[%swap3A] {strides = array<i32>} : memref<128xi32, #tpu.memory_space<vmem>>, vector<16xi32>,
      %swap3A_96 = vector.shape_cast %swap3A_95 : vector<16xi32> to vector<16xi32>
      %swap3A_97 = vector.shape_cast %select_n3A : vector<16xi32> to vector<16xi32>
      tpu.vector_store %arg11[%swap3A], %swap3A_97 {strides = array<i32>} : memref<128xi32, #tpu.memory_space<vmem>>, vector<16xi32>,
      %get3A_98 = arith.constant 16 : index
      %get3A_99 = tpu.vector_load %arg10[%get3A_98] {strides = array<i32>} : memref<128xi32, #tpu.memory_space<vmem>>, vector<16xi32>,
      %get3A_100 = vector.shape_cast %get3A_99 : vector<16xi32> to vector<16xi32>
      %get3A_101 = arith.constant 16 : index
      %get3A_102 = tpu.vector_load %arg8[%get3A_101] {strides = array<i32>} : memref<128xi32, #tpu.memory_space<vmem>>, vector<16xi32>,
      %get3A_103 = vector.shape_cast %get3A_102 : vector<16xi32> to vector<16xi32>
      %sub3A_104 = vector.broadcast %mul3A_15 : i32 to vector<16xi32>
      %sub3A_105 = arith.subi %get3A_103, %sub3A_104 : vector<16xi32>
      %ge3A_106 = arith.constant 0 : i32
      %ge3A_107 = vector.broadcast %ge3A_106 : i32 to vector<16xi32>
      %ge3A_108 = arith.cmpi sge, %sub3A_105, %ge3A_107 : vector<16xi32>
      %lt3A_109 = arith.constant 25000 : i32
      %lt3A_110 = vector.broadcast %lt3A_109 : i32 to vector<16xi32>
      %lt3A_111 = arith.cmpi slt, %sub3A_105, %lt3A_110 : vector<16xi32>
      %and3A_112 = arith.andi %ge3A_108, %lt3A_111 : vector<16xi1>
      %mul3A_113 = arith.constant 64 : i32
      %mul3A_114 = vector.broadcast %mul3A_113 : i32 to vector<16xi32>
      %mul3A_115 = arith.muli %sub3A_105, %mul3A_114 : vector<16xi32>
      %add3A_116 = arith.addi %mul3A_115, %get3A_100 : vector<16xi32>
      %add3A_117 = arith.constant 1600000 : i32
      %add3A_118 = vector.broadcast %add3A_117 : i32 to vector<16xi32>
      %add3A_119 = arith.addi %add3A_118, %iota3A : vector<16xi32>
      %select_n3A_120 = arith.select %and3A_112, %add3A_116, %add3A_119 : vector<16xi1>, vector<16xi32>
      %swap3A_121 = arith.constant 16 : index
      %swap3A_122 = tpu.vector_load %arg11[%swap3A_121] {strides = array<i32>} : memref<128xi32, #tpu.memory_space<vmem>>, vector<16xi32>,
      %swap3A_123 = vector.shape_cast %swap3A_122 : vector<16xi32> to vector<16xi32>
      %swap3A_124 = vector.shape_cast %select_n3A_120 : vector<16xi32> to vector<16xi32>
      tpu.vector_store %arg11[%swap3A_121], %swap3A_124 {strides = array<i32>} : memref<128xi32, #tpu.memory_space<vmem>>, vector<16xi32>,
      %get3A_125 = arith.constant 32 : index
      %get3A_126 = tpu.vector_load %arg10[%get3A_125] {strides = array<i32>} : memref<128xi32, #tpu.memory_space<vmem>>, vector<16xi32>,
      %get3A_127 = vector.shape_cast %get3A_126 : vector<16xi32> to vector<16xi32>
      %get3A_128 = arith.constant 32 : index
      %get3A_129 = tpu.vector_load %arg8[%get3A_128] {strides = array<i32>} : memref<128xi32, #tpu.memory_space<vmem>>, vector<16xi32>,
      %get3A_130 = vector.shape_cast %get3A_129 : vector<16xi32> to vector<16xi32>
      %sub3A_131 = vector.broadcast %mul3A_15 : i32 to vector<16xi32>
      %sub3A_132 = arith.subi %get3A_130, %sub3A_131 : vector<16xi32>
      %ge3A_133 = arith.constant 0 : i32
      %ge3A_134 = vector.broadcast %ge3A_133 : i32 to vector<16xi32>
      %ge3A_135 = arith.cmpi sge, %sub3A_132, %ge3A_134 : vector<16xi32>
      %lt3A_136 = arith.constant 25000 : i32
      %lt3A_137 = vector.broadcast %lt3A_136 : i32 to vector<16xi32>
      %lt3A_138 = arith.cmpi slt, %sub3A_132, %lt3A_137 : vector<16xi32>
      %and3A_139 = arith.andi %ge3A_135, %lt3A_138 : vector<16xi1>
      %mul3A_140 = arith.constant 64 : i32
      %mul3A_141 = vector.broadcast %mul3A_140 : i32 to vector<16xi32>
      %mul3A_142 = arith.muli %sub3A_132, %mul3A_141 : vector<16xi32>
      %add3A_143 = arith.addi %mul3A_142, %get3A_127 : vector<16xi32>
      %add3A_144 = arith.constant 1600000 : i32
      %add3A_145 = vector.broadcast %add3A_144 : i32 to vector<16xi32>
      %add3A_146 = arith.addi %add3A_145, %iota3A : vector<16xi32>
      %select_n3A_147 = arith.select %and3A_139, %add3A_143, %add3A_146 : vector<16xi1>, vector<16xi32>
      %swap3A_148 = arith.constant 32 : index
      %swap3A_149 = tpu.vector_load %arg11[%swap3A_148] {strides = array<i32>} : memref<128xi32, #tpu.memory_space<vmem>>, vector<16xi32>,
      %swap3A_150 = vector.shape_cast %swap3A_149 : vector<16xi32> to vector<16xi32>
      %swap3A_151 = vector.shape_cast %select_n3A_147 : vector<16xi32> to vector<16xi32>
      tpu.vector_store %arg11[%swap3A_148], %swap3A_151 {strides = array<i32>} : memref<128xi32, #tpu.memory_space<vmem>>, vector<16xi32>,
      %get3A_152 = arith.constant 48 : index
      %get3A_153 = tpu.vector_load %arg10[%get3A_152] {strides = array<i32>} : memref<128xi32, #tpu.memory_space<vmem>>, vector<16xi32>,
      %get3A_154 = vector.shape_cast %get3A_153 : vector<16xi32> to vector<16xi32>
      %get3A_155 = arith.constant 48 : index
      %get3A_156 = tpu.vector_load %arg8[%get3A_155] {strides = array<i32>} : memref<128xi32, #tpu.memory_space<vmem>>, vector<16xi32>,
      %get3A_157 = vector.shape_cast %get3A_156 : vector<16xi32> to vector<16xi32>
      %sub3A_158 = vector.broadcast %mul3A_15 : i32 to vector<16xi32>
      %sub3A_159 = arith.subi %get3A_157, %sub3A_158 : vector<16xi32>
      %ge3A_160 = arith.constant 0 : i32
      %ge3A_161 = vector.broadcast %ge3A_160 : i32 to vector<16xi32>
      %ge3A_162 = arith.cmpi sge, %sub3A_159, %ge3A_161 : vector<16xi32>
      %lt3A_163 = arith.constant 25000 : i32
      %lt3A_164 = vector.broadcast %lt3A_163 : i32 to vector<16xi32>
      %lt3A_165 = arith.cmpi slt, %sub3A_159, %lt3A_164 : vector<16xi32>
      %and3A_166 = arith.andi %ge3A_162, %lt3A_165 : vector<16xi1>
      %mul3A_167 = arith.constant 64 : i32
      %mul3A_168 = vector.broadcast %mul3A_167 : i32 to vector<16xi32>
      %mul3A_169 = arith.muli %sub3A_159, %mul3A_168 : vector<16xi32>
      %add3A_170 = arith.addi %mul3A_169, %get3A_154 : vector<16xi32>
      %add3A_171 = arith.constant 1600000 : i32
      %add3A_172 = vector.broadcast %add3A_171 : i32 to vector<16xi32>
      %add3A_173 = arith.addi %add3A_172, %iota3A : vector<16xi32>
      %select_n3A_174 = arith.select %and3A_166, %add3A_170, %add3A_173 : vector<16xi1>, vector<16xi32>
      %swap3A_175 = arith.constant 48 : index
      %swap3A_176 = tpu.vector_load %arg11[%swap3A_175] {strides = array<i32>} : memref<128xi32, #tpu.memory_space<vmem>>, vector<16xi32>,
      %swap3A_177 = vector.shape_cast %swap3A_176 : vector<16xi32> to vector<16xi32>
      %swap3A_178 = vector.shape_cast %select_n3A_174 : vector<16xi32> to vector<16xi32>
      tpu.vector_store %arg11[%swap3A_175], %swap3A_178 {strides = array<i32>} : memref<128xi32, #tpu.memory_space<vmem>>, vector<16xi32>,
      %get3A_179 = arith.constant 64 : index
      %get3A_180 = tpu.vector_load %arg10[%get3A_179] {strides = array<i32>} : memref<128xi32, #tpu.memory_space<vmem>>, vector<16xi32>,
      %get3A_181 = vector.shape_cast %get3A_180 : vector<16xi32> to vector<16xi32>
      %get3A_182 = arith.constant 64 : index
      %get3A_183 = tpu.vector_load %arg8[%get3A_182] {strides = array<i32>} : memref<128xi32, #tpu.memory_space<vmem>>, vector<16xi32>,
      %get3A_184 = vector.shape_cast %get3A_183 : vector<16xi32> to vector<16xi32>
      %sub3A_185 = vector.broadcast %mul3A_15 : i32 to vector<16xi32>
      %sub3A_186 = arith.subi %get3A_184, %sub3A_185 : vector<16xi32>
      %ge3A_187 = arith.constant 0 : i32
      %ge3A_188 = vector.broadcast %ge3A_187 : i32 to vector<16xi32>
      %ge3A_189 = arith.cmpi sge, %sub3A_186, %ge3A_188 : vector<16xi32>
      %lt3A_190 = arith.constant 25000 : i32
      %lt3A_191 = vector.broadcast %lt3A_190 : i32 to vector<16xi32>
      %lt3A_192 = arith.cmpi slt, %sub3A_186, %lt3A_191 : vector<16xi32>
      %and3A_193 = arith.andi %ge3A_189, %lt3A_192 : vector<16xi1>
      %mul3A_194 = arith.constant 64 : i32
      %mul3A_195 = vector.broadcast %mul3A_194 : i32 to vector<16xi32>
      %mul3A_196 = arith.muli %sub3A_186, %mul3A_195 : vector<16xi32>
      %add3A_197 = arith.addi %mul3A_196, %get3A_181 : vector<16xi32>
      %add3A_198 = arith.constant 1600000 : i32
      %add3A_199 = vector.broadcast %add3A_198 : i32 to vector<16xi32>
      %add3A_200 = arith.addi %add3A_199, %iota3A : vector<16xi32>
      %select_n3A_201 = arith.select %and3A_193, %add3A_197, %add3A_200 : vector<16xi1>, vector<16xi32>
      %swap3A_202 = arith.constant 64 : index
      %swap3A_203 = tpu.vector_load %arg11[%swap3A_202] {strides = array<i32>} : memref<128xi32, #tpu.memory_space<vmem>>, vector<16xi32>,
      %swap3A_204 = vector.shape_cast %swap3A_203 : vector<16xi32> to vector<16xi32>
      %swap3A_205 = vector.shape_cast %select_n3A_201 : vector<16xi32> to vector<16xi32>
      tpu.vector_store %arg11[%swap3A_202], %swap3A_205 {strides = array<i32>} : memref<128xi32, #tpu.memory_space<vmem>>, vector<16xi32>,
      %get3A_206 = arith.constant 80 : index
      %get3A_207 = tpu.vector_load %arg10[%get3A_206] {strides = array<i32>} : memref<128xi32, #tpu.memory_space<vmem>>, vector<16xi32>,
      %get3A_208 = vector.shape_cast %get3A_207 : vector<16xi32> to vector<16xi32>
      %get3A_209 = arith.constant 80 : index
      %get3A_210 = tpu.vector_load %arg8[%get3A_209] {strides = array<i32>} : memref<128xi32, #tpu.memory_space<vmem>>, vector<16xi32>,
      %get3A_211 = vector.shape_cast %get3A_210 : vector<16xi32> to vector<16xi32>
      %sub3A_212 = vector.broadcast %mul3A_15 : i32 to vector<16xi32>
      %sub3A_213 = arith.subi %get3A_211, %sub3A_212 : vector<16xi32>
      %ge3A_214 = arith.constant 0 : i32
      %ge3A_215 = vector.broadcast %ge3A_214 : i32 to vector<16xi32>
      %ge3A_216 = arith.cmpi sge, %sub3A_213, %ge3A_215 : vector<16xi32>
      %lt3A_217 = arith.constant 25000 : i32
      %lt3A_218 = vector.broadcast %lt3A_217 : i32 to vector<16xi32>
      %lt3A_219 = arith.cmpi slt, %sub3A_213, %lt3A_218 : vector<16xi32>
      %and3A_220 = arith.andi %ge3A_216, %lt3A_219 : vector<16xi1>
      %mul3A_221 = arith.constant 64 : i32
      %mul3A_222 = vector.broadcast %mul3A_221 : i32 to vector<16xi32>
      %mul3A_223 = arith.muli %sub3A_213, %mul3A_222 : vector<16xi32>
      %add3A_224 = arith.addi %mul3A_223, %get3A_208 : vector<16xi32>
      %add3A_225 = arith.constant 1600000 : i32
      %add3A_226 = vector.broadcast %add3A_225 : i32 to vector<16xi32>
      %add3A_227 = arith.addi %add3A_226, %iota3A : vector<16xi32>
      %select_n3A_228 = arith.select %and3A_220, %add3A_224, %add3A_227 : vector<16xi1>, vector<16xi32>
      %swap3A_229 = arith.constant 80 : index
      %swap3A_230 = tpu.vector_load %arg11[%swap3A_229] {strides = array<i32>} : memref<128xi32, #tpu.memory_space<vmem>>, vector<16xi32>,
      %swap3A_231 = vector.shape_cast %swap3A_230 : vector<16xi32> to vector<16xi32>
      %swap3A_232 = vector.shape_cast %select_n3A_228 : vector<16xi32> to vector<16xi32>
      tpu.vector_store %arg11[%swap3A_229], %swap3A_232 {strides = array<i32>} : memref<128xi32, #tpu.memory_space<vmem>>, vector<16xi32>,
      %get3A_233 = arith.constant 96 : index
      %get3A_234 = tpu.vector_load %arg10[%get3A_233] {strides = array<i32>} : memref<128xi32, #tpu.memory_space<vmem>>, vector<16xi32>,
      %get3A_235 = vector.shape_cast %get3A_234 : vector<16xi32> to vector<16xi32>
      %get3A_236 = arith.constant 96 : index
      %get3A_237 = tpu.vector_load %arg8[%get3A_236] {strides = array<i32>} : memref<128xi32, #tpu.memory_space<vmem>>, vector<16xi32>,
      %get3A_238 = vector.shape_cast %get3A_237 : vector<16xi32> to vector<16xi32>
      %sub3A_239 = vector.broadcast %mul3A_15 : i32 to vector<16xi32>
      %sub3A_240 = arith.subi %get3A_238, %sub3A_239 : vector<16xi32>
      %ge3A_241 = arith.constant 0 : i32
      %ge3A_242 = vector.broadcast %ge3A_241 : i32 to vector<16xi32>
      %ge3A_243 = arith.cmpi sge, %sub3A_240, %ge3A_242 : vector<16xi32>
      %lt3A_244 = arith.constant 25000 : i32
      %lt3A_245 = vector.broadcast %lt3A_244 : i32 to vector<16xi32>
      %lt3A_246 = arith.cmpi slt, %sub3A_240, %lt3A_245 : vector<16xi32>
      %and3A_247 = arith.andi %ge3A_243, %lt3A_246 : vector<16xi1>
      %mul3A_248 = arith.constant 64 : i32
      %mul3A_249 = vector.broadcast %mul3A_248 : i32 to vector<16xi32>
      %mul3A_250 = arith.muli %sub3A_240, %mul3A_249 : vector<16xi32>
      %add3A_251 = arith.addi %mul3A_250, %get3A_235 : vector<16xi32>
      %add3A_252 = arith.constant 1600000 : i32
      %add3A_253 = vector.broadcast %add3A_252 : i32 to vector<16xi32>
      %add3A_254 = arith.addi %add3A_253, %iota3A : vector<16xi32>
      %select_n3A_255 = arith.select %and3A_247, %add3A_251, %add3A_254 : vector<16xi1>, vector<16xi32>
      %swap3A_256 = arith.constant 96 : index
      %swap3A_257 = tpu.vector_load %arg11[%swap3A_256] {strides = array<i32>} : memref<128xi32, #tpu.memory_space<vmem>>, vector<16xi32>,
      %swap3A_258 = vector.shape_cast %swap3A_257 : vector<16xi32> to vector<16xi32>
      %swap3A_259 = vector.shape_cast %select_n3A_255 : vector<16xi32> to vector<16xi32>
      tpu.vector_store %arg11[%swap3A_256], %swap3A_259 {strides = array<i32>} : memref<128xi32, #tpu.memory_space<vmem>>, vector<16xi32>,
      %get3A_260 = arith.constant 112 : index
      %get3A_261 = tpu.vector_load %arg10[%get3A_260] {strides = array<i32>} : memref<128xi32, #tpu.memory_space<vmem>>, vector<16xi32>,
      %get3A_262 = vector.shape_cast %get3A_261 : vector<16xi32> to vector<16xi32>
      %get3A_263 = arith.constant 112 : index
      %get3A_264 = tpu.vector_load %arg8[%get3A_263] {strides = array<i32>} : memref<128xi32, #tpu.memory_space<vmem>>, vector<16xi32>,
      %get3A_265 = vector.shape_cast %get3A_264 : vector<16xi32> to vector<16xi32>
      %sub3A_266 = vector.broadcast %mul3A_15 : i32 to vector<16xi32>
      %sub3A_267 = arith.subi %get3A_265, %sub3A_266 : vector<16xi32>
      %ge3A_268 = arith.constant 0 : i32
      %ge3A_269 = vector.broadcast %ge3A_268 : i32 to vector<16xi32>
      %ge3A_270 = arith.cmpi sge, %sub3A_267, %ge3A_269 : vector<16xi32>
      %lt3A_271 = arith.constant 25000 : i32
      %lt3A_272 = vector.broadcast %lt3A_271 : i32 to vector<16xi32>
      %lt3A_273 = arith.cmpi slt, %sub3A_267, %lt3A_272 : vector<16xi32>
      %and3A_274 = arith.andi %ge3A_270, %lt3A_273 : vector<16xi1>
      %mul3A_275 = arith.constant 64 : i32
      %mul3A_276 = vector.broadcast %mul3A_275 : i32 to vector<16xi32>
      %mul3A_277 = arith.muli %sub3A_267, %mul3A_276 : vector<16xi32>
      %add3A_278 = arith.addi %mul3A_277, %get3A_262 : vector<16xi32>
      %add3A_279 = arith.constant 1600000 : i32
      %add3A_280 = vector.broadcast %add3A_279 : i32 to vector<16xi32>
      %add3A_281 = arith.addi %add3A_280, %iota3A : vector<16xi32>
      %select_n3A_282 = arith.select %and3A_274, %add3A_278, %add3A_281 : vector<16xi1>, vector<16xi32>
      %swap3A_283 = arith.constant 112 : index
      %swap3A_284 = tpu.vector_load %arg11[%swap3A_283] {strides = array<i32>} : memref<128xi32, #tpu.memory_space<vmem>>, vector<16xi32>,
      %swap3A_285 = vector.shape_cast %swap3A_284 : vector<16xi32> to vector<16xi32>
      %swap3A_286 = vector.shape_cast %select_n3A_282 : vector<16xi32> to vector<16xi32>
      tpu.vector_store %arg11[%swap3A_283], %swap3A_286 {strides = array<i32>} : memref<128xi32, #tpu.memory_space<vmem>>, vector<16xi32>,
      %dma_start3A_287 = arith.constant 0 : i32
      %dma_start3A_288 = tpu.memref_slice %arg7[%dma_start3A_287] : memref<1600128xf32, #tpu.memory_space<vmem_shared>> -> memref<1600128xf32, #tpu.memory_space<vmem_shared>>
      tpu.enqueue_indirect_dma source(%arg12 : memref<128xf32, #tpu.memory_space<vmem>>) target(%dma_start3A_288 : memref<1600128xf32, #tpu.memory_space<vmem_shared>>) offsets(%arg11 : memref<128xi32, #tpu.memory_space<vmem>>) semaphore(%arg23 : memref<!tpu.dma_semaphore, #tpu.memory_space<semaphore_mem>>) {add = true}
      %dma_wait3A_289 = arith.constant 0 : i32
      %dma_wait3A_290 = tpu.memref_slice %arg4[%dma_wait3A_289] : memref<50000xf32, #tpu.memory_space<hbm>> -> memref<50000xf32, #tpu.memory_space<hbm>>
      tpu.wait_indirect_dma semaphore(%arg22 : memref<!tpu.dma_semaphore, #tpu.memory_space<semaphore_mem>>) src(%dma_wait3A_290 : memref<50000xf32, #tpu.memory_space<hbm>>) dst(%arg17 : memref<128xf32, #tpu.memory_space<vmem>>)
      %dma_wait3A_291 = arith.constant 0 : i32
      %dma_wait3A_292 = tpu.memref_slice %arg5[%dma_wait3A_291] : memref<50000xi32, #tpu.memory_space<hbm>> -> memref<50000xi32, #tpu.memory_space<hbm>>
      tpu.wait_indirect_dma semaphore(%arg22 : memref<!tpu.dma_semaphore, #tpu.memory_space<semaphore_mem>>) src(%dma_wait3A_292 : memref<50000xi32, #tpu.memory_space<hbm>>) dst(%arg15 : memref<128xi32, #tpu.memory_space<vmem>>)
      %get3A_293 = arith.constant 0 : index
      %get3A_294 = tpu.vector_load %arg15[%get3A_293] {strides = array<i32>} : memref<128xi32, #tpu.memory_space<vmem>>, vector<16xi32>,
      %get3A_295 = vector.shape_cast %get3A_294 : vector<16xi32> to vector<16xi32>
      %get3A_296 = arith.constant 0 : index
      %get3A_297 = tpu.vector_load %arg13[%get3A_296] {strides = array<i32>} : memref<128xi32, #tpu.memory_space<vmem>>, vector<16xi32>,
      %get3A_298 = vector.shape_cast %get3A_297 : vector<16xi32> to vector<16xi32>
      %sub3A_299 = vector.broadcast %mul3A_15 : i32 to vector<16xi32>
      %sub3A_300 = arith.subi %get3A_298, %sub3A_299 : vector<16xi32>
      %ge3A_301 = arith.constant 0 : i32
      %ge3A_302 = vector.broadcast %ge3A_301 : i32 to vector<16xi32>
      %ge3A_303 = arith.cmpi sge, %sub3A_300, %ge3A_302 : vector<16xi32>
      %lt3A_304 = arith.constant 25000 : i32
      %lt3A_305 = vector.broadcast %lt3A_304 : i32 to vector<16xi32>
      %lt3A_306 = arith.cmpi slt, %sub3A_300, %lt3A_305 : vector<16xi32>
      %and3A_307 = arith.andi %ge3A_303, %lt3A_306 : vector<16xi1>
      %mul3A_308 = arith.constant 64 : i32
      %mul3A_309 = vector.broadcast %mul3A_308 : i32 to vector<16xi32>
      %mul3A_310 = arith.muli %sub3A_300, %mul3A_309 : vector<16xi32>
      %add3A_311 = arith.addi %mul3A_310, %get3A_295 : vector<16xi32>
      %add3A_312 = arith.constant 1600000 : i32
      %add3A_313 = vector.broadcast %add3A_312 : i32 to vector<16xi32>
      %add3A_314 = arith.addi %add3A_313, %iota3A : vector<16xi32>
      %select_n3A_315 = arith.select %and3A_307, %add3A_311, %add3A_314 : vector<16xi1>, vector<16xi32>
      %swap3A_316 = arith.constant 0 : index
      %swap3A_317 = tpu.vector_load %arg16[%swap3A_316] {strides = array<i32>} : memref<128xi32, #tpu.memory_space<vmem>>, vector<16xi32>,
      %swap3A_318 = vector.shape_cast %swap3A_317 : vector<16xi32> to vector<16xi32>
      %swap3A_319 = vector.shape_cast %select_n3A_315 : vector<16xi32> to vector<16xi32>
      tpu.vector_store %arg16[%swap3A_316], %swap3A_319 {strides = array<i32>} : memref<128xi32, #tpu.memory_space<vmem>>, vector<16xi32>,
      %get3A_320 = arith.constant 16 : index
      %get3A_321 = tpu.vector_load %arg15[%get3A_320] {strides = array<i32>} : memref<128xi32, #tpu.memory_space<vmem>>, vector<16xi32>,
      %get3A_322 = vector.shape_cast %get3A_321 : vector<16xi32> to vector<16xi32>
      %get3A_323 = arith.constant 16 : index
      %get3A_324 = tpu.vector_load %arg13[%get3A_323] {strides = array<i32>} : memref<128xi32, #tpu.memory_space<vmem>>, vector<16xi32>,
      %get3A_325 = vector.shape_cast %get3A_324 : vector<16xi32> to vector<16xi32>
      %sub3A_326 = vector.broadcast %mul3A_15 : i32 to vector<16xi32>
      %sub3A_327 = arith.subi %get3A_325, %sub3A_326 : vector<16xi32>
      %ge3A_328 = arith.constant 0 : i32
      %ge3A_329 = vector.broadcast %ge3A_328 : i32 to vector<16xi32>
      %ge3A_330 = arith.cmpi sge, %sub3A_327, %ge3A_329 : vector<16xi32>
      %lt3A_331 = arith.constant 25000 : i32
      %lt3A_332 = vector.broadcast %lt3A_331 : i32 to vector<16xi32>
      %lt3A_333 = arith.cmpi slt, %sub3A_327, %lt3A_332 : vector<16xi32>
      %and3A_334 = arith.andi %ge3A_330, %lt3A_333 : vector<16xi1>
      %mul3A_335 = arith.constant 64 : i32
      %mul3A_336 = vector.broadcast %mul3A_335 : i32 to vector<16xi32>
      %mul3A_337 = arith.muli %sub3A_327, %mul3A_336 : vector<16xi32>
      %add3A_338 = arith.addi %mul3A_337, %get3A_322 : vector<16xi32>
      %add3A_339 = arith.constant 1600000 : i32
      %add3A_340 = vector.broadcast %add3A_339 : i32 to vector<16xi32>
      %add3A_341 = arith.addi %add3A_340, %iota3A : vector<16xi32>
      %select_n3A_342 = arith.select %and3A_334, %add3A_338, %add3A_341 : vector<16xi1>, vector<16xi32>
      %swap3A_343 = arith.constant 16 : index
      %swap3A_344 = tpu.vector_load %arg16[%swap3A_343] {strides = array<i32>} : memref<128xi32, #tpu.memory_space<vmem>>, vector<16xi32>,
      %swap3A_345 = vector.shape_cast %swap3A_344 : vector<16xi32> to vector<16xi32>
      %swap3A_346 = vector.shape_cast %select_n3A_342 : vector<16xi32> to vector<16xi32>
      tpu.vector_store %arg16[%swap3A_343], %swap3A_346 {strides = array<i32>} : memref<128xi32, #tpu.memory_space<vmem>>, vector<16xi32>,
      %get3A_347 = arith.constant 32 : index
      %get3A_348 = tpu.vector_load %arg15[%get3A_347] {strides = array<i32>} : memref<128xi32, #tpu.memory_space<vmem>>, vector<16xi32>,
      %get3A_349 = vector.shape_cast %get3A_348 : vector<16xi32> to vector<16xi32>
      %get3A_350 = arith.constant 32 : index
      %get3A_351 = tpu.vector_load %arg13[%get3A_350] {strides = array<i32>} : memref<128xi32, #tpu.memory_space<vmem>>, vector<16xi32>,
      %get3A_352 = vector.shape_cast %get3A_351 : vector<16xi32> to vector<16xi32>
      %sub3A_353 = vector.broadcast %mul3A_15 : i32 to vector<16xi32>
      %sub3A_354 = arith.subi %get3A_352, %sub3A_353 : vector<16xi32>
      %ge3A_355 = arith.constant 0 : i32
      %ge3A_356 = vector.broadcast %ge3A_355 : i32 to vector<16xi32>
      %ge3A_357 = arith.cmpi sge, %sub3A_354, %ge3A_356 : vector<16xi32>
      %lt3A_358 = arith.constant 25000 : i32
      %lt3A_359 = vector.broadcast %lt3A_358 : i32 to vector<16xi32>
      %lt3A_360 = arith.cmpi slt, %sub3A_354, %lt3A_359 : vector<16xi32>
      %and3A_361 = arith.andi %ge3A_357, %lt3A_360 : vector<16xi1>
      %mul3A_362 = arith.constant 64 : i32
      %mul3A_363 = vector.broadcast %mul3A_362 : i32 to vector<16xi32>
      %mul3A_364 = arith.muli %sub3A_354, %mul3A_363 : vector<16xi32>
      %add3A_365 = arith.addi %mul3A_364, %get3A_349 : vector<16xi32>
      %add3A_366 = arith.constant 1600000 : i32
      %add3A_367 = vector.broadcast %add3A_366 : i32 to vector<16xi32>
      %add3A_368 = arith.addi %add3A_367, %iota3A : vector<16xi32>
      %select_n3A_369 = arith.select %and3A_361, %add3A_365, %add3A_368 : vector<16xi1>, vector<16xi32>
      %swap3A_370 = arith.constant 32 : index
      %swap3A_371 = tpu.vector_load %arg16[%swap3A_370] {strides = array<i32>} : memref<128xi32, #tpu.memory_space<vmem>>, vector<16xi32>,
      %swap3A_372 = vector.shape_cast %swap3A_371 : vector<16xi32> to vector<16xi32>
      %swap3A_373 = vector.shape_cast %select_n3A_369 : vector<16xi32> to vector<16xi32>
      tpu.vector_store %arg16[%swap3A_370], %swap3A_373 {strides = array<i32>} : memref<128xi32, #tpu.memory_space<vmem>>, vector<16xi32>,
      %get3A_374 = arith.constant 48 : index
      %get3A_375 = tpu.vector_load %arg15[%get3A_374] {strides = array<i32>} : memref<128xi32, #tpu.memory_space<vmem>>, vector<16xi32>,
      %get3A_376 = vector.shape_cast %get3A_375 : vector<16xi32> to vector<16xi32>
      %get3A_377 = arith.constant 48 : index
      %get3A_378 = tpu.vector_load %arg13[%get3A_377] {strides = array<i32>} : memref<128xi32, #tpu.memory_space<vmem>>, vector<16xi32>,
      %get3A_379 = vector.shape_cast %get3A_378 : vector<16xi32> to vector<16xi32>
      %sub3A_380 = vector.broadcast %mul3A_15 : i32 to vector<16xi32>
      %sub3A_381 = arith.subi %get3A_379, %sub3A_380 : vector<16xi32>
      %ge3A_382 = arith.constant 0 : i32
      %ge3A_383 = vector.broadcast %ge3A_382 : i32 to vector<16xi32>
      %ge3A_384 = arith.cmpi sge, %sub3A_381, %ge3A_383 : vector<16xi32>
      %lt3A_385 = arith.constant 25000 : i32
      %lt3A_386 = vector.broadcast %lt3A_385 : i32 to vector<16xi32>
      %lt3A_387 = arith.cmpi slt, %sub3A_381, %lt3A_386 : vector<16xi32>
      %and3A_388 = arith.andi %ge3A_384, %lt3A_387 : vector<16xi1>
      %mul3A_389 = arith.constant 64 : i32
      %mul3A_390 = vector.broadcast %mul3A_389 : i32 to vector<16xi32>
      %mul3A_391 = arith.muli %sub3A_381, %mul3A_390 : vector<16xi32>
      %add3A_392 = arith.addi %mul3A_391, %get3A_376 : vector<16xi32>
      %add3A_393 = arith.constant 1600000 : i32
      %add3A_394 = vector.broadcast %add3A_393 : i32 to vector<16xi32>
      %add3A_395 = arith.addi %add3A_394, %iota3A : vector<16xi32>
      %select_n3A_396 = arith.select %and3A_388, %add3A_392, %add3A_395 : vector<16xi1>, vector<16xi32>
      %swap3A_397 = arith.constant 48 : index
      %swap3A_398 = tpu.vector_load %arg16[%swap3A_397] {strides = array<i32>} : memref<128xi32, #tpu.memory_space<vmem>>, vector<16xi32>,
      %swap3A_399 = vector.shape_cast %swap3A_398 : vector<16xi32> to vector<16xi32>
      %swap3A_400 = vector.shape_cast %select_n3A_396 : vector<16xi32> to vector<16xi32>
      tpu.vector_store %arg16[%swap3A_397], %swap3A_400 {strides = array<i32>} : memref<128xi32, #tpu.memory_space<vmem>>, vector<16xi32>,
      %get3A_401 = arith.constant 64 : index
      %get3A_402 = tpu.vector_load %arg15[%get3A_401] {strides = array<i32>} : memref<128xi32, #tpu.memory_space<vmem>>, vector<16xi32>,
      %get3A_403 = vector.shape_cast %get3A_402 : vector<16xi32> to vector<16xi32>
      %get3A_404 = arith.constant 64 : index
      %get3A_405 = tpu.vector_load %arg13[%get3A_404] {strides = array<i32>} : memref<128xi32, #tpu.memory_space<vmem>>, vector<16xi32>,
      %get3A_406 = vector.shape_cast %get3A_405 : vector<16xi32> to vector<16xi32>
      %sub3A_407 = vector.broadcast %mul3A_15 : i32 to vector<16xi32>
      %sub3A_408 = arith.subi %get3A_406, %sub3A_407 : vector<16xi32>
      %ge3A_409 = arith.constant 0 : i32
      %ge3A_410 = vector.broadcast %ge3A_409 : i32 to vector<16xi32>
      %ge3A_411 = arith.cmpi sge, %sub3A_408, %ge3A_410 : vector<16xi32>
      %lt3A_412 = arith.constant 25000 : i32
      %lt3A_413 = vector.broadcast %lt3A_412 : i32 to vector<16xi32>
      %lt3A_414 = arith.cmpi slt, %sub3A_408, %lt3A_413 : vector<16xi32>
      %and3A_415 = arith.andi %ge3A_411, %lt3A_414 : vector<16xi1>
      %mul3A_416 = arith.constant 64 : i32
      %mul3A_417 = vector.broadcast %mul3A_416 : i32 to vector<16xi32>
      %mul3A_418 = arith.muli %sub3A_408, %mul3A_417 : vector<16xi32>
      %add3A_419 = arith.addi %mul3A_418, %get3A_403 : vector<16xi32>
      %add3A_420 = arith.constant 1600000 : i32
      %add3A_421 = vector.broadcast %add3A_420 : i32 to vector<16xi32>
      %add3A_422 = arith.addi %add3A_421, %iota3A : vector<16xi32>
      %select_n3A_423 = arith.select %and3A_415, %add3A_419, %add3A_422 : vector<16xi1>, vector<16xi32>
      %swap3A_424 = arith.constant 64 : index
      %swap3A_425 = tpu.vector_load %arg16[%swap3A_424] {strides = array<i32>} : memref<128xi32, #tpu.memory_space<vmem>>, vector<16xi32>,
      %swap3A_426 = vector.shape_cast %swap3A_425 : vector<16xi32> to vector<16xi32>
      %swap3A_427 = vector.shape_cast %select_n3A_423 : vector<16xi32> to vector<16xi32>
      tpu.vector_store %arg16[%swap3A_424], %swap3A_427 {strides = array<i32>} : memref<128xi32, #tpu.memory_space<vmem>>, vector<16xi32>,
      %get3A_428 = arith.constant 80 : index
      %get3A_429 = tpu.vector_load %arg15[%get3A_428] {strides = array<i32>} : memref<128xi32, #tpu.memory_space<vmem>>, vector<16xi32>,
      %get3A_430 = vector.shape_cast %get3A_429 : vector<16xi32> to vector<16xi32>
      %get3A_431 = arith.constant 80 : index
      %get3A_432 = tpu.vector_load %arg13[%get3A_431] {strides = array<i32>} : memref<128xi32, #tpu.memory_space<vmem>>, vector<16xi32>,
      %get3A_433 = vector.shape_cast %get3A_432 : vector<16xi32> to vector<16xi32>
      %sub3A_434 = vector.broadcast %mul3A_15 : i32 to vector<16xi32>
      %sub3A_435 = arith.subi %get3A_433, %sub3A_434 : vector<16xi32>
      %ge3A_436 = arith.constant 0 : i32
      %ge3A_437 = vector.broadcast %ge3A_436 : i32 to vector<16xi32>
      %ge3A_438 = arith.cmpi sge, %sub3A_435, %ge3A_437 : vector<16xi32>
      %lt3A_439 = arith.constant 25000 : i32
      %lt3A_440 = vector.broadcast %lt3A_439 : i32 to vector<16xi32>
      %lt3A_441 = arith.cmpi slt, %sub3A_435, %lt3A_440 : vector<16xi32>
      %and3A_442 = arith.andi %ge3A_438, %lt3A_441 : vector<16xi1>
      %mul3A_443 = arith.constant 64 : i32
      %mul3A_444 = vector.broadcast %mul3A_443 : i32 to vector<16xi32>
      %mul3A_445 = arith.muli %sub3A_435, %mul3A_444 : vector<16xi32>
      %add3A_446 = arith.addi %mul3A_445, %get3A_430 : vector<16xi32>
      %add3A_447 = arith.constant 1600000 : i32
      %add3A_448 = vector.broadcast %add3A_447 : i32 to vector<16xi32>
      %add3A_449 = arith.addi %add3A_448, %iota3A : vector<16xi32>
      %select_n3A_450 = arith.select %and3A_442, %add3A_446, %add3A_449 : vector<16xi1>, vector<16xi32>
      %swap3A_451 = arith.constant 80 : index
      %swap3A_452 = tpu.vector_load %arg16[%swap3A_451] {strides = array<i32>} : memref<128xi32, #tpu.memory_space<vmem>>, vector<16xi32>,
      %swap3A_453 = vector.shape_cast %swap3A_452 : vector<16xi32> to vector<16xi32>
      %swap3A_454 = vector.shape_cast %select_n3A_450 : vector<16xi32> to vector<16xi32>
      tpu.vector_store %arg16[%swap3A_451], %swap3A_454 {strides = array<i32>} : memref<128xi32, #tpu.memory_space<vmem>>, vector<16xi32>,
      %get3A_455 = arith.constant 96 : index
      %get3A_456 = tpu.vector_load %arg15[%get3A_455] {strides = array<i32>} : memref<128xi32, #tpu.memory_space<vmem>>, vector<16xi32>,
      %get3A_457 = vector.shape_cast %get3A_456 : vector<16xi32> to vector<16xi32>
      %get3A_458 = arith.constant 96 : index
      %get3A_459 = tpu.vector_load %arg13[%get3A_458] {strides = array<i32>} : memref<128xi32, #tpu.memory_space<vmem>>, vector<16xi32>,
      %get3A_460 = vector.shape_cast %get3A_459 : vector<16xi32> to vector<16xi32>
      %sub3A_461 = vector.broadcast %mul3A_15 : i32 to vector<16xi32>
      %sub3A_462 = arith.subi %get3A_460, %sub3A_461 : vector<16xi32>
      %ge3A_463 = arith.constant 0 : i32
      %ge3A_464 = vector.broadcast %ge3A_463 : i32 to vector<16xi32>
      %ge3A_465 = arith.cmpi sge, %sub3A_462, %ge3A_464 : vector<16xi32>
      %lt3A_466 = arith.constant 25000 : i32
      %lt3A_467 = vector.broadcast %lt3A_466 : i32 to vector<16xi32>
      %lt3A_468 = arith.cmpi slt, %sub3A_462, %lt3A_467 : vector<16xi32>
      %and3A_469 = arith.andi %ge3A_465, %lt3A_468 : vector<16xi1>
      %mul3A_470 = arith.constant 64 : i32
      %mul3A_471 = vector.broadcast %mul3A_470 : i32 to vector<16xi32>
      %mul3A_472 = arith.muli %sub3A_462, %mul3A_471 : vector<16xi32>
      %add3A_473 = arith.addi %mul3A_472, %get3A_457 : vector<16xi32>
      %add3A_474 = arith.constant 1600000 : i32
      %add3A_475 = vector.broadcast %add3A_474 : i32 to vector<16xi32>
      %add3A_476 = arith.addi %add3A_475, %iota3A : vector<16xi32>
      %select_n3A_477 = arith.select %and3A_469, %add3A_473, %add3A_476 : vector<16xi1>, vector<16xi32>
      %swap3A_478 = arith.constant 96 : index
      %swap3A_479 = tpu.vector_load %arg16[%swap3A_478] {strides = array<i32>} : memref<128xi32, #tpu.memory_space<vmem>>, vector<16xi32>,
      %swap3A_480 = vector.shape_cast %swap3A_479 : vector<16xi32> to vector<16xi32>
      %swap3A_481 = vector.shape_cast %select_n3A_477 : vector<16xi32> to vector<16xi32>
      tpu.vector_store %arg16[%swap3A_478], %swap3A_481 {strides = array<i32>} : memref<128xi32, #tpu.memory_space<vmem>>, vector<16xi32>,
      %get3A_482 = arith.constant 112 : index
      %get3A_483 = tpu.vector_load %arg15[%get3A_482] {strides = array<i32>} : memref<128xi32, #tpu.memory_space<vmem>>, vector<16xi32>,
      %get3A_484 = vector.shape_cast %get3A_483 : vector<16xi32> to vector<16xi32>
      %get3A_485 = arith.constant 112 : index
      %get3A_486 = tpu.vector_load %arg13[%get3A_485] {strides = array<i32>} : memref<128xi32, #tpu.memory_space<vmem>>, vector<16xi32>,
      %get3A_487 = vector.shape_cast %get3A_486 : vector<16xi32> to vector<16xi32>
      %sub3A_488 = vector.broadcast %mul3A_15 : i32 to vector<16xi32>
      %sub3A_489 = arith.subi %get3A_487, %sub3A_488 : vector<16xi32>
      %ge3A_490 = arith.constant 0 : i32
      %ge3A_491 = vector.broadcast %ge3A_490 : i32 to vector<16xi32>
      %ge3A_492 = arith.cmpi sge, %sub3A_489, %ge3A_491 : vector<16xi32>
      %lt3A_493 = arith.constant 25000 : i32
      %lt3A_494 = vector.broadcast %lt3A_493 : i32 to vector<16xi32>
      %lt3A_495 = arith.cmpi slt, %sub3A_489, %lt3A_494 : vector<16xi32>
      %and3A_496 = arith.andi %ge3A_492, %lt3A_495 : vector<16xi1>
      %mul3A_497 = arith.constant 64 : i32
      %mul3A_498 = vector.broadcast %mul3A_497 : i32 to vector<16xi32>
      %mul3A_499 = arith.muli %sub3A_489, %mul3A_498 : vector<16xi32>
      %add3A_500 = arith.addi %mul3A_499, %get3A_484 : vector<16xi32>
      %add3A_501 = arith.constant 1600000 : i32
      %add3A_502 = vector.broadcast %add3A_501 : i32 to vector<16xi32>
      %add3A_503 = arith.addi %add3A_502, %iota3A : vector<16xi32>
      %select_n3A_504 = arith.select %and3A_496, %add3A_500, %add3A_503 : vector<16xi1>, vector<16xi32>
      %swap3A_505 = arith.constant 112 : index
      %swap3A_506 = tpu.vector_load %arg16[%swap3A_505] {strides = array<i32>} : memref<128xi32, #tpu.memory_space<vmem>>, vector<16xi32>,
      %swap3A_507 = vector.shape_cast %swap3A_506 : vector<16xi32> to vector<16xi32>
      %swap3A_508 = vector.shape_cast %select_n3A_504 : vector<16xi32> to vector<16xi32>
      tpu.vector_store %arg16[%swap3A_505], %swap3A_508 {strides = array<i32>} : memref<128xi32, #tpu.memory_space<vmem>>, vector<16xi32>,
      %dma_start3A_509 = arith.constant 0 : i32
      %dma_start3A_510 = tpu.memref_slice %arg7[%dma_start3A_509] : memref<1600128xf32, #tpu.memory_space<vmem_shared>> -> memref<1600128xf32, #tpu.memory_space<vmem_shared>>
      tpu.enqueue_indirect_dma source(%arg17 : memref<128xf32, #tpu.memory_space<vmem>>) target(%dma_start3A_510 : memref<1600128xf32, #tpu.memory_space<vmem_shared>>) offsets(%arg16 : memref<128xi32, #tpu.memory_space<vmem>>) semaphore(%arg24 : memref<!tpu.dma_semaphore, #tpu.memory_space<semaphore_mem>>) {add = true}
    }
    %scan3A_23 = arith.constant 195 : i32
    %dma_wait3A = arith.constant 0 : i32
    %dma_wait3A_24 = tpu.memref_slice %arg7[%dma_wait3A] : memref<1600128xf32, #tpu.memory_space<vmem_shared>> -> memref<1600128xf32, #tpu.memory_space<vmem_shared>>
    tpu.wait_indirect_dma semaphore(%arg23 : memref<!tpu.dma_semaphore, #tpu.memory_space<semaphore_mem>>) src(%arg12 : memref<128xf32, #tpu.memory_space<vmem>>) dst(%dma_wait3A_24 : memref<1600128xf32, #tpu.memory_space<vmem_shared>>)
    %dma_wait3A_25 = arith.constant 0 : i32
    %dma_wait3A_26 = tpu.memref_slice %arg7[%dma_wait3A_25] : memref<1600128xf32, #tpu.memory_space<vmem_shared>> -> memref<1600128xf32, #tpu.memory_space<vmem_shared>>
    tpu.wait_indirect_dma semaphore(%arg24 : memref<!tpu.dma_semaphore, #tpu.memory_space<semaphore_mem>>) src(%arg17 : memref<128xf32, #tpu.memory_space<vmem>>) dst(%dma_wait3A_26 : memref<1600128xf32, #tpu.memory_space<vmem_shared>>)
    %lt3A = arith.constant 10 : i32
    %lt3A_27 = arith.cmpi slt, %arg1, %lt3A : i32
    %convert_element_type3A_28 = arith.extui %lt3A_27 : i1 to i32
    %cond3A_29 = arith.constant 0 : i32
    %cond3A_30 = arith.cmpi ne, %convert_element_type3A_28, %cond3A_29 : i32
    scf.if %cond3A_30 {
      %add3A_38 = arith.constant 6240 : i32
      %add3A_39 = arith.addi %add3A_38, %arg1 : i32
      %mul3A_40 = arith.constant 128 : i32
      %mul3A_41 = arith.muli %add3A_39, %mul3A_40 : i32
      "tpu.region"() ({
        %run_scoped3A = tpu.sem_alloc : memref<!tpu.dma_semaphore, #tpu.memory_space<semaphore_mem>>
        %dma_start3A = tpu.memref_slice %arg2[%mul3A_41] : memref<800000xi32, #tpu.memory_space<hbm>> -> memref<128xi32, #tpu.memory_space<hbm>>
        %dma_start3A_252 = tpu.memref_slice %arg2[%mul3A_41] : memref<800000xi32, #tpu.memory_space<hbm>> -> memref<128xi32, #tpu.memory_space<hbm>>
        tpu.enqueue_dma source(%dma_start3A_252 : memref<128xi32, #tpu.memory_space<hbm>>) target(%arg8 : memref<128xi32, #tpu.memory_space<vmem>>) target_semaphore(%run_scoped3A : memref<!tpu.dma_semaphore, #tpu.memory_space<semaphore_mem>>)
        %dma_wait3A_253 = tpu.memref_slice %arg2[%mul3A_41] : memref<800000xi32, #tpu.memory_space<hbm>> -> memref<128xi32, #tpu.memory_space<hbm>>
        %dma_wait3A_254 = tpu.memref_slice %arg2[%mul3A_41] : memref<800000xi32, #tpu.memory_space<hbm>> -> memref<128xi32, #tpu.memory_space<hbm>>
        tpu.wait_dma2 semaphore(%run_scoped3A : memref<!tpu.dma_semaphore, #tpu.memory_space<semaphore_mem>>) src(%dma_wait3A_254 : memref<128xi32, #tpu.memory_space<hbm>>) dst(%arg8 : memref<128xi32, #tpu.memory_space<vmem>>)
        tpu.yield
      }) : () -> ()
      "tpu.region"() ({
        %run_scoped3A = tpu.sem_alloc : memref<!tpu.dma_semaphore, #tpu.memory_space<semaphore_mem>>
        %dma_start3A = tpu.memref_slice %arg3[%mul3A_41] : memref<800000xi32, #tpu.memory_space<hbm>> -> memref<128xi32, #tpu.memory_space<hbm>>
        %dma_start3A_252 = tpu.memref_slice %arg3[%mul3A_41] : memref<800000xi32, #tpu.memory_space<hbm>> -> memref<128xi32, #tpu.memory_space<hbm>>
        tpu.enqueue_dma source(%dma_start3A_252 : memref<128xi32, #tpu.memory_space<hbm>>) target(%arg9 : memref<128xi32, #tpu.memory_space<vmem>>) target_semaphore(%run_scoped3A : memref<!tpu.dma_semaphore, #tpu.memory_space<semaphore_mem>>)
        %dma_wait3A_253 = tpu.memref_slice %arg3[%mul3A_41] : memref<800000xi32, #tpu.memory_space<hbm>> -> memref<128xi32, #tpu.memory_space<hbm>>
        %dma_wait3A_254 = tpu.memref_slice %arg3[%mul3A_41] : memref<800000xi32, #tpu.memory_space<hbm>> -> memref<128xi32, #tpu.memory_space<hbm>>
        tpu.wait_dma2 semaphore(%run_scoped3A : memref<!tpu.dma_semaphore, #tpu.memory_space<semaphore_mem>>) src(%dma_wait3A_254 : memref<128xi32, #tpu.memory_space<hbm>>) dst(%arg9 : memref<128xi32, #tpu.memory_space<vmem>>)
        tpu.yield
      }) : () -> ()
      "tpu.region"() ({
        %run_scoped3A = tpu.sem_alloc : memref<!tpu.dma_semaphore, #tpu.memory_space<semaphore_mem>>
        %dma_start3A = arith.constant 0 : i32
        %dma_start3A_252 = tpu.memref_slice %arg4[%dma_start3A] : memref<50000xf32, #tpu.memory_space<hbm>> -> memref<50000xf32, #tpu.memory_space<hbm>>
        tpu.enqueue_indirect_dma source(%dma_start3A_252 : memref<50000xf32, #tpu.memory_space<hbm>>) target(%arg12 : memref<128xf32, #tpu.memory_space<vmem>>) offsets(%arg9 : memref<128xi32, #tpu.memory_space<vmem>>) semaphore(%run_scoped3A : memref<!tpu.dma_semaphore, #tpu.memory_space<semaphore_mem>>)
        %dma_wait3A_253 = arith.constant 0 : i32
        %dma_wait3A_254 = tpu.memref_slice %arg4[%dma_wait3A_253] : memref<50000xf32, #tpu.memory_space<hbm>> -> memref<50000xf32, #tpu.memory_space<hbm>>
        tpu.wait_indirect_dma semaphore(%run_scoped3A : memref<!tpu.dma_semaphore, #tpu.memory_space<semaphore_mem>>) src(%dma_wait3A_254 : memref<50000xf32, #tpu.memory_space<hbm>>) dst(%arg12 : memref<128xf32, #tpu.memory_space<vmem>>)
        tpu.yield
      }) : () -> ()
      "tpu.region"() ({
        %run_scoped3A = tpu.sem_alloc : memref<!tpu.dma_semaphore, #tpu.memory_space<semaphore_mem>>
        %dma_start3A = arith.constant 0 : i32
        %dma_start3A_252 = tpu.memref_slice %arg5[%dma_start3A] : memref<50000xi32, #tpu.memory_space<hbm>> -> memref<50000xi32, #tpu.memory_space<hbm>>
        tpu.enqueue_indirect_dma source(%dma_start3A_252 : memref<50000xi32, #tpu.memory_space<hbm>>) target(%arg10 : memref<128xi32, #tpu.memory_space<vmem>>) offsets(%arg9 : memref<128xi32, #tpu.memory_space<vmem>>) semaphore(%run_scoped3A : memref<!tpu.dma_semaphore, #tpu.memory_space<semaphore_mem>>)
        %dma_wait3A_253 = arith.constant 0 : i32
        %dma_wait3A_254 = tpu.memref_slice %arg5[%dma_wait3A_253] : memref<50000xi32, #tpu.memory_space<hbm>> -> memref<50000xi32, #tpu.memory_space<hbm>>
        tpu.wait_indirect_dma semaphore(%run_scoped3A : memref<!tpu.dma_semaphore, #tpu.memory_space<semaphore_mem>>) src(%dma_wait3A_254 : memref<50000xi32, #tpu.memory_space<hbm>>) dst(%arg10 : memref<128xi32, #tpu.memory_space<vmem>>)
        tpu.yield
      }) : () -> ()
      %get3A = arith.constant 0 : index
      %get3A_42 = tpu.vector_load %arg10[%get3A] {strides = array<i32>} : memref<128xi32, #tpu.memory_space<vmem>>, vector<16xi32>,
      %get3A_43 = vector.shape_cast %get3A_42 : vector<16xi32> to vector<16xi32>
      %get3A_44 = arith.constant 0 : index
      %get3A_45 = tpu.vector_load %arg8[%get3A_44] {strides = array<i32>} : memref<128xi32, #tpu.memory_space<vmem>>, vector<16xi32>,
      %get3A_46 = vector.shape_cast %get3A_45 : vector<16xi32> to vector<16xi32>
      %sub3A = vector.broadcast %mul3A_15 : i32 to vector<16xi32>
      %sub3A_47 = arith.subi %get3A_46, %sub3A : vector<16xi32>
      %ge3A = arith.constant 0 : i32
      %ge3A_48 = vector.broadcast %ge3A : i32 to vector<16xi32>
      %ge3A_49 = arith.cmpi sge, %sub3A_47, %ge3A_48 : vector<16xi32>
      %lt3A_50 = arith.constant 25000 : i32
      %lt3A_51 = vector.broadcast %lt3A_50 : i32 to vector<16xi32>
      %lt3A_52 = arith.cmpi slt, %sub3A_47, %lt3A_51 : vector<16xi32>
      %and3A = arith.andi %ge3A_49, %lt3A_52 : vector<16xi1>
      %mul3A_53 = arith.constant 64 : i32
      %mul3A_54 = vector.broadcast %mul3A_53 : i32 to vector<16xi32>
      %mul3A_55 = arith.muli %sub3A_47, %mul3A_54 : vector<16xi32>
      %add3A_56 = arith.addi %mul3A_55, %get3A_43 : vector<16xi32>
      %add3A_57 = arith.constant 1600000 : i32
      %add3A_58 = vector.broadcast %add3A_57 : i32 to vector<16xi32>
      %add3A_59 = arith.addi %add3A_58, %iota3A : vector<16xi32>
      %select_n3A = arith.select %and3A, %add3A_56, %add3A_59 : vector<16xi1>, vector<16xi32>
      %swap3A = arith.constant 0 : index
      %swap3A_60 = tpu.vector_load %arg11[%swap3A] {strides = array<i32>} : memref<128xi32, #tpu.memory_space<vmem>>, vector<16xi32>,
      %swap3A_61 = vector.shape_cast %swap3A_60 : vector<16xi32> to vector<16xi32>
      %swap3A_62 = vector.shape_cast %select_n3A : vector<16xi32> to vector<16xi32>
      tpu.vector_store %arg11[%swap3A], %swap3A_62 {strides = array<i32>} : memref<128xi32, #tpu.memory_space<vmem>>, vector<16xi32>,
      %get3A_63 = arith.constant 16 : index
      %get3A_64 = tpu.vector_load %arg10[%get3A_63] {strides = array<i32>} : memref<128xi32, #tpu.memory_space<vmem>>, vector<16xi32>,
      %get3A_65 = vector.shape_cast %get3A_64 : vector<16xi32> to vector<16xi32>
      %get3A_66 = arith.constant 16 : index
      %get3A_67 = tpu.vector_load %arg8[%get3A_66] {strides = array<i32>} : memref<128xi32, #tpu.memory_space<vmem>>, vector<16xi32>,
      %get3A_68 = vector.shape_cast %get3A_67 : vector<16xi32> to vector<16xi32>
      %sub3A_69 = vector.broadcast %mul3A_15 : i32 to vector<16xi32>
      %sub3A_70 = arith.subi %get3A_68, %sub3A_69 : vector<16xi32>
      %ge3A_71 = arith.constant 0 : i32
      %ge3A_72 = vector.broadcast %ge3A_71 : i32 to vector<16xi32>
      %ge3A_73 = arith.cmpi sge, %sub3A_70, %ge3A_72 : vector<16xi32>
      %lt3A_74 = arith.constant 25000 : i32
      %lt3A_75 = vector.broadcast %lt3A_74 : i32 to vector<16xi32>
      %lt3A_76 = arith.cmpi slt, %sub3A_70, %lt3A_75 : vector<16xi32>
      %and3A_77 = arith.andi %ge3A_73, %lt3A_76 : vector<16xi1>
      %mul3A_78 = arith.constant 64 : i32
      %mul3A_79 = vector.broadcast %mul3A_78 : i32 to vector<16xi32>
      %mul3A_80 = arith.muli %sub3A_70, %mul3A_79 : vector<16xi32>
      %add3A_81 = arith.addi %mul3A_80, %get3A_65 : vector<16xi32>
      %add3A_82 = arith.constant 1600000 : i32
      %add3A_83 = vector.broadcast %add3A_82 : i32 to vector<16xi32>
      %add3A_84 = arith.addi %add3A_83, %iota3A : vector<16xi32>
      %select_n3A_85 = arith.select %and3A_77, %add3A_81, %add3A_84 : vector<16xi1>, vector<16xi32>
      %swap3A_86 = arith.constant 16 : index
      %swap3A_87 = tpu.vector_load %arg11[%swap3A_86] {strides = array<i32>} : memref<128xi32, #tpu.memory_space<vmem>>, vector<16xi32>,
      %swap3A_88 = vector.shape_cast %swap3A_87 : vector<16xi32> to vector<16xi32>
      %swap3A_89 = vector.shape_cast %select_n3A_85 : vector<16xi32> to vector<16xi32>
      tpu.vector_store %arg11[%swap3A_86], %swap3A_89 {strides = array<i32>} : memref<128xi32, #tpu.memory_space<vmem>>, vector<16xi32>,
      %get3A_90 = arith.constant 32 : index
      %get3A_91 = tpu.vector_load %arg10[%get3A_90] {strides = array<i32>} : memref<128xi32, #tpu.memory_space<vmem>>, vector<16xi32>,
      %get3A_92 = vector.shape_cast %get3A_91 : vector<16xi32> to vector<16xi32>
      %get3A_93 = arith.constant 32 : index
      %get3A_94 = tpu.vector_load %arg8[%get3A_93] {strides = array<i32>} : memref<128xi32, #tpu.memory_space<vmem>>, vector<16xi32>,
      %get3A_95 = vector.shape_cast %get3A_94 : vector<16xi32> to vector<16xi32>
      %sub3A_96 = vector.broadcast %mul3A_15 : i32 to vector<16xi32>
      %sub3A_97 = arith.subi %get3A_95, %sub3A_96 : vector<16xi32>
      %ge3A_98 = arith.constant 0 : i32
      %ge3A_99 = vector.broadcast %ge3A_98 : i32 to vector<16xi32>
      %ge3A_100 = arith.cmpi sge, %sub3A_97, %ge3A_99 : vector<16xi32>
      %lt3A_101 = arith.constant 25000 : i32
      %lt3A_102 = vector.broadcast %lt3A_101 : i32 to vector<16xi32>
      %lt3A_103 = arith.cmpi slt, %sub3A_97, %lt3A_102 : vector<16xi32>
      %and3A_104 = arith.andi %ge3A_100, %lt3A_103 : vector<16xi1>
      %mul3A_105 = arith.constant 64 : i32
      %mul3A_106 = vector.broadcast %mul3A_105 : i32 to vector<16xi32>
      %mul3A_107 = arith.muli %sub3A_97, %mul3A_106 : vector<16xi32>
      %add3A_108 = arith.addi %mul3A_107, %get3A_92 : vector<16xi32>
      %add3A_109 = arith.constant 1600000 : i32
      %add3A_110 = vector.broadcast %add3A_109 : i32 to vector<16xi32>
      %add3A_111 = arith.addi %add3A_110, %iota3A : vector<16xi32>
      %select_n3A_112 = arith.select %and3A_104, %add3A_108, %add3A_111 : vector<16xi1>, vector<16xi32>
      %swap3A_113 = arith.constant 32 : index
      %swap3A_114 = tpu.vector_load %arg11[%swap3A_113] {strides = array<i32>} : memref<128xi32, #tpu.memory_space<vmem>>, vector<16xi32>,
      %swap3A_115 = vector.shape_cast %swap3A_114 : vector<16xi32> to vector<16xi32>
      %swap3A_116 = vector.shape_cast %select_n3A_112 : vector<16xi32> to vector<16xi32>
      tpu.vector_store %arg11[%swap3A_113], %swap3A_116 {strides = array<i32>} : memref<128xi32, #tpu.memory_space<vmem>>, vector<16xi32>,
      %get3A_117 = arith.constant 48 : index
      %get3A_118 = tpu.vector_load %arg10[%get3A_117] {strides = array<i32>} : memref<128xi32, #tpu.memory_space<vmem>>, vector<16xi32>,
      %get3A_119 = vector.shape_cast %get3A_118 : vector<16xi32> to vector<16xi32>
      %get3A_120 = arith.constant 48 : index
      %get3A_121 = tpu.vector_load %arg8[%get3A_120] {strides = array<i32>} : memref<128xi32, #tpu.memory_space<vmem>>, vector<16xi32>,
      %get3A_122 = vector.shape_cast %get3A_121 : vector<16xi32> to vector<16xi32>
      %sub3A_123 = vector.broadcast %mul3A_15 : i32 to vector<16xi32>
      %sub3A_124 = arith.subi %get3A_122, %sub3A_123 : vector<16xi32>
      %ge3A_125 = arith.constant 0 : i32
      %ge3A_126 = vector.broadcast %ge3A_125 : i32 to vector<16xi32>
      %ge3A_127 = arith.cmpi sge, %sub3A_124, %ge3A_126 : vector<16xi32>
      %lt3A_128 = arith.constant 25000 : i32
      %lt3A_129 = vector.broadcast %lt3A_128 : i32 to vector<16xi32>
      %lt3A_130 = arith.cmpi slt, %sub3A_124, %lt3A_129 : vector<16xi32>
      %and3A_131 = arith.andi %ge3A_127, %lt3A_130 : vector<16xi1>
      %mul3A_132 = arith.constant 64 : i32
      %mul3A_133 = vector.broadcast %mul3A_132 : i32 to vector<16xi32>
      %mul3A_134 = arith.muli %sub3A_124, %mul3A_133 : vector<16xi32>
      %add3A_135 = arith.addi %mul3A_134, %get3A_119 : vector<16xi32>
      %add3A_136 = arith.constant 1600000 : i32
      %add3A_137 = vector.broadcast %add3A_136 : i32 to vector<16xi32>
      %add3A_138 = arith.addi %add3A_137, %iota3A : vector<16xi32>
      %select_n3A_139 = arith.select %and3A_131, %add3A_135, %add3A_138 : vector<16xi1>, vector<16xi32>
      %swap3A_140 = arith.constant 48 : index
      %swap3A_141 = tpu.vector_load %arg11[%swap3A_140] {strides = array<i32>} : memref<128xi32, #tpu.memory_space<vmem>>, vector<16xi32>,
      %swap3A_142 = vector.shape_cast %swap3A_141 : vector<16xi32> to vector<16xi32>
      %swap3A_143 = vector.shape_cast %select_n3A_139 : vector<16xi32> to vector<16xi32>
      tpu.vector_store %arg11[%swap3A_140], %swap3A_143 {strides = array<i32>} : memref<128xi32, #tpu.memory_space<vmem>>, vector<16xi32>,
      %get3A_144 = arith.constant 64 : index
      %get3A_145 = tpu.vector_load %arg10[%get3A_144] {strides = array<i32>} : memref<128xi32, #tpu.memory_space<vmem>>, vector<16xi32>,
      %get3A_146 = vector.shape_cast %get3A_145 : vector<16xi32> to vector<16xi32>
      %get3A_147 = arith.constant 64 : index
      %get3A_148 = tpu.vector_load %arg8[%get3A_147] {strides = array<i32>} : memref<128xi32, #tpu.memory_space<vmem>>, vector<16xi32>,
      %get3A_149 = vector.shape_cast %get3A_148 : vector<16xi32> to vector<16xi32>
      %sub3A_150 = vector.broadcast %mul3A_15 : i32 to vector<16xi32>
      %sub3A_151 = arith.subi %get3A_149, %sub3A_150 : vector<16xi32>
      %ge3A_152 = arith.constant 0 : i32
      %ge3A_153 = vector.broadcast %ge3A_152 : i32 to vector<16xi32>
      %ge3A_154 = arith.cmpi sge, %sub3A_151, %ge3A_153 : vector<16xi32>
      %lt3A_155 = arith.constant 25000 : i32
      %lt3A_156 = vector.broadcast %lt3A_155 : i32 to vector<16xi32>
      %lt3A_157 = arith.cmpi slt, %sub3A_151, %lt3A_156 : vector<16xi32>
      %and3A_158 = arith.andi %ge3A_154, %lt3A_157 : vector<16xi1>
      %mul3A_159 = arith.constant 64 : i32
      %mul3A_160 = vector.broadcast %mul3A_159 : i32 to vector<16xi32>
      %mul3A_161 = arith.muli %sub3A_151, %mul3A_160 : vector<16xi32>
      %add3A_162 = arith.addi %mul3A_161, %get3A_146 : vector<16xi32>
      %add3A_163 = arith.constant 1600000 : i32
      %add3A_164 = vector.broadcast %add3A_163 : i32 to vector<16xi32>
      %add3A_165 = arith.addi %add3A_164, %iota3A : vector<16xi32>
      %select_n3A_166 = arith.select %and3A_158, %add3A_162, %add3A_165 : vector<16xi1>, vector<16xi32>
      %swap3A_167 = arith.constant 64 : index
      %swap3A_168 = tpu.vector_load %arg11[%swap3A_167] {strides = array<i32>} : memref<128xi32, #tpu.memory_space<vmem>>, vector<16xi32>,
      %swap3A_169 = vector.shape_cast %swap3A_168 : vector<16xi32> to vector<16xi32>
      %swap3A_170 = vector.shape_cast %select_n3A_166 : vector<16xi32> to vector<16xi32>
      tpu.vector_store %arg11[%swap3A_167], %swap3A_170 {strides = array<i32>} : memref<128xi32, #tpu.memory_space<vmem>>, vector<16xi32>,
      %get3A_171 = arith.constant 80 : index
      %get3A_172 = tpu.vector_load %arg10[%get3A_171] {strides = array<i32>} : memref<128xi32, #tpu.memory_space<vmem>>, vector<16xi32>,
      %get3A_173 = vector.shape_cast %get3A_172 : vector<16xi32> to vector<16xi32>
      %get3A_174 = arith.constant 80 : index
      %get3A_175 = tpu.vector_load %arg8[%get3A_174] {strides = array<i32>} : memref<128xi32, #tpu.memory_space<vmem>>, vector<16xi32>,
      %get3A_176 = vector.shape_cast %get3A_175 : vector<16xi32> to vector<16xi32>
      %sub3A_177 = vector.broadcast %mul3A_15 : i32 to vector<16xi32>
      %sub3A_178 = arith.subi %get3A_176, %sub3A_177 : vector<16xi32>
      %ge3A_179 = arith.constant 0 : i32
      %ge3A_180 = vector.broadcast %ge3A_179 : i32 to vector<16xi32>
      %ge3A_181 = arith.cmpi sge, %sub3A_178, %ge3A_180 : vector<16xi32>
      %lt3A_182 = arith.constant 25000 : i32
      %lt3A_183 = vector.broadcast %lt3A_182 : i32 to vector<16xi32>
      %lt3A_184 = arith.cmpi slt, %sub3A_178, %lt3A_183 : vector<16xi32>
      %and3A_185 = arith.andi %ge3A_181, %lt3A_184 : vector<16xi1>
      %mul3A_186 = arith.constant 64 : i32
      %mul3A_187 = vector.broadcast %mul3A_186 : i32 to vector<16xi32>
      %mul3A_188 = arith.muli %sub3A_178, %mul3A_187 : vector<16xi32>
      %add3A_189 = arith.addi %mul3A_188, %get3A_173 : vector<16xi32>
      %add3A_190 = arith.constant 1600000 : i32
      %add3A_191 = vector.broadcast %add3A_190 : i32 to vector<16xi32>
      %add3A_192 = arith.addi %add3A_191, %iota3A : vector<16xi32>
      %select_n3A_193 = arith.select %and3A_185, %add3A_189, %add3A_192 : vector<16xi1>, vector<16xi32>
      %swap3A_194 = arith.constant 80 : index
      %swap3A_195 = tpu.vector_load %arg11[%swap3A_194] {strides = array<i32>} : memref<128xi32, #tpu.memory_space<vmem>>, vector<16xi32>,
      %swap3A_196 = vector.shape_cast %swap3A_195 : vector<16xi32> to vector<16xi32>
      %swap3A_197 = vector.shape_cast %select_n3A_193 : vector<16xi32> to vector<16xi32>
      tpu.vector_store %arg11[%swap3A_194], %swap3A_197 {strides = array<i32>} : memref<128xi32, #tpu.memory_space<vmem>>, vector<16xi32>,
      %get3A_198 = arith.constant 96 : index
      %get3A_199 = tpu.vector_load %arg10[%get3A_198] {strides = array<i32>} : memref<128xi32, #tpu.memory_space<vmem>>, vector<16xi32>,
      %get3A_200 = vector.shape_cast %get3A_199 : vector<16xi32> to vector<16xi32>
      %get3A_201 = arith.constant 96 : index
      %get3A_202 = tpu.vector_load %arg8[%get3A_201] {strides = array<i32>} : memref<128xi32, #tpu.memory_space<vmem>>, vector<16xi32>,
      %get3A_203 = vector.shape_cast %get3A_202 : vector<16xi32> to vector<16xi32>
      %sub3A_204 = vector.broadcast %mul3A_15 : i32 to vector<16xi32>
      %sub3A_205 = arith.subi %get3A_203, %sub3A_204 : vector<16xi32>
      %ge3A_206 = arith.constant 0 : i32
      %ge3A_207 = vector.broadcast %ge3A_206 : i32 to vector<16xi32>
      %ge3A_208 = arith.cmpi sge, %sub3A_205, %ge3A_207 : vector<16xi32>
      %lt3A_209 = arith.constant 25000 : i32
      %lt3A_210 = vector.broadcast %lt3A_209 : i32 to vector<16xi32>
      %lt3A_211 = arith.cmpi slt, %sub3A_205, %lt3A_210 : vector<16xi32>
      %and3A_212 = arith.andi %ge3A_208, %lt3A_211 : vector<16xi1>
      %mul3A_213 = arith.constant 64 : i32
      %mul3A_214 = vector.broadcast %mul3A_213 : i32 to vector<16xi32>
      %mul3A_215 = arith.muli %sub3A_205, %mul3A_214 : vector<16xi32>
      %add3A_216 = arith.addi %mul3A_215, %get3A_200 : vector<16xi32>
      %add3A_217 = arith.constant 1600000 : i32
      %add3A_218 = vector.broadcast %add3A_217 : i32 to vector<16xi32>
      %add3A_219 = arith.addi %add3A_218, %iota3A : vector<16xi32>
      %select_n3A_220 = arith.select %and3A_212, %add3A_216, %add3A_219 : vector<16xi1>, vector<16xi32>
      %swap3A_221 = arith.constant 96 : index
      %swap3A_222 = tpu.vector_load %arg11[%swap3A_221] {strides = array<i32>} : memref<128xi32, #tpu.memory_space<vmem>>, vector<16xi32>,
      %swap3A_223 = vector.shape_cast %swap3A_222 : vector<16xi32> to vector<16xi32>
      %swap3A_224 = vector.shape_cast %select_n3A_220 : vector<16xi32> to vector<16xi32>
      tpu.vector_store %arg11[%swap3A_221], %swap3A_224 {strides = array<i32>} : memref<128xi32, #tpu.memory_space<vmem>>, vector<16xi32>,
      %get3A_225 = arith.constant 112 : index
      %get3A_226 = tpu.vector_load %arg10[%get3A_225] {strides = array<i32>} : memref<128xi32, #tpu.memory_space<vmem>>, vector<16xi32>,
      %get3A_227 = vector.shape_cast %get3A_226 : vector<16xi32> to vector<16xi32>
      %get3A_228 = arith.constant 112 : index
      %get3A_229 = tpu.vector_load %arg8[%get3A_228] {strides = array<i32>} : memref<128xi32, #tpu.memory_space<vmem>>, vector<16xi32>,
      %get3A_230 = vector.shape_cast %get3A_229 : vector<16xi32> to vector<16xi32>
      %sub3A_231 = vector.broadcast %mul3A_15 : i32 to vector<16xi32>
      %sub3A_232 = arith.subi %get3A_230, %sub3A_231 : vector<16xi32>
      %ge3A_233 = arith.constant 0 : i32
      %ge3A_234 = vector.broadcast %ge3A_233 : i32 to vector<16xi32>
      %ge3A_235 = arith.cmpi sge, %sub3A_232, %ge3A_234 : vector<16xi32>
      %lt3A_236 = arith.constant 25000 : i32
      %lt3A_237 = vector.broadcast %lt3A_236 : i32 to vector<16xi32>
      %lt3A_238 = arith.cmpi slt, %sub3A_232, %lt3A_237 : vector<16xi32>
      %and3A_239 = arith.andi %ge3A_235, %lt3A_238 : vector<16xi1>
      %mul3A_240 = arith.constant 64 : i32
      %mul3A_241 = vector.broadcast %mul3A_240 : i32 to vector<16xi32>
      %mul3A_242 = arith.muli %sub3A_232, %mul3A_241 : vector<16xi32>
      %add3A_243 = arith.addi %mul3A_242, %get3A_227 : vector<16xi32>
      %add3A_244 = arith.constant 1600000 : i32
      %add3A_245 = vector.broadcast %add3A_244 : i32 to vector<16xi32>
      %add3A_246 = arith.addi %add3A_245, %iota3A : vector<16xi32>
      %select_n3A_247 = arith.select %and3A_239, %add3A_243, %add3A_246 : vector<16xi1>, vector<16xi32>
      %swap3A_248 = arith.constant 112 : index
      %swap3A_249 = tpu.vector_load %arg11[%swap3A_248] {strides = array<i32>} : memref<128xi32, #tpu.memory_space<vmem>>, vector<16xi32>,
      %swap3A_250 = vector.shape_cast %swap3A_249 : vector<16xi32> to vector<16xi32>
      %swap3A_251 = vector.shape_cast %select_n3A_247 : vector<16xi32> to vector<16xi32>
      tpu.vector_store %arg11[%swap3A_248], %swap3A_251 {strides = array<i32>} : memref<128xi32, #tpu.memory_space<vmem>>, vector<16xi32>,
      "tpu.region"() ({
        %run_scoped3A = tpu.sem_alloc : memref<!tpu.dma_semaphore, #tpu.memory_space<semaphore_mem>>
        %dma_start3A = arith.constant 0 : i32
        %dma_start3A_252 = tpu.memref_slice %arg7[%dma_start3A] : memref<1600128xf32, #tpu.memory_space<vmem_shared>> -> memref<1600128xf32, #tpu.memory_space<vmem_shared>>
        tpu.enqueue_indirect_dma source(%arg12 : memref<128xf32, #tpu.memory_space<vmem>>) target(%dma_start3A_252 : memref<1600128xf32, #tpu.memory_space<vmem_shared>>) offsets(%arg11 : memref<128xi32, #tpu.memory_space<vmem>>) semaphore(%run_scoped3A : memref<!tpu.dma_semaphore, #tpu.memory_space<semaphore_mem>>) {add = true}
        %dma_wait3A_253 = arith.constant 0 : i32
        %dma_wait3A_254 = tpu.memref_slice %arg7[%dma_wait3A_253] : memref<1600128xf32, #tpu.memory_space<vmem_shared>> -> memref<1600128xf32, #tpu.memory_space<vmem_shared>>
        tpu.wait_indirect_dma semaphore(%run_scoped3A : memref<!tpu.dma_semaphore, #tpu.memory_space<semaphore_mem>>) src(%arg12 : memref<128xf32, #tpu.memory_space<vmem>>) dst(%dma_wait3A_254 : memref<1600128xf32, #tpu.memory_space<vmem_shared>>)
        tpu.yield
      }) : () -> ()
    } else {
    }
    %barrier3A_31 = arith.constant 0 : index
    tpu.barrier barrier_id(%barrier3A_31)
    %scan3A_32 = arith.constant 0 : i32
    %scan3A_33 = arith.constant 0 : i32
    %scan3A_34 = arith.constant 50 : i32
    %scan3A_35 = arith.addi %scan3A_33, %scan3A_34 : i32
    %scan3A_36 = arith.constant 1 : i32
    scf.for %scan3A_38 = %scan3A_33 to %scan3A_35 step %scan3A_36  : i32 {
      %mul3A_39 = arith.constant 100000 : i32
      %mul3A_40 = arith.muli %arg1, %mul3A_39 : i32
      %mul3A_41 = arith.constant 2000 : i32
      %mul3A_42 = arith.muli %scan3A_38, %mul3A_41 : i32
      %add3A_43 = arith.addi %mul3A_40, %mul3A_42 : i32
      "tpu.region"() ({
        %run_scoped3A = tpu.sem_alloc : memref<!tpu.dma_semaphore, #tpu.memory_space<semaphore_mem>>
        %dma_start3A = tpu.memref_slice %arg7[%add3A_43] : memref<1600128xf32, #tpu.memory_space<vmem_shared>> -> memref<2000xf32, #tpu.memory_space<vmem_shared>>
        %dma_start3A_52 = tpu.memref_slice %arg7[%add3A_43] : memref<1600128xf32, #tpu.memory_space<vmem_shared>> -> memref<2000xf32, #tpu.memory_space<vmem_shared>>
        tpu.enqueue_dma source(%dma_start3A_52 : memref<2000xf32, #tpu.memory_space<vmem_shared>>) target(%arg18 : memref<2000xf32, #tpu.memory_space<vmem>>) target_semaphore(%run_scoped3A : memref<!tpu.dma_semaphore, #tpu.memory_space<semaphore_mem>>)
        %dma_wait3A_53 = tpu.memref_slice %arg7[%add3A_43] : memref<1600128xf32, #tpu.memory_space<vmem_shared>> -> memref<2000xf32, #tpu.memory_space<vmem_shared>>
        %dma_wait3A_54 = tpu.memref_slice %arg7[%add3A_43] : memref<1600128xf32, #tpu.memory_space<vmem_shared>> -> memref<2000xf32, #tpu.memory_space<vmem_shared>>
        tpu.wait_dma2 semaphore(%run_scoped3A : memref<!tpu.dma_semaphore, #tpu.memory_space<semaphore_mem>>) src(%dma_wait3A_54 : memref<2000xf32, #tpu.memory_space<vmem_shared>>) dst(%arg18 : memref<2000xf32, #tpu.memory_space<vmem>>)
        tpu.yield
      }) : () -> ()
      %mul3A_44 = arith.constant 1600000 : i32
      %mul3A_45 = arith.muli %arg0, %mul3A_44 : i32
      %mul3A_46 = arith.constant 100000 : i32
      %mul3A_47 = arith.muli %arg1, %mul3A_46 : i32
      %add3A_48 = arith.addi %mul3A_45, %mul3A_47 : i32
      %mul3A_49 = arith.constant 2000 : i32
      %mul3A_50 = arith.muli %scan3A_38, %mul3A_49 : i32
      %add3A_51 = arith.addi %add3A_48, %mul3A_50 : i32
      "tpu.region"() ({
        %run_scoped3A = tpu.sem_alloc : memref<!tpu.dma_semaphore, #tpu.memory_space<semaphore_mem>>
        %dma_start3A = tpu.memref_slice %arg6[%add3A_51] : memref<3200000xf32, #tpu.memory_space<hbm>> -> memref<2000xf32, #tpu.memory_space<hbm>>
        %dma_start3A_52 = tpu.memref_slice %arg6[%add3A_51] : memref<3200000xf32, #tpu.memory_space<hbm>> -> memref<2000xf32, #tpu.memory_space<hbm>>
        tpu.enqueue_dma source(%arg18 : memref<2000xf32, #tpu.memory_space<vmem>>) target(%dma_start3A_52 : memref<2000xf32, #tpu.memory_space<hbm>>) target_semaphore(%run_scoped3A : memref<!tpu.dma_semaphore, #tpu.memory_space<semaphore_mem>>)
        %dma_wait3A_53 = tpu.memref_slice %arg6[%add3A_51] : memref<3200000xf32, #tpu.memory_space<hbm>> -> memref<2000xf32, #tpu.memory_space<hbm>>
        %dma_wait3A_54 = tpu.memref_slice %arg6[%add3A_51] : memref<3200000xf32, #tpu.memory_space<hbm>> -> memref<2000xf32, #tpu.memory_space<hbm>>
        tpu.wait_dma2 semaphore(%run_scoped3A : memref<!tpu.dma_semaphore, #tpu.memory_space<semaphore_mem>>) src(%arg18 : memref<2000xf32, #tpu.memory_space<vmem>>) dst(%dma_wait3A_54 : memref<2000xf32, #tpu.memory_space<hbm>>)
        tpu.yield
      }) : () -> ()
    }
    %scan3A_37 = arith.constant 50 : i32
    return
  }
}

#map = affine_map<(d0, d1) -> (0)>
#map1 = affine_map<(d0, d1) -> (0, 0)>
module attributes {stable_mosaic.version = 14 : i64} {
  func.func @_sc_aggregate(%arg0: i32, %arg1: i32, %arg2: memref<800000xi32, #tpu.memory_space<hbm>>, %arg3: memref<800000xi32, #tpu.memory_space<hbm>>, %arg4: memref<50000x32xf32, #tpu.memory_space<hbm>>, %arg5: memref<50000x32xf32, #tpu.memory_space<hbm>>, %arg6: memref<50176x32xf32, #tpu.memory_space<hbm>>, %arg7: memref<50176x32xf32, #tpu.memory_space<hbm>>, %arg8: memref<50176x32xf32, #tpu.memory_space<vmem_shared>>, %arg9: memref<128xi32, #tpu.memory_space<vmem>>, %arg10: memref<128xi32, #tpu.memory_space<vmem>>, %arg11: memref<128x32xf32, #tpu.memory_space<vmem>>, %arg12: memref<128xi32, #tpu.memory_space<vmem>>, %arg13: memref<128xi32, #tpu.memory_space<vmem>>, %arg14: memref<128x32xf32, #tpu.memory_space<vmem>>, %arg15: memref<196x32xf32, #tpu.memory_space<vmem>>, %arg16: memref<!tpu.dma_semaphore, #tpu.memory_space<semaphore_mem>>, %arg17: memref<!tpu.dma_semaphore, #tpu.memory_space<semaphore_mem>>, %arg18: memref<!tpu.dma_semaphore, #tpu.memory_space<semaphore_mem>>, %arg19: memref<!tpu.dma_semaphore, #tpu.memory_space<semaphore_mem>>, %arg20: memref<!tpu.dma_semaphore, #tpu.memory_space<semaphore_mem>>, %arg21: memref<!tpu.dma_semaphore, #tpu.memory_space<semaphore_mem>>) attributes {dimension_semantics = [#tpu.dimension_semantics<core_parallel>, #tpu.dimension_semantics<subcore_parallel>], iteration_bounds = array<i64: 2, 16>, scalar_prefetch = 0 : i64, scratch_operands = 14 : i64, tpu.core_type = #tpu.core_type<sc_vector_subcore>, window_params = [{transform_indices = #map}, {transform_indices = #map}, {transform_indices = #map1}, {transform_indices = #map1}, {transform_indices = #map1}, {transform_indices = #map1}]} {
    %scan3A = arith.constant 0 : i32
    %scan3A_0 = arith.constant 0 : i32
    %scan3A_1 = arith.constant 196 : i32
    %scan3A_2 = arith.addi %scan3A_0, %scan3A_1 : i32
    %scan3A_3 = arith.constant 1 : i32
    scf.for %scan3A_32 = %scan3A_0 to %scan3A_2 step %scan3A_3  : i32 {
      %broadcast_in_dim3A = arith.constant 0.000000e+00 : f32
      %broadcast_in_dim3A_33 = vector.broadcast %broadcast_in_dim3A : f32 to vector<16xf32>
      %swap3A = arith.index_cast %scan3A_32 : i32 to index
      %swap3A_34 = arith.constant 0 : index
      %swap3A_35 = tpu.vector_load %arg15[%swap3A, %swap3A_34] {strides = array<i32>} : memref<196x32xf32, #tpu.memory_space<vmem>>, vector<1x16xf32>,
      %swap3A_36 = vector.shape_cast %swap3A_35 : vector<1x16xf32> to vector<16xf32>
      %swap3A_37 = vector.shape_cast %broadcast_in_dim3A_33 : vector<16xf32> to vector<1x16xf32>
      tpu.vector_store %arg15[%swap3A, %swap3A_34], %swap3A_37 {strides = array<i32>} : memref<196x32xf32, #tpu.memory_space<vmem>>, vector<1x16xf32>,
      %broadcast_in_dim3A_38 = arith.constant 0.000000e+00 : f32
      %broadcast_in_dim3A_39 = vector.broadcast %broadcast_in_dim3A_38 : f32 to vector<16xf32>
      %swap3A_40 = arith.index_cast %scan3A_32 : i32 to index
      %swap3A_41 = arith.constant 16 : index
      %swap3A_42 = tpu.vector_load %arg15[%swap3A_40, %swap3A_41] {strides = array<i32>} : memref<196x32xf32, #tpu.memory_space<vmem>>, vector<1x16xf32>,
      %swap3A_43 = vector.shape_cast %swap3A_42 : vector<1x16xf32> to vector<16xf32>
      %swap3A_44 = vector.shape_cast %broadcast_in_dim3A_39 : vector<16xf32> to vector<1x16xf32>
      tpu.vector_store %arg15[%swap3A_40, %swap3A_41], %swap3A_44 {strides = array<i32>} : memref<196x32xf32, #tpu.memory_space<vmem>>, vector<1x16xf32>,
    }
    %scan3A_4 = arith.constant 196 : i32
    %scan3A_5 = arith.constant 0 : i32
    %scan3A_6 = arith.constant 0 : i32
    %scan3A_7 = arith.constant 16 : i32
    %scan3A_8 = arith.addi %scan3A_6, %scan3A_7 : i32
    %scan3A_9 = arith.constant 1 : i32
    scf.for %scan3A_32 = %scan3A_6 to %scan3A_8 step %scan3A_9  : i32 {
      %mul3A_33 = arith.constant 3136 : i32
      %mul3A_34 = arith.muli %arg1, %mul3A_33 : i32
      %mul3A_35 = arith.constant 196 : i32
      %mul3A_36 = arith.muli %scan3A_32, %mul3A_35 : i32
      %add3A = arith.addi %mul3A_34, %mul3A_36 : i32
      "tpu.region"() ({
        %run_scoped3A = tpu.sem_alloc : memref<!tpu.dma_semaphore, #tpu.memory_space<semaphore_mem>>
        %dma_start3A = arith.constant 0 : i32
        %dma_start3A_37 = tpu.memref_slice %arg8[%add3A, %dma_start3A] : memref<50176x32xf32, #tpu.memory_space<vmem_shared>> -> memref<196x32xf32, #tpu.memory_space<vmem_shared>>
        %dma_start3A_38 = arith.constant 0 : i32
        %dma_start3A_39 = tpu.memref_slice %arg8[%add3A, %dma_start3A_38] : memref<50176x32xf32, #tpu.memory_space<vmem_shared>> -> memref<196x32xf32, #tpu.memory_space<vmem_shared>>
        tpu.enqueue_dma source(%arg15 : memref<196x32xf32, #tpu.memory_space<vmem>>) target(%dma_start3A_39 : memref<196x32xf32, #tpu.memory_space<vmem_shared>>) target_semaphore(%run_scoped3A : memref<!tpu.dma_semaphore, #tpu.memory_space<semaphore_mem>>)
        %dma_wait3A_40 = arith.constant 0 : i32
        %dma_wait3A_41 = tpu.memref_slice %arg8[%add3A, %dma_wait3A_40] : memref<50176x32xf32, #tpu.memory_space<vmem_shared>> -> memref<196x32xf32, #tpu.memory_space<vmem_shared>>
        %dma_wait3A_42 = arith.constant 0 : i32
        %dma_wait3A_43 = tpu.memref_slice %arg8[%add3A, %dma_wait3A_42] : memref<50176x32xf32, #tpu.memory_space<vmem_shared>> -> memref<196x32xf32, #tpu.memory_space<vmem_shared>>
        tpu.wait_dma2 semaphore(%run_scoped3A : memref<!tpu.dma_semaphore, #tpu.memory_space<semaphore_mem>>) src(%arg15 : memref<196x32xf32, #tpu.memory_space<vmem>>) dst(%dma_wait3A_43 : memref<196x32xf32, #tpu.memory_space<vmem_shared>>)
        tpu.yield
      }) : () -> ()
    }
    %scan3A_10 = arith.constant 16 : i32
    %barrier3A = arith.constant 0 : index
    tpu.barrier barrier_id(%barrier3A)
    %mul3A = arith.constant 390 : i32
    %mul3A_11 = arith.muli %arg1, %mul3A : i32
    %scan3A_12 = arith.constant 0 : i32
    %scan3A_13 = arith.constant 0 : i32
    %scan3A_14 = arith.constant 195 : i32
    %scan3A_15 = arith.addi %scan3A_13, %scan3A_14 : i32
    %scan3A_16 = arith.constant 1 : i32
    scf.for %scan3A_32 = %scan3A_13 to %scan3A_15 step %scan3A_16  : i32 {
      %gt3A = arith.constant 0 : i32
      %gt3A_33 = arith.cmpi sgt, %scan3A_32, %gt3A : i32
      %convert_element_type3A_34 = arith.extui %gt3A_33 : i1 to i32
      %cond3A_35 = arith.constant 0 : i32
      %cond3A_36 = arith.cmpi ne, %convert_element_type3A_34, %cond3A_35 : i32
      scf.if %cond3A_36 {
        %dma_wait3A_89 = arith.constant 0 : i32
        %dma_wait3A_90 = arith.constant 0 : i32
        %dma_wait3A_91 = tpu.memref_slice %arg8[%dma_wait3A_89, %dma_wait3A_90] : memref<50176x32xf32, #tpu.memory_space<vmem_shared>> -> memref<50176x32xf32, #tpu.memory_space<vmem_shared>>
        tpu.wait_indirect_dma semaphore(%arg20 : memref<!tpu.dma_semaphore, #tpu.memory_space<semaphore_mem>>) src(%arg11 : memref<128x32xf32, #tpu.memory_space<vmem>>) dst(%dma_wait3A_91 : memref<50176x32xf32, #tpu.memory_space<vmem_shared>>)
        %dma_wait3A_92 = arith.constant 0 : i32
        %dma_wait3A_93 = arith.constant 0 : i32
        %dma_wait3A_94 = tpu.memref_slice %arg8[%dma_wait3A_92, %dma_wait3A_93] : memref<50176x32xf32, #tpu.memory_space<vmem_shared>> -> memref<50176x32xf32, #tpu.memory_space<vmem_shared>>
        tpu.wait_indirect_dma semaphore(%arg21 : memref<!tpu.dma_semaphore, #tpu.memory_space<semaphore_mem>>) src(%arg14 : memref<128x32xf32, #tpu.memory_space<vmem>>) dst(%dma_wait3A_94 : memref<50176x32xf32, #tpu.memory_space<vmem_shared>>)
      } else {
      }
      %mul3A_37 = arith.constant 2 : i32
      %mul3A_38 = arith.muli %scan3A_32, %mul3A_37 : i32
      %add3A = arith.addi %mul3A_11, %mul3A_38 : i32
      %mul3A_39 = arith.constant 128 : i32
      %mul3A_40 = arith.muli %add3A, %mul3A_39 : i32
      %add3A_41 = arith.constant 128 : i32
      %add3A_42 = arith.addi %mul3A_40, %add3A_41 : i32
      %dma_start3A = tpu.memref_slice %arg2[%mul3A_40] : memref<800000xi32, #tpu.memory_space<hbm>> -> memref<128xi32, #tpu.memory_space<hbm>>
      %dma_start3A_43 = tpu.memref_slice %arg2[%mul3A_40] : memref<800000xi32, #tpu.memory_space<hbm>> -> memref<128xi32, #tpu.memory_space<hbm>>
      tpu.enqueue_dma source(%dma_start3A_43 : memref<128xi32, #tpu.memory_space<hbm>>) target(%arg9 : memref<128xi32, #tpu.memory_space<vmem>>) target_semaphore(%arg16 : memref<!tpu.dma_semaphore, #tpu.memory_space<semaphore_mem>>)
      %dma_start3A_44 = tpu.memref_slice %arg3[%mul3A_40] : memref<800000xi32, #tpu.memory_space<hbm>> -> memref<128xi32, #tpu.memory_space<hbm>>
      %dma_start3A_45 = tpu.memref_slice %arg3[%mul3A_40] : memref<800000xi32, #tpu.memory_space<hbm>> -> memref<128xi32, #tpu.memory_space<hbm>>
      tpu.enqueue_dma source(%dma_start3A_45 : memref<128xi32, #tpu.memory_space<hbm>>) target(%arg10 : memref<128xi32, #tpu.memory_space<vmem>>) target_semaphore(%arg16 : memref<!tpu.dma_semaphore, #tpu.memory_space<semaphore_mem>>)
      %dma_start3A_46 = tpu.memref_slice %arg2[%add3A_42] : memref<800000xi32, #tpu.memory_space<hbm>> -> memref<128xi32, #tpu.memory_space<hbm>>
      %dma_start3A_47 = tpu.memref_slice %arg2[%add3A_42] : memref<800000xi32, #tpu.memory_space<hbm>> -> memref<128xi32, #tpu.memory_space<hbm>>
      tpu.enqueue_dma source(%dma_start3A_47 : memref<128xi32, #tpu.memory_space<hbm>>) target(%arg12 : memref<128xi32, #tpu.memory_space<vmem>>) target_semaphore(%arg17 : memref<!tpu.dma_semaphore, #tpu.memory_space<semaphore_mem>>)
      %dma_start3A_48 = tpu.memref_slice %arg3[%add3A_42] : memref<800000xi32, #tpu.memory_space<hbm>> -> memref<128xi32, #tpu.memory_space<hbm>>
      %dma_start3A_49 = tpu.memref_slice %arg3[%add3A_42] : memref<800000xi32, #tpu.memory_space<hbm>> -> memref<128xi32, #tpu.memory_space<hbm>>
      tpu.enqueue_dma source(%dma_start3A_49 : memref<128xi32, #tpu.memory_space<hbm>>) target(%arg13 : memref<128xi32, #tpu.memory_space<vmem>>) target_semaphore(%arg17 : memref<!tpu.dma_semaphore, #tpu.memory_space<semaphore_mem>>)
      %dma_wait3A_50 = tpu.memref_slice %arg2[%mul3A_40] : memref<800000xi32, #tpu.memory_space<hbm>> -> memref<128xi32, #tpu.memory_space<hbm>>
      %dma_wait3A_51 = tpu.memref_slice %arg2[%mul3A_40] : memref<800000xi32, #tpu.memory_space<hbm>> -> memref<128xi32, #tpu.memory_space<hbm>>
      tpu.wait_dma2 semaphore(%arg16 : memref<!tpu.dma_semaphore, #tpu.memory_space<semaphore_mem>>) src(%dma_wait3A_51 : memref<128xi32, #tpu.memory_space<hbm>>) dst(%arg9 : memref<128xi32, #tpu.memory_space<vmem>>)
      %dma_wait3A_52 = tpu.memref_slice %arg3[%mul3A_40] : memref<800000xi32, #tpu.memory_space<hbm>> -> memref<128xi32, #tpu.memory_space<hbm>>
      %dma_wait3A_53 = tpu.memref_slice %arg3[%mul3A_40] : memref<800000xi32, #tpu.memory_space<hbm>> -> memref<128xi32, #tpu.memory_space<hbm>>
      tpu.wait_dma2 semaphore(%arg16 : memref<!tpu.dma_semaphore, #tpu.memory_space<semaphore_mem>>) src(%dma_wait3A_53 : memref<128xi32, #tpu.memory_space<hbm>>) dst(%arg10 : memref<128xi32, #tpu.memory_space<vmem>>)
      %eq3A = arith.constant 0 : i32
      %eq3A_54 = arith.cmpi eq, %arg0, %eq3A : i32
      %convert_element_type3A_55 = arith.extui %eq3A_54 : i1 to i32
      %cond3A_56 = arith.constant 0 : i32
      %cond3A_57 = arith.cmpi ne, %convert_element_type3A_55, %cond3A_56 : i32
      scf.if %cond3A_57 {
        %dma_start3A_89 = arith.constant 0 : i32
        %dma_start3A_90 = arith.constant 0 : i32
        %dma_start3A_91 = tpu.memref_slice %arg4[%dma_start3A_89, %dma_start3A_90] : memref<50000x32xf32, #tpu.memory_space<hbm>> -> memref<50000x32xf32, #tpu.memory_space<hbm>>
        tpu.enqueue_indirect_dma source(%dma_start3A_91 : memref<50000x32xf32, #tpu.memory_space<hbm>>) target(%arg11 : memref<128x32xf32, #tpu.memory_space<vmem>>) offsets(%arg9 : memref<128xi32, #tpu.memory_space<vmem>>) semaphore(%arg18 : memref<!tpu.dma_semaphore, #tpu.memory_space<semaphore_mem>>)
      } else {
      }
      %eq3A_58 = arith.constant 1 : i32
      %eq3A_59 = arith.cmpi eq, %arg0, %eq3A_58 : i32
      %convert_element_type3A_60 = arith.extui %eq3A_59 : i1 to i32
      %cond3A_61 = arith.constant 0 : i32
      %cond3A_62 = arith.cmpi ne, %convert_element_type3A_60, %cond3A_61 : i32
      scf.if %cond3A_62 {
        %dma_start3A_89 = arith.constant 0 : i32
        %dma_start3A_90 = arith.constant 0 : i32
        %dma_start3A_91 = tpu.memref_slice %arg5[%dma_start3A_89, %dma_start3A_90] : memref<50000x32xf32, #tpu.memory_space<hbm>> -> memref<50000x32xf32, #tpu.memory_space<hbm>>
        tpu.enqueue_indirect_dma source(%dma_start3A_91 : memref<50000x32xf32, #tpu.memory_space<hbm>>) target(%arg11 : memref<128x32xf32, #tpu.memory_space<vmem>>) offsets(%arg9 : memref<128xi32, #tpu.memory_space<vmem>>) semaphore(%arg18 : memref<!tpu.dma_semaphore, #tpu.memory_space<semaphore_mem>>)
      } else {
      }
      %dma_wait3A_63 = tpu.memref_slice %arg2[%add3A_42] : memref<800000xi32, #tpu.memory_space<hbm>> -> memref<128xi32, #tpu.memory_space<hbm>>
      %dma_wait3A_64 = tpu.memref_slice %arg2[%add3A_42] : memref<800000xi32, #tpu.memory_space<hbm>> -> memref<128xi32, #tpu.memory_space<hbm>>
      tpu.wait_dma2 semaphore(%arg17 : memref<!tpu.dma_semaphore, #tpu.memory_space<semaphore_mem>>) src(%dma_wait3A_64 : memref<128xi32, #tpu.memory_space<hbm>>) dst(%arg12 : memref<128xi32, #tpu.memory_space<vmem>>)
      %dma_wait3A_65 = tpu.memref_slice %arg3[%add3A_42] : memref<800000xi32, #tpu.memory_space<hbm>> -> memref<128xi32, #tpu.memory_space<hbm>>
      %dma_wait3A_66 = tpu.memref_slice %arg3[%add3A_42] : memref<800000xi32, #tpu.memory_space<hbm>> -> memref<128xi32, #tpu.memory_space<hbm>>
      tpu.wait_dma2 semaphore(%arg17 : memref<!tpu.dma_semaphore, #tpu.memory_space<semaphore_mem>>) src(%dma_wait3A_66 : memref<128xi32, #tpu.memory_space<hbm>>) dst(%arg13 : memref<128xi32, #tpu.memory_space<vmem>>)
      %eq3A_67 = arith.constant 0 : i32
      %eq3A_68 = arith.cmpi eq, %arg0, %eq3A_67 : i32
      %convert_element_type3A_69 = arith.extui %eq3A_68 : i1 to i32
      %cond3A_70 = arith.constant 0 : i32
      %cond3A_71 = arith.cmpi ne, %convert_element_type3A_69, %cond3A_70 : i32
      scf.if %cond3A_71 {
        %dma_start3A_89 = arith.constant 0 : i32
        %dma_start3A_90 = arith.constant 0 : i32
        %dma_start3A_91 = tpu.memref_slice %arg4[%dma_start3A_89, %dma_start3A_90] : memref<50000x32xf32, #tpu.memory_space<hbm>> -> memref<50000x32xf32, #tpu.memory_space<hbm>>
        tpu.enqueue_indirect_dma source(%dma_start3A_91 : memref<50000x32xf32, #tpu.memory_space<hbm>>) target(%arg14 : memref<128x32xf32, #tpu.memory_space<vmem>>) offsets(%arg12 : memref<128xi32, #tpu.memory_space<vmem>>) semaphore(%arg19 : memref<!tpu.dma_semaphore, #tpu.memory_space<semaphore_mem>>)
      } else {
      }
      %eq3A_72 = arith.constant 1 : i32
      %eq3A_73 = arith.cmpi eq, %arg0, %eq3A_72 : i32
      %convert_element_type3A_74 = arith.extui %eq3A_73 : i1 to i32
      %cond3A_75 = arith.constant 0 : i32
      %cond3A_76 = arith.cmpi ne, %convert_element_type3A_74, %cond3A_75 : i32
      scf.if %cond3A_76 {
        %dma_start3A_89 = arith.constant 0 : i32
        %dma_start3A_90 = arith.constant 0 : i32
        %dma_start3A_91 = tpu.memref_slice %arg5[%dma_start3A_89, %dma_start3A_90] : memref<50000x32xf32, #tpu.memory_space<hbm>> -> memref<50000x32xf32, #tpu.memory_space<hbm>>
        tpu.enqueue_indirect_dma source(%dma_start3A_91 : memref<50000x32xf32, #tpu.memory_space<hbm>>) target(%arg14 : memref<128x32xf32, #tpu.memory_space<vmem>>) offsets(%arg12 : memref<128xi32, #tpu.memory_space<vmem>>) semaphore(%arg19 : memref<!tpu.dma_semaphore, #tpu.memory_space<semaphore_mem>>)
      } else {
      }
      %dma_wait3A_77 = arith.constant 0 : i32
      %dma_wait3A_78 = arith.constant 0 : i32
      %dma_wait3A_79 = tpu.memref_slice %arg4[%dma_wait3A_77, %dma_wait3A_78] : memref<50000x32xf32, #tpu.memory_space<hbm>> -> memref<50000x32xf32, #tpu.memory_space<hbm>>
      tpu.wait_indirect_dma semaphore(%arg18 : memref<!tpu.dma_semaphore, #tpu.memory_space<semaphore_mem>>) src(%dma_wait3A_79 : memref<50000x32xf32, #tpu.memory_space<hbm>>) dst(%arg11 : memref<128x32xf32, #tpu.memory_space<vmem>>)
      %dma_start3A_80 = arith.constant 0 : i32
      %dma_start3A_81 = arith.constant 0 : i32
      %dma_start3A_82 = tpu.memref_slice %arg8[%dma_start3A_80, %dma_start3A_81] : memref<50176x32xf32, #tpu.memory_space<vmem_shared>> -> memref<50176x32xf32, #tpu.memory_space<vmem_shared>>
      tpu.enqueue_indirect_dma source(%arg11 : memref<128x32xf32, #tpu.memory_space<vmem>>) target(%dma_start3A_82 : memref<50176x32xf32, #tpu.memory_space<vmem_shared>>) offsets(%arg10 : memref<128xi32, #tpu.memory_space<vmem>>) semaphore(%arg20 : memref<!tpu.dma_semaphore, #tpu.memory_space<semaphore_mem>>) {add = true}
      %dma_wait3A_83 = arith.constant 0 : i32
      %dma_wait3A_84 = arith.constant 0 : i32
      %dma_wait3A_85 = tpu.memref_slice %arg4[%dma_wait3A_83, %dma_wait3A_84] : memref<50000x32xf32, #tpu.memory_space<hbm>> -> memref<50000x32xf32, #tpu.memory_space<hbm>>
      tpu.wait_indirect_dma semaphore(%arg19 : memref<!tpu.dma_semaphore, #tpu.memory_space<semaphore_mem>>) src(%dma_wait3A_85 : memref<50000x32xf32, #tpu.memory_space<hbm>>) dst(%arg14 : memref<128x32xf32, #tpu.memory_space<vmem>>)
      %dma_start3A_86 = arith.constant 0 : i32
      %dma_start3A_87 = arith.constant 0 : i32
      %dma_start3A_88 = tpu.memref_slice %arg8[%dma_start3A_86, %dma_start3A_87] : memref<50176x32xf32, #tpu.memory_space<vmem_shared>> -> memref<50176x32xf32, #tpu.memory_space<vmem_shared>>
      tpu.enqueue_indirect_dma source(%arg14 : memref<128x32xf32, #tpu.memory_space<vmem>>) target(%dma_start3A_88 : memref<50176x32xf32, #tpu.memory_space<vmem_shared>>) offsets(%arg13 : memref<128xi32, #tpu.memory_space<vmem>>) semaphore(%arg21 : memref<!tpu.dma_semaphore, #tpu.memory_space<semaphore_mem>>) {add = true}
    }
    %scan3A_17 = arith.constant 195 : i32
    %dma_wait3A = arith.constant 0 : i32
    %dma_wait3A_18 = arith.constant 0 : i32
    %dma_wait3A_19 = tpu.memref_slice %arg8[%dma_wait3A, %dma_wait3A_18] : memref<50176x32xf32, #tpu.memory_space<vmem_shared>> -> memref<50176x32xf32, #tpu.memory_space<vmem_shared>>
    tpu.wait_indirect_dma semaphore(%arg20 : memref<!tpu.dma_semaphore, #tpu.memory_space<semaphore_mem>>) src(%arg11 : memref<128x32xf32, #tpu.memory_space<vmem>>) dst(%dma_wait3A_19 : memref<50176x32xf32, #tpu.memory_space<vmem_shared>>)
    %dma_wait3A_20 = arith.constant 0 : i32
    %dma_wait3A_21 = arith.constant 0 : i32
    %dma_wait3A_22 = tpu.memref_slice %arg8[%dma_wait3A_20, %dma_wait3A_21] : memref<50176x32xf32, #tpu.memory_space<vmem_shared>> -> memref<50176x32xf32, #tpu.memory_space<vmem_shared>>
    tpu.wait_indirect_dma semaphore(%arg21 : memref<!tpu.dma_semaphore, #tpu.memory_space<semaphore_mem>>) src(%arg14 : memref<128x32xf32, #tpu.memory_space<vmem>>) dst(%dma_wait3A_22 : memref<50176x32xf32, #tpu.memory_space<vmem_shared>>)
    %lt3A = arith.constant 10 : i32
    %lt3A_23 = arith.cmpi slt, %arg1, %lt3A : i32
    %convert_element_type3A = arith.extui %lt3A_23 : i1 to i32
    %cond3A = arith.constant 0 : i32
    %cond3A_24 = arith.cmpi ne, %convert_element_type3A, %cond3A : i32
    scf.if %cond3A_24 {
      %add3A = arith.constant 6240 : i32
      %add3A_32 = arith.addi %add3A, %arg1 : i32
      %mul3A_33 = arith.constant 128 : i32
      %mul3A_34 = arith.muli %add3A_32, %mul3A_33 : i32
      "tpu.region"() ({
        %run_scoped3A = tpu.sem_alloc : memref<!tpu.dma_semaphore, #tpu.memory_space<semaphore_mem>>
        %dma_start3A = tpu.memref_slice %arg2[%mul3A_34] : memref<800000xi32, #tpu.memory_space<hbm>> -> memref<128xi32, #tpu.memory_space<hbm>>
        %dma_start3A_44 = tpu.memref_slice %arg2[%mul3A_34] : memref<800000xi32, #tpu.memory_space<hbm>> -> memref<128xi32, #tpu.memory_space<hbm>>
        tpu.enqueue_dma source(%dma_start3A_44 : memref<128xi32, #tpu.memory_space<hbm>>) target(%arg9 : memref<128xi32, #tpu.memory_space<vmem>>) target_semaphore(%run_scoped3A : memref<!tpu.dma_semaphore, #tpu.memory_space<semaphore_mem>>)
        %dma_wait3A_45 = tpu.memref_slice %arg2[%mul3A_34] : memref<800000xi32, #tpu.memory_space<hbm>> -> memref<128xi32, #tpu.memory_space<hbm>>
        %dma_wait3A_46 = tpu.memref_slice %arg2[%mul3A_34] : memref<800000xi32, #tpu.memory_space<hbm>> -> memref<128xi32, #tpu.memory_space<hbm>>
        tpu.wait_dma2 semaphore(%run_scoped3A : memref<!tpu.dma_semaphore, #tpu.memory_space<semaphore_mem>>) src(%dma_wait3A_46 : memref<128xi32, #tpu.memory_space<hbm>>) dst(%arg9 : memref<128xi32, #tpu.memory_space<vmem>>)
        tpu.yield
      }) : () -> ()
      "tpu.region"() ({
        %run_scoped3A = tpu.sem_alloc : memref<!tpu.dma_semaphore, #tpu.memory_space<semaphore_mem>>
        %dma_start3A = tpu.memref_slice %arg3[%mul3A_34] : memref<800000xi32, #tpu.memory_space<hbm>> -> memref<128xi32, #tpu.memory_space<hbm>>
        %dma_start3A_44 = tpu.memref_slice %arg3[%mul3A_34] : memref<800000xi32, #tpu.memory_space<hbm>> -> memref<128xi32, #tpu.memory_space<hbm>>
        tpu.enqueue_dma source(%dma_start3A_44 : memref<128xi32, #tpu.memory_space<hbm>>) target(%arg10 : memref<128xi32, #tpu.memory_space<vmem>>) target_semaphore(%run_scoped3A : memref<!tpu.dma_semaphore, #tpu.memory_space<semaphore_mem>>)
        %dma_wait3A_45 = tpu.memref_slice %arg3[%mul3A_34] : memref<800000xi32, #tpu.memory_space<hbm>> -> memref<128xi32, #tpu.memory_space<hbm>>
        %dma_wait3A_46 = tpu.memref_slice %arg3[%mul3A_34] : memref<800000xi32, #tpu.memory_space<hbm>> -> memref<128xi32, #tpu.memory_space<hbm>>
        tpu.wait_dma2 semaphore(%run_scoped3A : memref<!tpu.dma_semaphore, #tpu.memory_space<semaphore_mem>>) src(%dma_wait3A_46 : memref<128xi32, #tpu.memory_space<hbm>>) dst(%arg10 : memref<128xi32, #tpu.memory_space<vmem>>)
        tpu.yield
      }) : () -> ()
      %eq3A = arith.constant 0 : i32
      %eq3A_35 = arith.cmpi eq, %arg0, %eq3A : i32
      %convert_element_type3A_36 = arith.extui %eq3A_35 : i1 to i32
      %cond3A_37 = arith.constant 0 : i32
      %cond3A_38 = arith.cmpi ne, %convert_element_type3A_36, %cond3A_37 : i32
      scf.if %cond3A_38 {
        "tpu.region"() ({
          %run_scoped3A = tpu.sem_alloc : memref<!tpu.dma_semaphore, #tpu.memory_space<semaphore_mem>>
          %dma_start3A = arith.constant 0 : i32
          %dma_start3A_44 = arith.constant 0 : i32
          %dma_start3A_45 = tpu.memref_slice %arg4[%dma_start3A, %dma_start3A_44] : memref<50000x32xf32, #tpu.memory_space<hbm>> -> memref<50000x32xf32, #tpu.memory_space<hbm>>
          tpu.enqueue_indirect_dma source(%dma_start3A_45 : memref<50000x32xf32, #tpu.memory_space<hbm>>) target(%arg11 : memref<128x32xf32, #tpu.memory_space<vmem>>) offsets(%arg9 : memref<128xi32, #tpu.memory_space<vmem>>) semaphore(%run_scoped3A : memref<!tpu.dma_semaphore, #tpu.memory_space<semaphore_mem>>)
          %dma_wait3A_46 = arith.constant 0 : i32
          %dma_wait3A_47 = arith.constant 0 : i32
          %dma_wait3A_48 = tpu.memref_slice %arg4[%dma_wait3A_46, %dma_wait3A_47] : memref<50000x32xf32, #tpu.memory_space<hbm>> -> memref<50000x32xf32, #tpu.memory_space<hbm>>
          tpu.wait_indirect_dma semaphore(%run_scoped3A : memref<!tpu.dma_semaphore, #tpu.memory_space<semaphore_mem>>) src(%dma_wait3A_48 : memref<50000x32xf32, #tpu.memory_space<hbm>>) dst(%arg11 : memref<128x32xf32, #tpu.memory_space<vmem>>)
          tpu.yield
        }) : () -> ()
      } else {
      }
      %eq3A_39 = arith.constant 1 : i32
      %eq3A_40 = arith.cmpi eq, %arg0, %eq3A_39 : i32
      %convert_element_type3A_41 = arith.extui %eq3A_40 : i1 to i32
      %cond3A_42 = arith.constant 0 : i32
      %cond3A_43 = arith.cmpi ne, %convert_element_type3A_41, %cond3A_42 : i32
      scf.if %cond3A_43 {
        "tpu.region"() ({
          %run_scoped3A = tpu.sem_alloc : memref<!tpu.dma_semaphore, #tpu.memory_space<semaphore_mem>>
          %dma_start3A = arith.constant 0 : i32
          %dma_start3A_44 = arith.constant 0 : i32
          %dma_start3A_45 = tpu.memref_slice %arg5[%dma_start3A, %dma_start3A_44] : memref<50000x32xf32, #tpu.memory_space<hbm>> -> memref<50000x32xf32, #tpu.memory_space<hbm>>
          tpu.enqueue_indirect_dma source(%dma_start3A_45 : memref<50000x32xf32, #tpu.memory_space<hbm>>) target(%arg11 : memref<128x32xf32, #tpu.memory_space<vmem>>) offsets(%arg9 : memref<128xi32, #tpu.memory_space<vmem>>) semaphore(%run_scoped3A : memref<!tpu.dma_semaphore, #tpu.memory_space<semaphore_mem>>)
          %dma_wait3A_46 = arith.constant 0 : i32
          %dma_wait3A_47 = arith.constant 0 : i32
          %dma_wait3A_48 = tpu.memref_slice %arg5[%dma_wait3A_46, %dma_wait3A_47] : memref<50000x32xf32, #tpu.memory_space<hbm>> -> memref<50000x32xf32, #tpu.memory_space<hbm>>
          tpu.wait_indirect_dma semaphore(%run_scoped3A : memref<!tpu.dma_semaphore, #tpu.memory_space<semaphore_mem>>) src(%dma_wait3A_48 : memref<50000x32xf32, #tpu.memory_space<hbm>>) dst(%arg11 : memref<128x32xf32, #tpu.memory_space<vmem>>)
          tpu.yield
        }) : () -> ()
      } else {
      }
      "tpu.region"() ({
        %run_scoped3A = tpu.sem_alloc : memref<!tpu.dma_semaphore, #tpu.memory_space<semaphore_mem>>
        %dma_start3A = arith.constant 0 : i32
        %dma_start3A_44 = arith.constant 0 : i32
        %dma_start3A_45 = tpu.memref_slice %arg8[%dma_start3A, %dma_start3A_44] : memref<50176x32xf32, #tpu.memory_space<vmem_shared>> -> memref<50176x32xf32, #tpu.memory_space<vmem_shared>>
        tpu.enqueue_indirect_dma source(%arg11 : memref<128x32xf32, #tpu.memory_space<vmem>>) target(%dma_start3A_45 : memref<50176x32xf32, #tpu.memory_space<vmem_shared>>) offsets(%arg10 : memref<128xi32, #tpu.memory_space<vmem>>) semaphore(%run_scoped3A : memref<!tpu.dma_semaphore, #tpu.memory_space<semaphore_mem>>) {add = true}
        %dma_wait3A_46 = arith.constant 0 : i32
        %dma_wait3A_47 = arith.constant 0 : i32
        %dma_wait3A_48 = tpu.memref_slice %arg8[%dma_wait3A_46, %dma_wait3A_47] : memref<50176x32xf32, #tpu.memory_space<vmem_shared>> -> memref<50176x32xf32, #tpu.memory_space<vmem_shared>>
        tpu.wait_indirect_dma semaphore(%run_scoped3A : memref<!tpu.dma_semaphore, #tpu.memory_space<semaphore_mem>>) src(%arg11 : memref<128x32xf32, #tpu.memory_space<vmem>>) dst(%dma_wait3A_48 : memref<50176x32xf32, #tpu.memory_space<vmem_shared>>)
        tpu.yield
      }) : () -> ()
    } else {
    }
    %barrier3A_25 = arith.constant 0 : index
    tpu.barrier barrier_id(%barrier3A_25)
    %scan3A_26 = arith.constant 0 : i32
    %scan3A_27 = arith.constant 0 : i32
    %scan3A_28 = arith.constant 16 : i32
    %scan3A_29 = arith.addi %scan3A_27, %scan3A_28 : i32
    %scan3A_30 = arith.constant 1 : i32
    scf.for %scan3A_32 = %scan3A_27 to %scan3A_29 step %scan3A_30  : i32 {
      %mul3A_33 = arith.constant 3136 : i32
      %mul3A_34 = arith.muli %arg1, %mul3A_33 : i32
      %mul3A_35 = arith.constant 196 : i32
      %mul3A_36 = arith.muli %scan3A_32, %mul3A_35 : i32
      %add3A = arith.addi %mul3A_34, %mul3A_36 : i32
      "tpu.region"() ({
        %run_scoped3A = tpu.sem_alloc : memref<!tpu.dma_semaphore, #tpu.memory_space<semaphore_mem>>
        %dma_start3A = arith.constant 0 : i32
        %dma_start3A_46 = tpu.memref_slice %arg8[%add3A, %dma_start3A] : memref<50176x32xf32, #tpu.memory_space<vmem_shared>> -> memref<196x32xf32, #tpu.memory_space<vmem_shared>>
        %dma_start3A_47 = arith.constant 0 : i32
        %dma_start3A_48 = tpu.memref_slice %arg8[%add3A, %dma_start3A_47] : memref<50176x32xf32, #tpu.memory_space<vmem_shared>> -> memref<196x32xf32, #tpu.memory_space<vmem_shared>>
        tpu.enqueue_dma source(%dma_start3A_48 : memref<196x32xf32, #tpu.memory_space<vmem_shared>>) target(%arg15 : memref<196x32xf32, #tpu.memory_space<vmem>>) target_semaphore(%run_scoped3A : memref<!tpu.dma_semaphore, #tpu.memory_space<semaphore_mem>>)
        %dma_wait3A_49 = arith.constant 0 : i32
        %dma_wait3A_50 = tpu.memref_slice %arg8[%add3A, %dma_wait3A_49] : memref<50176x32xf32, #tpu.memory_space<vmem_shared>> -> memref<196x32xf32, #tpu.memory_space<vmem_shared>>
        %dma_wait3A_51 = arith.constant 0 : i32
        %dma_wait3A_52 = tpu.memref_slice %arg8[%add3A, %dma_wait3A_51] : memref<50176x32xf32, #tpu.memory_space<vmem_shared>> -> memref<196x32xf32, #tpu.memory_space<vmem_shared>>
        tpu.wait_dma2 semaphore(%run_scoped3A : memref<!tpu.dma_semaphore, #tpu.memory_space<semaphore_mem>>) src(%dma_wait3A_52 : memref<196x32xf32, #tpu.memory_space<vmem_shared>>) dst(%arg15 : memref<196x32xf32, #tpu.memory_space<vmem>>)
        tpu.yield
      }) : () -> ()
      %eq3A = arith.constant 0 : i32
      %eq3A_37 = arith.cmpi eq, %arg0, %eq3A : i32
      %convert_element_type3A_38 = arith.extui %eq3A_37 : i1 to i32
      %cond3A_39 = arith.constant 0 : i32
      %cond3A_40 = arith.cmpi ne, %convert_element_type3A_38, %cond3A_39 : i32
      scf.if %cond3A_40 {
        "tpu.region"() ({
          %run_scoped3A = tpu.sem_alloc : memref<!tpu.dma_semaphore, #tpu.memory_space<semaphore_mem>>
          %dma_start3A = arith.constant 0 : i32
          %dma_start3A_46 = tpu.memref_slice %arg6[%add3A, %dma_start3A] : memref<50176x32xf32, #tpu.memory_space<hbm>> -> memref<196x32xf32, #tpu.memory_space<hbm>>
          %dma_start3A_47 = arith.constant 0 : i32
          %dma_start3A_48 = tpu.memref_slice %arg6[%add3A, %dma_start3A_47] : memref<50176x32xf32, #tpu.memory_space<hbm>> -> memref<196x32xf32, #tpu.memory_space<hbm>>
          tpu.enqueue_dma source(%arg15 : memref<196x32xf32, #tpu.memory_space<vmem>>) target(%dma_start3A_48 : memref<196x32xf32, #tpu.memory_space<hbm>>) target_semaphore(%run_scoped3A : memref<!tpu.dma_semaphore, #tpu.memory_space<semaphore_mem>>)
          %dma_wait3A_49 = arith.constant 0 : i32
          %dma_wait3A_50 = tpu.memref_slice %arg6[%add3A, %dma_wait3A_49] : memref<50176x32xf32, #tpu.memory_space<hbm>> -> memref<196x32xf32, #tpu.memory_space<hbm>>
          %dma_wait3A_51 = arith.constant 0 : i32
          %dma_wait3A_52 = tpu.memref_slice %arg6[%add3A, %dma_wait3A_51] : memref<50176x32xf32, #tpu.memory_space<hbm>> -> memref<196x32xf32, #tpu.memory_space<hbm>>
          tpu.wait_dma2 semaphore(%run_scoped3A : memref<!tpu.dma_semaphore, #tpu.memory_space<semaphore_mem>>) src(%arg15 : memref<196x32xf32, #tpu.memory_space<vmem>>) dst(%dma_wait3A_52 : memref<196x32xf32, #tpu.memory_space<hbm>>)
          tpu.yield
        }) : () -> ()
      } else {
      }
      %eq3A_41 = arith.constant 1 : i32
      %eq3A_42 = arith.cmpi eq, %arg0, %eq3A_41 : i32
      %convert_element_type3A_43 = arith.extui %eq3A_42 : i1 to i32
      %cond3A_44 = arith.constant 0 : i32
      %cond3A_45 = arith.cmpi ne, %convert_element_type3A_43, %cond3A_44 : i32
      scf.if %cond3A_45 {
        "tpu.region"() ({
          %run_scoped3A = tpu.sem_alloc : memref<!tpu.dma_semaphore, #tpu.memory_space<semaphore_mem>>
          %dma_start3A = arith.constant 0 : i32
          %dma_start3A_46 = tpu.memref_slice %arg7[%add3A, %dma_start3A] : memref<50176x32xf32, #tpu.memory_space<hbm>> -> memref<196x32xf32, #tpu.memory_space<hbm>>
          %dma_start3A_47 = arith.constant 0 : i32
          %dma_start3A_48 = tpu.memref_slice %arg7[%add3A, %dma_start3A_47] : memref<50176x32xf32, #tpu.memory_space<hbm>> -> memref<196x32xf32, #tpu.memory_space<hbm>>
          tpu.enqueue_dma source(%arg15 : memref<196x32xf32, #tpu.memory_space<vmem>>) target(%dma_start3A_48 : memref<196x32xf32, #tpu.memory_space<hbm>>) target_semaphore(%run_scoped3A : memref<!tpu.dma_semaphore, #tpu.memory_space<semaphore_mem>>)
          %dma_wait3A_49 = arith.constant 0 : i32
          %dma_wait3A_50 = tpu.memref_slice %arg7[%add3A, %dma_wait3A_49] : memref<50176x32xf32, #tpu.memory_space<hbm>> -> memref<196x32xf32, #tpu.memory_space<hbm>>
          %dma_wait3A_51 = arith.constant 0 : i32
          %dma_wait3A_52 = tpu.memref_slice %arg7[%add3A, %dma_wait3A_51] : memref<50176x32xf32, #tpu.memory_space<hbm>> -> memref<196x32xf32, #tpu.memory_space<hbm>>
          tpu.wait_dma2 semaphore(%run_scoped3A : memref<!tpu.dma_semaphore, #tpu.memory_space<semaphore_mem>>) src(%arg15 : memref<196x32xf32, #tpu.memory_space<vmem>>) dst(%dma_wait3A_52 : memref<196x32xf32, #tpu.memory_space<hbm>>)
          tpu.yield
        }) : () -> ()
      } else {
      }
    }
    %scan3A_31 = arith.constant 16 : i32
    return
  }
}

module attributes {stable_mosaic.version = 14 : i64} {
  func.func @_tc_prep_body(%arg0: i32, %arg1: memref<1x2000x1xf32, #tpu.memory_space<vmem>>, %arg2: memref<1x2000x1xf32, #tpu.memory_space<vmem>>, %arg3: memref<1x2000x50xf32, #tpu.memory_space<vmem>>, %arg4: memref<1x2000x32xf32, #tpu.memory_space<vmem>>, %arg5: memref<1x2000x32xf32, #tpu.memory_space<vmem>>, %arg6: memref<1x2000x1xf32, #tpu.memory_space<vmem>>) attributes {dimension_semantics = [#tpu.dimension_semantics<arbitrary>], iteration_bounds = array<i64: 25>, scalar_prefetch = 0 : i64, scratch_operands = 0 : i64, tpu.core_type = #tpu.core_type<tc>, window_params = [{transform_indices = @transform_0, window_bounds = array<i64: 1, 2000, 1>}, {transform_indices = @transform_1, window_bounds = array<i64: 1, 2000, 1>}, {transform_indices = @transform_2, window_bounds = array<i64: 1, 2000, 50>}, {transform_indices = @transform_3, window_bounds = array<i64: 1, 2000, 32>}, {transform_indices = @transform_4, window_bounds = array<i64: 1, 2000, 32>}, {transform_indices = @transform_5, window_bounds = array<i64: 1, 2000, 1>}]} {
    %get3A = arith.constant 0 : index
    %get3A_0 = arith.constant 0 : index
    %get3A_1 = arith.constant 0 : index
    %get3A_2 = vector.load %arg1[%get3A, %get3A_0, %get3A_1] : memref<1x2000x1xf32, #tpu.memory_space<vmem>>, vector<1x2000x1xf32>
    %get3A_3 = vector.shape_cast %get3A_2 : vector<1x2000x1xf32> to vector<2000x1xf32>
    %get3A_4 = arith.constant 0 : index
    %get3A_5 = arith.constant 0 : index
    %get3A_6 = arith.constant 0 : index
    %get3A_7 = vector.load %arg2[%get3A_4, %get3A_5, %get3A_6] : memref<1x2000x1xf32, #tpu.memory_space<vmem>>, vector<1x2000x1xf32>
    %get3A_8 = vector.shape_cast %get3A_7 : vector<1x2000x1xf32> to vector<2000x1xf32>
    %add3A = arith.addf %get3A_3, %get3A_8 : vector<2000x1xf32>
    %add3A_9 = arith.constant 1.000000e+00 : f32
    %add3A_10 = vector.broadcast %add3A_9 : f32 to vector<2000x1xf32>
    %add3A_11 = arith.addf %add3A, %add3A_10 : vector<2000x1xf32>
    %rsqrt3A = math.rsqrt %add3A_11 : vector<2000x1xf32>
    %get3A_12 = arith.constant 0 : index
    %get3A_13 = arith.constant 0 : index
    %get3A_14 = arith.constant 0 : index
    %get3A_15 = vector.load %arg3[%get3A_12, %get3A_13, %get3A_14] : memref<1x2000x50xf32, #tpu.memory_space<vmem>>, vector<1x2000x50xf32>
    %get3A_16 = vector.shape_cast %get3A_15 : vector<1x2000x50xf32> to vector<2000x50xf32>
    %mul3A = vector.broadcast %rsqrt3A : vector<2000x1xf32> to vector<2000x50xf32>
    %mul3A_17 = arith.mulf %get3A_16, %mul3A : vector<2000x50xf32>
    %slice3A = vector.extract_strided_slice %mul3A_17 {offsets = [0, 0], sizes = [2000, 32], strides = [1, 1]} : vector<2000x50xf32> to vector<2000x32xf32>
    %swap3A = arith.constant 0 : index
    %swap3A_18 = arith.constant 0 : index
    %swap3A_19 = arith.constant 0 : index
    %swap3A_20 = vector.load %arg4[%swap3A, %swap3A_18, %swap3A_19] : memref<1x2000x32xf32, #tpu.memory_space<vmem>>, vector<1x2000x32xf32>
    %swap3A_21 = vector.shape_cast %swap3A_20 : vector<1x2000x32xf32> to vector<2000x32xf32>
    %swap3A_22 = vector.shape_cast %slice3A : vector<2000x32xf32> to vector<1x2000x32xf32>
    tpu.vector_store %arg4[%swap3A, %swap3A_18, %swap3A_19], %swap3A_22 {strides = array<i32>} : memref<1x2000x32xf32, #tpu.memory_space<vmem>>, vector<1x2000x32xf32>,
    %slice3A_23 = vector.extract_strided_slice %mul3A_17 {offsets = [0, 32], sizes = [2000, 18], strides = [1, 1]} : vector<2000x50xf32> to vector<2000x18xf32>
    %broadcast_in_dim3A = arith.constant 0.000000e+00 : f32
    %broadcast_in_dim3A_24 = vector.broadcast %broadcast_in_dim3A : f32 to vector<2000x14xf32>
    %concatenate3A = tpu.concatenate %slice3A_23, %broadcast_in_dim3A_24 in 1 : vector<2000x18xf32>, vector<2000x14xf32> -> vector<2000x32xf32>
    %swap3A_25 = arith.constant 0 : index
    %swap3A_26 = arith.constant 0 : index
    %swap3A_27 = arith.constant 0 : index
    %swap3A_28 = vector.load %arg5[%swap3A_25, %swap3A_26, %swap3A_27] : memref<1x2000x32xf32, #tpu.memory_space<vmem>>, vector<1x2000x32xf32>
    %swap3A_29 = vector.shape_cast %swap3A_28 : vector<1x2000x32xf32> to vector<2000x32xf32>
    %swap3A_30 = vector.shape_cast %concatenate3A : vector<2000x32xf32> to vector<1x2000x32xf32>
    tpu.vector_store %arg5[%swap3A_25, %swap3A_26, %swap3A_27], %swap3A_30 {strides = array<i32>} : memref<1x2000x32xf32, #tpu.memory_space<vmem>>, vector<1x2000x32xf32>,
    %swap3A_31 = arith.constant 0 : index
    %swap3A_32 = arith.constant 0 : index
    %swap3A_33 = arith.constant 0 : index
    %swap3A_34 = vector.load %arg6[%swap3A_31, %swap3A_32, %swap3A_33] : memref<1x2000x1xf32, #tpu.memory_space<vmem>>, vector<1x2000x1xf32>
    %swap3A_35 = vector.shape_cast %swap3A_34 : vector<1x2000x1xf32> to vector<2000x1xf32>
    %swap3A_36 = vector.shape_cast %rsqrt3A : vector<2000x1xf32> to vector<1x2000x1xf32>
    tpu.vector_store %arg6[%swap3A_31, %swap3A_32, %swap3A_33], %swap3A_36 {strides = array<i32>} : memref<1x2000x1xf32, #tpu.memory_space<vmem>>, vector<1x2000x1xf32>,
    return
  }
  func.func @transform_0(%arg0: i32) -> (i32, i32, i32) {
    %c0_i32 = arith.constant 0 : i32
    %c0_i32_0 = arith.constant 0 : i32
    %c0_i32_1 = arith.constant 0 : i32
    return %arg0, %c0_i32, %c0_i32_0 : i32, i32, i32
  }
  func.func @transform_1(%arg0: i32) -> (i32, i32, i32) {
    %c0_i32 = arith.constant 0 : i32
    %c0_i32_0 = arith.constant 0 : i32
    %c0_i32_1 = arith.constant 0 : i32
    return %arg0, %c0_i32, %c0_i32_0 : i32, i32, i32
  }
  func.func @transform_2(%arg0: i32) -> (i32, i32, i32) {
    %c0_i32 = arith.constant 0 : i32
    %c0_i32_0 = arith.constant 0 : i32
    %c0_i32_1 = arith.constant 0 : i32
    return %arg0, %c0_i32, %c0_i32_0 : i32, i32, i32
  }
  func.func @transform_3(%arg0: i32) -> (i32, i32, i32) {
    %c0_i32 = arith.constant 0 : i32
    %c0_i32_0 = arith.constant 0 : i32
    %c0_i32_1 = arith.constant 0 : i32
    return %arg0, %c0_i32, %c0_i32_0 : i32, i32, i32
  }
  func.func @transform_4(%arg0: i32) -> (i32, i32, i32) {
    %c0_i32 = arith.constant 0 : i32
    %c0_i32_0 = arith.constant 0 : i32
    %c0_i32_1 = arith.constant 0 : i32
    return %arg0, %c0_i32, %c0_i32_0 : i32, i32, i32
  }
  func.func @transform_5(%arg0: i32) -> (i32, i32, i32) {
    %c0_i32 = arith.constant 0 : i32
    %c0_i32_0 = arith.constant 0 : i32
    %c0_i32_1 = arith.constant 0 : i32
    return %arg0, %c0_i32, %c0_i32_0 : i32, i32, i32
  }
}

module attributes {stable_mosaic.version = 14 : i64} {
  func.func @_tc_dense_body(%arg0: i32, %arg1: memref<1x2000x32xf32, #tpu.memory_space<vmem>>, %arg2: memref<1x2000x32xf32, #tpu.memory_space<vmem>>, %arg3: memref<1x2000x64xf32, #tpu.memory_space<vmem>>, %arg4: memref<1x2000x50xf32, #tpu.memory_space<vmem>>, %arg5: memref<1x2000x1xf32, #tpu.memory_space<vmem>>, %arg6: memref<1x2000x1xi32, #tpu.memory_space<vmem>>, %arg7: memref<1x2000x50xf32, #tpu.memory_space<vmem>>, %arg8: memref<1x2000x1xi32, #tpu.memory_space<vmem>>, %arg9: memref<64x64xf32, #tpu.memory_space<vmem>>, %arg10: memref<1x64xf32, #tpu.memory_space<vmem>>, %arg11: memref<64x64xf32, #tpu.memory_space<vmem>>, %arg12: memref<1x64xf32, #tpu.memory_space<vmem>>, %arg13: memref<64x64xf32, #tpu.memory_space<vmem>>, %arg14: memref<64x64xf32, #tpu.memory_space<vmem>>, %arg15: memref<64x1xf32, #tpu.memory_space<vmem>>, %arg16: memref<64x50xf32, #tpu.memory_space<vmem>>, %arg17: memref<64x1xf32, #tpu.memory_space<vmem>>) attributes {dimension_semantics = [#tpu.dimension_semantics<arbitrary>], iteration_bounds = array<i64: 25>, scalar_prefetch = 0 : i64, scratch_operands = 0 : i64, tpu.core_type = #tpu.core_type<tc>, window_params = [{transform_indices = @transform_0, window_bounds = array<i64: 1, 2000, 32>}, {transform_indices = @transform_1, window_bounds = array<i64: 1, 2000, 32>}, {transform_indices = @transform_2, window_bounds = array<i64: 1, 2000, 64>}, {transform_indices = @transform_3, window_bounds = array<i64: 1, 2000, 50>}, {transform_indices = @transform_4, window_bounds = array<i64: 1, 2000, 1>}, {transform_indices = @transform_5, window_bounds = array<i64: 1, 2000, 1>}, {transform_indices = @transform_6, window_bounds = array<i64: 1, 2000, 50>}, {transform_indices = @transform_7, window_bounds = array<i64: 1, 2000, 1>}, {pipeline_mode = #tpu.pipeline_mode<synchronous>, transform_indices = @transform_8, window_bounds = array<i64: 64, 64>}, {pipeline_mode = #tpu.pipeline_mode<synchronous>, transform_indices = @transform_9, window_bounds = array<i64: 1, 64>}, {pipeline_mode = #tpu.pipeline_mode<synchronous>, transform_indices = @transform_10, window_bounds = array<i64: 64, 64>}, {pipeline_mode = #tpu.pipeline_mode<synchronous>, transform_indices = @transform_11, window_bounds = array<i64: 1, 64>}, {pipeline_mode = #tpu.pipeline_mode<synchronous>, transform_indices = @transform_12, window_bounds = array<i64: 64, 64>}, {pipeline_mode = #tpu.pipeline_mode<synchronous>, transform_indices = @transform_13, window_bounds = array<i64: 64, 64>}, {pipeline_mode = #tpu.pipeline_mode<synchronous>, transform_indices = @transform_14, window_bounds = array<i64: 64, 1>}, {pipeline_mode = #tpu.pipeline_mode<synchronous>, transform_indices = @transform_15, window_bounds = array<i64: 64, 50>}, {pipeline_mode = #tpu.pipeline_mode<synchronous>, transform_indices = @transform_16, window_bounds = array<i64: 64, 1>}]} {
    %eq3A = arith.constant 0 : i32
    %eq3A_0 = arith.cmpi eq, %arg0, %eq3A : i32
    %convert_element_type3A = arith.extui %eq3A_0 : i1 to i32
    %cond3A = arith.constant 0 : i32
    %cond3A_1 = arith.cmpi ne, %convert_element_type3A, %cond3A : i32
    scf.if %cond3A_1 {
      %broadcast_in_dim3A_131 = arith.constant 0.000000e+00 : f32
      %broadcast_in_dim3A_132 = vector.broadcast %broadcast_in_dim3A_131 : f32 to vector<64x64xf32>
      %swap3A_133 = arith.constant 0 : index
      %swap3A_134 = arith.constant 0 : index
      %swap3A_135 = vector.load %arg13[%swap3A_133, %swap3A_134] : memref<64x64xf32, #tpu.memory_space<vmem>>, vector<64x64xf32>
      tpu.vector_store %arg13[%swap3A_133, %swap3A_134], %broadcast_in_dim3A_132 {strides = array<i32>} : memref<64x64xf32, #tpu.memory_space<vmem>>, vector<64x64xf32>,
      %broadcast_in_dim3A_136 = arith.constant 0.000000e+00 : f32
      %broadcast_in_dim3A_137 = vector.broadcast %broadcast_in_dim3A_136 : f32 to vector<64x64xf32>
      %swap3A_138 = arith.constant 0 : index
      %swap3A_139 = arith.constant 0 : index
      %swap3A_140 = vector.load %arg14[%swap3A_138, %swap3A_139] : memref<64x64xf32, #tpu.memory_space<vmem>>, vector<64x64xf32>
      tpu.vector_store %arg14[%swap3A_138, %swap3A_139], %broadcast_in_dim3A_137 {strides = array<i32>} : memref<64x64xf32, #tpu.memory_space<vmem>>, vector<64x64xf32>,
      %broadcast_in_dim3A_141 = arith.constant 0.000000e+00 : f32
      %broadcast_in_dim3A_142 = vector.broadcast %broadcast_in_dim3A_141 : f32 to vector<64x1xf32>
      %swap3A_143 = arith.constant 0 : index
      %swap3A_144 = arith.constant 0 : index
      %swap3A_145 = vector.load %arg15[%swap3A_143, %swap3A_144] : memref<64x1xf32, #tpu.memory_space<vmem>>, vector<64x1xf32>
      tpu.vector_store %arg15[%swap3A_143, %swap3A_144], %broadcast_in_dim3A_142 {strides = array<i32>} : memref<64x1xf32, #tpu.memory_space<vmem>>, vector<64x1xf32>,
      %broadcast_in_dim3A_146 = arith.constant 0.000000e+00 : f32
      %broadcast_in_dim3A_147 = vector.broadcast %broadcast_in_dim3A_146 : f32 to vector<64x50xf32>
      %swap3A_148 = arith.constant 0 : index
      %swap3A_149 = arith.constant 0 : index
      %swap3A_150 = vector.load %arg16[%swap3A_148, %swap3A_149] : memref<64x50xf32, #tpu.memory_space<vmem>>, vector<64x50xf32>
      tpu.vector_store %arg16[%swap3A_148, %swap3A_149], %broadcast_in_dim3A_147 {strides = array<i32>} : memref<64x50xf32, #tpu.memory_space<vmem>>, vector<64x50xf32>,
      %broadcast_in_dim3A_151 = arith.constant 0.000000e+00 : f32
      %broadcast_in_dim3A_152 = vector.broadcast %broadcast_in_dim3A_151 : f32 to vector<64x1xf32>
      %swap3A_153 = arith.constant 0 : index
      %swap3A_154 = arith.constant 0 : index
      %swap3A_155 = vector.load %arg17[%swap3A_153, %swap3A_154] : memref<64x1xf32, #tpu.memory_space<vmem>>, vector<64x1xf32>
      tpu.vector_store %arg17[%swap3A_153, %swap3A_154], %broadcast_in_dim3A_152 {strides = array<i32>} : memref<64x1xf32, #tpu.memory_space<vmem>>, vector<64x1xf32>,
    } else {
    }
    %get3A = arith.constant 0 : index
    %get3A_2 = arith.constant 0 : index
    %get3A_3 = arith.constant 0 : index
    %get3A_4 = vector.load %arg5[%get3A, %get3A_2, %get3A_3] : memref<1x2000x1xf32, #tpu.memory_space<vmem>>, vector<1x2000x1xf32>
    %get3A_5 = vector.shape_cast %get3A_4 : vector<1x2000x1xf32> to vector<2000x1xf32>
    %get3A_6 = arith.constant 0 : index
    %get3A_7 = arith.constant 0 : index
    %get3A_8 = arith.constant 0 : index
    %get3A_9 = vector.load %arg4[%get3A_6, %get3A_7, %get3A_8] : memref<1x2000x50xf32, #tpu.memory_space<vmem>>, vector<1x2000x50xf32>
    %get3A_10 = vector.shape_cast %get3A_9 : vector<1x2000x50xf32> to vector<2000x50xf32>
    %broadcast_in_dim3A = arith.constant 0.000000e+00 : f32
    %broadcast_in_dim3A_11 = vector.broadcast %broadcast_in_dim3A : f32 to vector<2000x14xf32>
    %concatenate3A = tpu.concatenate %get3A_10, %broadcast_in_dim3A_11 in 1 : vector<2000x50xf32>, vector<2000x14xf32> -> vector<2000x64xf32>
    %get3A_12 = arith.constant 0 : index
    %get3A_13 = arith.constant 0 : index
    %get3A_14 = arith.constant 0 : index
    %get3A_15 = vector.load %arg1[%get3A_12, %get3A_13, %get3A_14] : memref<1x2000x32xf32, #tpu.memory_space<vmem>>, vector<1x2000x32xf32>
    %get3A_16 = vector.shape_cast %get3A_15 : vector<1x2000x32xf32> to vector<2000x32xf32>
    %get3A_17 = arith.constant 0 : index
    %get3A_18 = arith.constant 0 : index
    %get3A_19 = arith.constant 0 : index
    %get3A_20 = vector.load %arg2[%get3A_17, %get3A_18, %get3A_19] : memref<1x2000x32xf32, #tpu.memory_space<vmem>>, vector<1x2000x32xf32>
    %get3A_21 = vector.shape_cast %get3A_20 : vector<1x2000x32xf32> to vector<2000x32xf32>
    %concatenate3A_22 = tpu.concatenate %get3A_16, %get3A_21 in 1 : vector<2000x32xf32>, vector<2000x32xf32> -> vector<2000x64xf32>
    %mul3A = vector.broadcast %get3A_5 : vector<2000x1xf32> to vector<2000x64xf32>
    %mul3A_23 = arith.mulf %concatenate3A, %mul3A : vector<2000x64xf32>
    %add3A = arith.addf %concatenate3A_22, %mul3A_23 : vector<2000x64xf32>
    %mul3A_24 = vector.broadcast %get3A_5 : vector<2000x1xf32> to vector<2000x64xf32>
    %mul3A_25 = arith.mulf %mul3A_24, %add3A : vector<2000x64xf32>
    %get3A_26 = arith.constant 0 : index
    %get3A_27 = arith.constant 0 : index
    %get3A_28 = vector.load %arg9[%get3A_26, %get3A_27] : memref<64x64xf32, #tpu.memory_space<vmem>>, vector<64x64xf32>
    %dot_general3A = arith.constant dense<0.000000e+00> : vector<2000x64xf32>
    %dot_general3A_29 = tpu.matmul %mul3A_25, %get3A_28, %dot_general3A {dimension_numbers = #tpu.dot_dimension_numbers<[1], [0], [0], [1], [0, 0, 1, 1], [], []>, transpose_lhs_hint = false} : vector<2000x64xf32>, vector<64x64xf32>, vector<2000x64xf32> -> vector<2000x64xf32>
    %get3A_30 = arith.constant 0 : index
    %get3A_31 = arith.constant 0 : index
    %get3A_32 = vector.load %arg10[%get3A_30, %get3A_31] : memref<1x64xf32, #tpu.memory_space<vmem>>, vector<1x64xf32>
    %add3A_33 = vector.broadcast %get3A_32 : vector<1x64xf32> to vector<2000x64xf32>
    %add3A_34 = arith.addf %dot_general3A_29, %add3A_33 : vector<2000x64xf32>
    %max3A = arith.constant 0.000000e+00 : f32
    %max3A_35 = vector.broadcast %max3A : f32 to vector<2000x64xf32>
    %max3A_36 = arith.maximumf %add3A_34, %max3A_35 : vector<2000x64xf32>
    %get3A_37 = arith.constant 0 : index
    %get3A_38 = arith.constant 0 : index
    %get3A_39 = vector.load %arg11[%get3A_37, %get3A_38] : memref<64x64xf32, #tpu.memory_space<vmem>>, vector<64x64xf32>
    %dot_general3A_40 = arith.constant dense<0.000000e+00> : vector<2000x64xf32>
    %dot_general3A_41 = tpu.matmul %mul3A_25, %get3A_39, %dot_general3A_40 {dimension_numbers = #tpu.dot_dimension_numbers<[1], [0], [0], [1], [0, 0, 1, 1], [], []>, transpose_lhs_hint = false} : vector<2000x64xf32>, vector<64x64xf32>, vector<2000x64xf32> -> vector<2000x64xf32>
    %get3A_42 = arith.constant 0 : index
    %get3A_43 = arith.constant 0 : index
    %get3A_44 = vector.load %arg12[%get3A_42, %get3A_43] : memref<1x64xf32, #tpu.memory_space<vmem>>, vector<1x64xf32>
    %add3A_45 = vector.broadcast %get3A_44 : vector<1x64xf32> to vector<2000x64xf32>
    %add3A_46 = arith.addf %dot_general3A_41, %add3A_45 : vector<2000x64xf32>
    %max3A_47 = arith.constant 0.000000e+00 : f32
    %max3A_48 = vector.broadcast %max3A_47 : f32 to vector<2000x64xf32>
    %max3A_49 = arith.maximumf %add3A_46, %max3A_48 : vector<2000x64xf32>
    %get3A_50 = arith.constant 0 : index
    %get3A_51 = arith.constant 0 : index
    %get3A_52 = arith.constant 0 : index
    %get3A_53 = vector.load %arg6[%get3A_50, %get3A_51, %get3A_52] : memref<1x2000x1xi32, #tpu.memory_space<vmem>>, vector<1x2000x1xi32>
    %get3A_54 = vector.shape_cast %get3A_53 : vector<1x2000x1xi32> to vector<2000x1xi32>
    %iota3A = tpu.iota {dimensions = array<i32: 1>} : vector<2000x64xi32>
    %eq3A_55 = vector.broadcast %get3A_54 : vector<2000x1xi32> to vector<2000x64xi32>
    %eq3A_56 = arith.cmpi eq, %iota3A, %eq3A_55 : vector<2000x64xi32>
    %convert_element_type3A_57 = arith.extui %eq3A_56 : vector<2000x64xi1> to vector<2000x64xi32>
    %convert_element_type3A_58 = arith.sitofp %convert_element_type3A_57 : vector<2000x64xi32> to vector<2000x64xf32>
    %get3A_59 = arith.constant 0 : index
    %get3A_60 = arith.constant 0 : index
    %get3A_61 = arith.constant 0 : index
    %get3A_62 = vector.load %arg3[%get3A_59, %get3A_60, %get3A_61] : memref<1x2000x64xf32, #tpu.memory_space<vmem>>, vector<1x2000x64xf32>
    %get3A_63 = vector.shape_cast %get3A_62 : vector<1x2000x64xf32> to vector<2000x64xf32>
    %mul3A_64 = vector.broadcast %get3A_5 : vector<2000x1xf32> to vector<2000x64xf32>
    %mul3A_65 = arith.mulf %mul3A_64, %get3A_63 : vector<2000x64xf32>
    %mul3A_66 = arith.mulf %get3A_5, %get3A_5 : vector<2000x1xf32>
    %mul3A_67 = vector.broadcast %mul3A_66 : vector<2000x1xf32> to vector<2000x64xf32>
    %mul3A_68 = arith.mulf %convert_element_type3A_58, %mul3A_67 : vector<2000x64xf32>
    %add3A_69 = arith.addf %mul3A_65, %mul3A_68 : vector<2000x64xf32>
    %get3A_70 = arith.constant 0 : index
    %get3A_71 = arith.constant 0 : index
    %get3A_72 = vector.load %arg13[%get3A_70, %get3A_71] : memref<64x64xf32, #tpu.memory_space<vmem>>, vector<64x64xf32>
    %dot_general3A_73 = arith.constant dense<0.000000e+00> : vector<64x64xf32>
    %dot_general3A_74 = tpu.matmul %add3A_69, %max3A_36, %dot_general3A_73 {dimension_numbers = #tpu.dot_dimension_numbers<[0], [0], [1], [1], [0, 1, 1, 1], [], []>, transpose_lhs_hint = false} : vector<2000x64xf32>, vector<2000x64xf32>, vector<64x64xf32> -> vector<64x64xf32>
    %add3A_75 = arith.addf %get3A_72, %dot_general3A_74 : vector<64x64xf32>
    %swap3A = arith.constant 0 : index
    %swap3A_76 = arith.constant 0 : index
    %swap3A_77 = vector.load %arg13[%swap3A, %swap3A_76] : memref<64x64xf32, #tpu.memory_space<vmem>>, vector<64x64xf32>
    tpu.vector_store %arg13[%swap3A, %swap3A_76], %add3A_75 {strides = array<i32>} : memref<64x64xf32, #tpu.memory_space<vmem>>, vector<64x64xf32>,
    %get3A_78 = arith.constant 0 : index
    %get3A_79 = arith.constant 0 : index
    %get3A_80 = vector.load %arg14[%get3A_78, %get3A_79] : memref<64x64xf32, #tpu.memory_space<vmem>>, vector<64x64xf32>
    %dot_general3A_81 = arith.constant dense<0.000000e+00> : vector<64x64xf32>
    %dot_general3A_82 = tpu.matmul %add3A_69, %max3A_49, %dot_general3A_81 {dimension_numbers = #tpu.dot_dimension_numbers<[0], [0], [1], [1], [0, 1, 1, 1], [], []>, transpose_lhs_hint = false} : vector<2000x64xf32>, vector<2000x64xf32>, vector<64x64xf32> -> vector<64x64xf32>
    %add3A_83 = arith.addf %get3A_80, %dot_general3A_82 : vector<64x64xf32>
    %swap3A_84 = arith.constant 0 : index
    %swap3A_85 = arith.constant 0 : index
    %swap3A_86 = vector.load %arg14[%swap3A_84, %swap3A_85] : memref<64x64xf32, #tpu.memory_space<vmem>>, vector<64x64xf32>
    tpu.vector_store %arg14[%swap3A_84, %swap3A_85], %add3A_83 {strides = array<i32>} : memref<64x64xf32, #tpu.memory_space<vmem>>, vector<64x64xf32>,
    %broadcast_in_dim3A_87 = arith.constant 1.000000e+00 : f32
    %broadcast_in_dim3A_88 = vector.broadcast %broadcast_in_dim3A_87 : f32 to vector<2000x1xf32>
    %get3A_89 = arith.constant 0 : index
    %get3A_90 = arith.constant 0 : index
    %get3A_91 = vector.load %arg15[%get3A_89, %get3A_90] : memref<64x1xf32, #tpu.memory_space<vmem>>, vector<64x1xf32>
    %dot_general3A_92 = arith.constant dense<0.000000e+00> : vector<64x1xf32>
    %dot_general3A_93 = tpu.matmul %convert_element_type3A_58, %broadcast_in_dim3A_88, %dot_general3A_92 {dimension_numbers = #tpu.dot_dimension_numbers<[0], [0], [1], [1], [0, 1, 1, 1], [], []>, transpose_lhs_hint = false} : vector<2000x64xf32>, vector<2000x1xf32>, vector<64x1xf32> -> vector<64x1xf32>
    %add3A_94 = arith.addf %get3A_91, %dot_general3A_93 : vector<64x1xf32>
    %swap3A_95 = arith.constant 0 : index
    %swap3A_96 = arith.constant 0 : index
    %swap3A_97 = vector.load %arg15[%swap3A_95, %swap3A_96] : memref<64x1xf32, #tpu.memory_space<vmem>>, vector<64x1xf32>
    tpu.vector_store %arg15[%swap3A_95, %swap3A_96], %add3A_94 {strides = array<i32>} : memref<64x1xf32, #tpu.memory_space<vmem>>, vector<64x1xf32>,
    %get3A_98 = arith.constant 0 : index
    %get3A_99 = arith.constant 0 : index
    %get3A_100 = arith.constant 0 : index
    %get3A_101 = vector.load %arg8[%get3A_98, %get3A_99, %get3A_100] : memref<1x2000x1xi32, #tpu.memory_space<vmem>>, vector<1x2000x1xi32>
    %get3A_102 = vector.shape_cast %get3A_101 : vector<1x2000x1xi32> to vector<2000x1xi32>
    %iota3A_103 = tpu.iota {dimensions = array<i32: 1>} : vector<2000x64xi32>
    %eq3A_104 = vector.broadcast %get3A_102 : vector<2000x1xi32> to vector<2000x64xi32>
    %eq3A_105 = arith.cmpi eq, %iota3A_103, %eq3A_104 : vector<2000x64xi32>
    %convert_element_type3A_106 = arith.extui %eq3A_105 : vector<2000x64xi1> to vector<2000x64xi32>
    %convert_element_type3A_107 = arith.sitofp %convert_element_type3A_106 : vector<2000x64xi32> to vector<2000x64xf32>
    %get3A_108 = arith.constant 0 : index
    %get3A_109 = arith.constant 0 : index
    %get3A_110 = vector.load %arg16[%get3A_108, %get3A_109] : memref<64x50xf32, #tpu.memory_space<vmem>>, vector<64x50xf32>
    %get3A_111 = arith.constant 0 : index
    %get3A_112 = arith.constant 0 : index
    %get3A_113 = arith.constant 0 : index
    %get3A_114 = vector.load %arg7[%get3A_111, %get3A_112, %get3A_113] : memref<1x2000x50xf32, #tpu.memory_space<vmem>>, vector<1x2000x50xf32>
    %get3A_115 = vector.shape_cast %get3A_114 : vector<1x2000x50xf32> to vector<2000x50xf32>
    %dot_general3A_116 = arith.constant dense<0.000000e+00> : vector<64x50xf32>
    %dot_general3A_117 = tpu.matmul %convert_element_type3A_107, %get3A_115, %dot_general3A_116 {dimension_numbers = #tpu.dot_dimension_numbers<[0], [0], [1], [1], [0, 1, 1, 1], [], []>, transpose_lhs_hint = false} : vector<2000x64xf32>, vector<2000x50xf32>, vector<64x50xf32> -> vector<64x50xf32>
    %add3A_118 = arith.addf %get3A_110, %dot_general3A_117 : vector<64x50xf32>
    %swap3A_119 = arith.constant 0 : index
    %swap3A_120 = arith.constant 0 : index
    %swap3A_121 = vector.load %arg16[%swap3A_119, %swap3A_120] : memref<64x50xf32, #tpu.memory_space<vmem>>, vector<64x50xf32>
    tpu.vector_store %arg16[%swap3A_119, %swap3A_120], %add3A_118 {strides = array<i32>} : memref<64x50xf32, #tpu.memory_space<vmem>>, vector<64x50xf32>,
    %get3A_122 = arith.constant 0 : index
    %get3A_123 = arith.constant 0 : index
    %get3A_124 = vector.load %arg17[%get3A_122, %get3A_123] : memref<64x1xf32, #tpu.memory_space<vmem>>, vector<64x1xf32>
    %dot_general3A_125 = arith.constant dense<0.000000e+00> : vector<64x1xf32>
    %dot_general3A_126 = tpu.matmul %convert_element_type3A_107, %broadcast_in_dim3A_88, %dot_general3A_125 {dimension_numbers = #tpu.dot_dimension_numbers<[0], [0], [1], [1], [0, 1, 1, 1], [], []>, transpose_lhs_hint = false} : vector<2000x64xf32>, vector<2000x1xf32>, vector<64x1xf32> -> vector<64x1xf32>
    %add3A_127 = arith.addf %get3A_124, %dot_general3A_126 : vector<64x1xf32>
    %swap3A_128 = arith.constant 0 : index
    %swap3A_129 = arith.constant 0 : index
    %swap3A_130 = vector.load %arg17[%swap3A_128, %swap3A_129] : memref<64x1xf32, #tpu.memory_space<vmem>>, vector<64x1xf32>
    tpu.vector_store %arg17[%swap3A_128, %swap3A_129], %add3A_127 {strides = array<i32>} : memref<64x1xf32, #tpu.memory_space<vmem>>, vector<64x1xf32>,
    return
  }
  func.func @transform_0(%arg0: i32) -> (i32, i32, i32) {
    %c0_i32 = arith.constant 0 : i32
    %c0_i32_0 = arith.constant 0 : i32
    %c0_i32_1 = arith.constant 0 : i32
    return %arg0, %c0_i32, %c0_i32_0 : i32, i32, i32
  }
  func.func @transform_1(%arg0: i32) -> (i32, i32, i32) {
    %c0_i32 = arith.constant 0 : i32
    %c0_i32_0 = arith.constant 0 : i32
    %c0_i32_1 = arith.constant 0 : i32
    return %arg0, %c0_i32, %c0_i32_0 : i32, i32, i32
  }
  func.func @transform_2(%arg0: i32) -> (i32, i32, i32) {
    %c0_i32 = arith.constant 0 : i32
    %c0_i32_0 = arith.constant 0 : i32
    %c0_i32_1 = arith.constant 0 : i32
    return %arg0, %c0_i32, %c0_i32_0 : i32, i32, i32
  }
  func.func @transform_3(%arg0: i32) -> (i32, i32, i32) {
    %c0_i32 = arith.constant 0 : i32
    %c0_i32_0 = arith.constant 0 : i32
    %c0_i32_1 = arith.constant 0 : i32
    return %arg0, %c0_i32, %c0_i32_0 : i32, i32, i32
  }
  func.func @transform_4(%arg0: i32) -> (i32, i32, i32) {
    %c0_i32 = arith.constant 0 : i32
    %c0_i32_0 = arith.constant 0 : i32
    %c0_i32_1 = arith.constant 0 : i32
    return %arg0, %c0_i32, %c0_i32_0 : i32, i32, i32
  }
  func.func @transform_5(%arg0: i32) -> (i32, i32, i32) {
    %c0_i32 = arith.constant 0 : i32
    %c0_i32_0 = arith.constant 0 : i32
    %c0_i32_1 = arith.constant 0 : i32
    return %arg0, %c0_i32, %c0_i32_0 : i32, i32, i32
  }
  func.func @transform_6(%arg0: i32) -> (i32, i32, i32) {
    %c0_i32 = arith.constant 0 : i32
    %c0_i32_0 = arith.constant 0 : i32
    %c0_i32_1 = arith.constant 0 : i32
    return %arg0, %c0_i32, %c0_i32_0 : i32, i32, i32
  }
  func.func @transform_7(%arg0: i32) -> (i32, i32, i32) {
    %c0_i32 = arith.constant 0 : i32
    %c0_i32_0 = arith.constant 0 : i32
    %c0_i32_1 = arith.constant 0 : i32
    return %arg0, %c0_i32, %c0_i32_0 : i32, i32, i32
  }
  func.func @transform_8(%arg0: i32) -> (i32, i32) {
    %c0_i32 = arith.constant 0 : i32
    %c0_i32_0 = arith.constant 0 : i32
    %c0_i32_1 = arith.constant 0 : i32
    return %c0_i32, %c0_i32_0 : i32, i32
  }
  func.func @transform_9(%arg0: i32) -> (i32, i32) {
    %c0_i32 = arith.constant 0 : i32
    %c0_i32_0 = arith.constant 0 : i32
    %c0_i32_1 = arith.constant 0 : i32
    return %c0_i32, %c0_i32_0 : i32, i32
  }
  func.func @transform_10(%arg0: i32) -> (i32, i32) {
    %c0_i32 = arith.constant 0 : i32
    %c0_i32_0 = arith.constant 0 : i32
    %c0_i32_1 = arith.constant 0 : i32
    return %c0_i32, %c0_i32_0 : i32, i32
  }
  func.func @transform_11(%arg0: i32) -> (i32, i32) {
    %c0_i32 = arith.constant 0 : i32
    %c0_i32_0 = arith.constant 0 : i32
    %c0_i32_1 = arith.constant 0 : i32
    return %c0_i32, %c0_i32_0 : i32, i32
  }
  func.func @transform_12(%arg0: i32) -> (i32, i32) {
    %c0_i32 = arith.constant 0 : i32
    %c0_i32_0 = arith.constant 0 : i32
    %c0_i32_1 = arith.constant 0 : i32
    return %c0_i32, %c0_i32_0 : i32, i32
  }
  func.func @transform_13(%arg0: i32) -> (i32, i32) {
    %c0_i32 = arith.constant 0 : i32
    %c0_i32_0 = arith.constant 0 : i32
    %c0_i32_1 = arith.constant 0 : i32
    return %c0_i32, %c0_i32_0 : i32, i32
  }
  func.func @transform_14(%arg0: i32) -> (i32, i32) {
    %c0_i32 = arith.constant 0 : i32
    %c0_i32_0 = arith.constant 0 : i32
    %c0_i32_1 = arith.constant 0 : i32
    return %c0_i32, %c0_i32_0 : i32, i32
  }
  func.func @transform_15(%arg0: i32) -> (i32, i32) {
    %c0_i32 = arith.constant 0 : i32
    %c0_i32_0 = arith.constant 0 : i32
    %c0_i32_1 = arith.constant 0 : i32
    return %c0_i32, %c0_i32_0 : i32, i32
  }
  func.func @transform_16(%arg0: i32) -> (i32, i32) {
    %c0_i32 = arith.constant 0 : i32
    %c0_i32_0 = arith.constant 0 : i32
    %c0_i32_1 = arith.constant 0 : i32
    return %c0_i32, %c0_i32_0 : i32, i32
  }
}

module attributes {stable_mosaic.version = 14 : i64} {
  func.func @_tc_final_body(%arg0: memref<64x64xf32, #tpu.memory_space<vmem>>, %arg1: memref<64x64xf32, #tpu.memory_space<vmem>>, %arg2: memref<64x1xf32, #tpu.memory_space<vmem>>, %arg3: memref<64x50xf32, #tpu.memory_space<vmem>>, %arg4: memref<64x1xf32, #tpu.memory_space<vmem>>, %arg5: memref<64x32xf32, #tpu.memory_space<vmem>>, %arg6: memref<1x32xf32, #tpu.memory_space<vmem>>, %arg7: memref<64x32xf32, #tpu.memory_space<vmem>>, %arg8: memref<1x32xf32, #tpu.memory_space<vmem>>, %arg9: memref<50x25xf32, #tpu.memory_space<vmem>>, %arg10: memref<1x25xf32, #tpu.memory_space<vmem>>, %arg11: memref<50x25xf32, #tpu.memory_space<vmem>>, %arg12: memref<1x25xf32, #tpu.memory_space<vmem>>, %arg13: memref<1x1xf32, #tpu.memory_space<vmem>>) attributes {dimension_semantics = [], scalar_prefetch = 0 : i64, scratch_operands = 0 : i64, tpu.core_type = #tpu.core_type<tc>} {
    %get3A = arith.constant 0 : index
    %get3A_0 = arith.constant 0 : index
    %get3A_1 = vector.load %arg2[%get3A, %get3A_0] : memref<64x1xf32, #tpu.memory_space<vmem>>, vector<64x1xf32>
    %max3A = arith.constant 1.000000e+00 : f32
    %max3A_2 = vector.broadcast %max3A : f32 to vector<64x1xf32>
    %max3A_3 = arith.maximumf %get3A_1, %max3A_2 : vector<64x1xf32>
    %get3A_4 = arith.constant 0 : index
    %get3A_5 = arith.constant 0 : index
    %get3A_6 = vector.load %arg0[%get3A_4, %get3A_5] : memref<64x64xf32, #tpu.memory_space<vmem>>, vector<64x64xf32>
    %get3A_7 = arith.constant 0 : index
    %get3A_8 = arith.constant 0 : index
    %get3A_9 = vector.load %arg5[%get3A_7, %get3A_8] : memref<64x32xf32, #tpu.memory_space<vmem>>, vector<64x32xf32>
    %dot_general3A = arith.constant dense<0.000000e+00> : vector<64x32xf32>
    %dot_general3A_10 = tpu.matmul %get3A_6, %get3A_9, %dot_general3A {dimension_numbers = #tpu.dot_dimension_numbers<[1], [0], [0], [1], [0, 0, 1, 1], [], []>, transpose_lhs_hint = false} : vector<64x64xf32>, vector<64x32xf32>, vector<64x32xf32> -> vector<64x32xf32>
    %get3A_11 = arith.constant 0 : index
    %get3A_12 = arith.constant 0 : index
    %get3A_13 = vector.load %arg6[%get3A_11, %get3A_12] : memref<1x32xf32, #tpu.memory_space<vmem>>, vector<1x32xf32>
    %mul3A = vector.broadcast %get3A_1 : vector<64x1xf32> to vector<64x32xf32>
    %mul3A_14 = vector.broadcast %get3A_13 : vector<1x32xf32> to vector<64x32xf32>
    %mul3A_15 = arith.mulf %mul3A, %mul3A_14 : vector<64x32xf32>
    %add3A = arith.addf %dot_general3A_10, %mul3A_15 : vector<64x32xf32>
    %div3A = vector.broadcast %max3A_3 : vector<64x1xf32> to vector<64x32xf32>
    %div3A_16 = arith.divf %add3A, %div3A : vector<64x32xf32>
    %get3A_17 = arith.constant 0 : index
    %get3A_18 = arith.constant 0 : index
    %get3A_19 = vector.load %arg1[%get3A_17, %get3A_18] : memref<64x64xf32, #tpu.memory_space<vmem>>, vector<64x64xf32>
    %get3A_20 = arith.constant 0 : index
    %get3A_21 = arith.constant 0 : index
    %get3A_22 = vector.load %arg7[%get3A_20, %get3A_21] : memref<64x32xf32, #tpu.memory_space<vmem>>, vector<64x32xf32>
    %dot_general3A_23 = arith.constant dense<0.000000e+00> : vector<64x32xf32>
    %dot_general3A_24 = tpu.matmul %get3A_19, %get3A_22, %dot_general3A_23 {dimension_numbers = #tpu.dot_dimension_numbers<[1], [0], [0], [1], [0, 0, 1, 1], [], []>, transpose_lhs_hint = false} : vector<64x64xf32>, vector<64x32xf32>, vector<64x32xf32> -> vector<64x32xf32>
    %get3A_25 = arith.constant 0 : index
    %get3A_26 = arith.constant 0 : index
    %get3A_27 = vector.load %arg8[%get3A_25, %get3A_26] : memref<1x32xf32, #tpu.memory_space<vmem>>, vector<1x32xf32>
    %mul3A_28 = vector.broadcast %get3A_1 : vector<64x1xf32> to vector<64x32xf32>
    %mul3A_29 = vector.broadcast %get3A_27 : vector<1x32xf32> to vector<64x32xf32>
    %mul3A_30 = arith.mulf %mul3A_28, %mul3A_29 : vector<64x32xf32>
    %add3A_31 = arith.addf %dot_general3A_24, %mul3A_30 : vector<64x32xf32>
    %div3A_32 = vector.broadcast %max3A_3 : vector<64x1xf32> to vector<64x32xf32>
    %div3A_33 = arith.divf %add3A_31, %div3A_32 : vector<64x32xf32>
    %sub3A = arith.subf %div3A_33, %div3A_16 : vector<64x32xf32>
    %add3A_34 = arith.constant 9.99999997E-7 : f32
    %add3A_35 = vector.broadcast %add3A_34 : f32 to vector<64x32xf32>
    %add3A_36 = arith.addf %sub3A, %add3A_35 : vector<64x32xf32>
    %get3A_37 = arith.constant 0 : index
    %get3A_38 = arith.constant 0 : index
    %get3A_39 = vector.load %arg4[%get3A_37, %get3A_38] : memref<64x1xf32, #tpu.memory_space<vmem>>, vector<64x1xf32>
    %max3A_40 = arith.constant 1.000000e+00 : f32
    %max3A_41 = vector.broadcast %max3A_40 : f32 to vector<64x1xf32>
    %max3A_42 = arith.maximumf %get3A_39, %max3A_41 : vector<64x1xf32>
    %get3A_43 = arith.constant 0 : index
    %get3A_44 = arith.constant 0 : index
    %get3A_45 = vector.load %arg3[%get3A_43, %get3A_44] : memref<64x50xf32, #tpu.memory_space<vmem>>, vector<64x50xf32>
    %get3A_46 = arith.constant 0 : index
    %get3A_47 = arith.constant 0 : index
    %get3A_48 = vector.load %arg9[%get3A_46, %get3A_47] : memref<50x25xf32, #tpu.memory_space<vmem>>, vector<50x25xf32>
    %dot_general3A_49 = arith.constant dense<0.000000e+00> : vector<64x25xf32>
    %dot_general3A_50 = tpu.matmul %get3A_45, %get3A_48, %dot_general3A_49 {dimension_numbers = #tpu.dot_dimension_numbers<[1], [0], [0], [1], [0, 0, 1, 1], [], []>, transpose_lhs_hint = false} : vector<64x50xf32>, vector<50x25xf32>, vector<64x25xf32> -> vector<64x25xf32>
    %get3A_51 = arith.constant 0 : index
    %get3A_52 = arith.constant 0 : index
    %get3A_53 = vector.load %arg10[%get3A_51, %get3A_52] : memref<1x25xf32, #tpu.memory_space<vmem>>, vector<1x25xf32>
    %mul3A_54 = vector.broadcast %get3A_39 : vector<64x1xf32> to vector<64x25xf32>
    %mul3A_55 = vector.broadcast %get3A_53 : vector<1x25xf32> to vector<64x25xf32>
    %mul3A_56 = arith.mulf %mul3A_54, %mul3A_55 : vector<64x25xf32>
    %add3A_57 = arith.addf %dot_general3A_50, %mul3A_56 : vector<64x25xf32>
    %div3A_58 = vector.broadcast %max3A_42 : vector<64x1xf32> to vector<64x25xf32>
    %div3A_59 = arith.divf %add3A_57, %div3A_58 : vector<64x25xf32>
    %get3A_60 = arith.constant 0 : index
    %get3A_61 = arith.constant 0 : index
    %get3A_62 = vector.load %arg11[%get3A_60, %get3A_61] : memref<50x25xf32, #tpu.memory_space<vmem>>, vector<50x25xf32>
    %dot_general3A_63 = arith.constant dense<0.000000e+00> : vector<64x25xf32>
    %dot_general3A_64 = tpu.matmul %get3A_45, %get3A_62, %dot_general3A_63 {dimension_numbers = #tpu.dot_dimension_numbers<[1], [0], [0], [1], [0, 0, 1, 1], [], []>, transpose_lhs_hint = false} : vector<64x50xf32>, vector<50x25xf32>, vector<64x25xf32> -> vector<64x25xf32>
    %get3A_65 = arith.constant 0 : index
    %get3A_66 = arith.constant 0 : index
    %get3A_67 = vector.load %arg12[%get3A_65, %get3A_66] : memref<1x25xf32, #tpu.memory_space<vmem>>, vector<1x25xf32>
    %mul3A_68 = vector.broadcast %get3A_39 : vector<64x1xf32> to vector<64x25xf32>
    %mul3A_69 = vector.broadcast %get3A_67 : vector<1x25xf32> to vector<64x25xf32>
    %mul3A_70 = arith.mulf %mul3A_68, %mul3A_69 : vector<64x25xf32>
    %add3A_71 = arith.addf %dot_general3A_64, %mul3A_70 : vector<64x25xf32>
    %div3A_72 = vector.broadcast %max3A_42 : vector<64x1xf32> to vector<64x25xf32>
    %div3A_73 = arith.divf %add3A_71, %div3A_72 : vector<64x25xf32>
    %sub3A_74 = arith.subf %div3A_73, %div3A_59 : vector<64x25xf32>
    %add3A_75 = arith.constant 9.99999997E-7 : f32
    %add3A_76 = vector.broadcast %add3A_75 : f32 to vector<64x25xf32>
    %add3A_77 = arith.addf %sub3A_74, %add3A_76 : vector<64x25xf32>
    %mul3A_78 = arith.mulf %add3A_36, %add3A_36 : vector<64x32xf32>
    %reduce_sum3A = vector.shape_cast %mul3A_78 : vector<64x32xf32> to vector<1x64x32xf32>
    %reduce_sum3A_79 = arith.constant dense<0.000000e+00> : vector<1xf32>
    %reduce_sum3A_80 = vector.multi_reduction <add>, %reduce_sum3A, %reduce_sum3A_79 [1, 2] : vector<1x64x32xf32> to vector<1xf32>
    %reduce_sum3A_81 = vector.shape_cast %reduce_sum3A_80 : vector<1xf32> to vector<1x1x1xf32>
    %reduce_sum3A_82 = vector.extract %reduce_sum3A_81[0, 0, 0] : f32 from vector<1x1x1xf32>
    %mul3A_83 = arith.mulf %add3A_77, %add3A_77 : vector<64x25xf32>
    %reduce_sum3A_84 = vector.shape_cast %mul3A_83 : vector<64x25xf32> to vector<1x64x25xf32>
    %reduce_sum3A_85 = arith.constant dense<0.000000e+00> : vector<1xf32>
    %reduce_sum3A_86 = vector.multi_reduction <add>, %reduce_sum3A_84, %reduce_sum3A_85 [1, 2] : vector<1x64x25xf32> to vector<1xf32>
    %reduce_sum3A_87 = vector.shape_cast %reduce_sum3A_86 : vector<1xf32> to vector<1x1x1xf32>
    %reduce_sum3A_88 = vector.extract %reduce_sum3A_87[0, 0, 0] : f32 from vector<1x1x1xf32>
    %add3A_89 = arith.addf %reduce_sum3A_82, %reduce_sum3A_88 : f32
    %div3A_90 = arith.constant 6.400000e+01 : f32
    %div3A_91 = arith.divf %add3A_89, %div3A_90 : f32
    %reshape3A = vector.broadcast %div3A_91 : f32 to vector<1x1xf32>
    %swap3A = arith.constant 0 : index
    %swap3A_92 = arith.constant 0 : index
    %swap3A_93 = vector.load %arg13[%swap3A, %swap3A_92] : memref<1x1xf32, #tpu.memory_space<vmem>>, vector<1x1xf32>
    tpu.vector_store %arg13[%swap3A, %swap3A_92], %reshape3A {strides = array<i32>} : memref<1x1xf32, #tpu.memory_space<vmem>>, vector<1x1xf32>,
    return
  }
}

</mosaic_0001>

<sc_bundles>
// kernel: kernel.11.cloned.1.call-start
scs
__scs_entry_jumppad:
0x0: {  	(pc) =	sbr.rel $0x88, $3  }
0x1: {  	(tag) =	ssettag $0x0;
	lr =	simm.s32 $0x1  }
0x2: {  	[smem:$0x3F90] =	sst lr;
	_ =	strace $0xD0000000  }
0x3: {  	_ = 	snop  }
0x4: {  	_ = 	snop  }
0x5: {  	_ = 	snop  }
0x6: {  	_ = 	snop  }
0x7: {  	_ = 	snop  }
__scs_overlays_trampoline_lowered:
0x8: {  	[smem:$0x3F9F] =	sst s0  }
0x9: {  	[smem:$0x3FA0] =	sst s1  }
0xa: {  	[smem:$0x3FA1] =	sst s2  }
0xb: {  	[smem:$0x3FA2] =	sst s3  }
0xc: {  	[smem:$0x3FA3] =	sst s4  }
0xd: {  	[smem:$0x3FA4] =	sst s5  }
0xe: {  	[smem:$0x3FA5] =	sst s6  }
0xf: {  	[smem:$0x3FA6] =	sst s7  }
0x10: {  	[smem:$0x3FA7] =	sst s8  }
0x11: {  	[smem:$0x3FA8] =	sst s9;
	s0 =	simm.s32 @!p0 $0x0  }
0x12: {  	s1 =	sld [smem:$0x3F8E];
	s0 =	simm.s32 @p0 $0x1  }
0x13: {  	[smem:$0x3FA9] =	sst s0;
	s0 =	simm.s32 @!p1 $0x0  }
0x14: {  	s2 =	sld [smem:$0x3F8D];
	s0 =	simm.s32 @p1 $0x1  }
0x15: {  	[smem:$0x3FAA] =	sst s0;
	s0 =	simm.s32 @!p2 $0x0  }
0x16: {  	s3 =	sld [smem:$0x3FDB];
	s0 =	simm.s32 @p2 $0x1  }
0x17: {  	s4 =	simm.s32 $0x1BF5;
	[smem:$0x3FAC] =	sst s0  }
0x18: {  	s0 =	sld [smem:$0x3F8F];
	_ =	swait.ge [sflag:s4], $0x0  }
0x19: {  	s7 =	sld [smem:$0x3F90]  }
0x1a: {  	s8 =	sadd.s32 $0xFFFFE003, lr  }
0x1b: {  	s9 =	sadd.s32 $0xFFFFFEF7, lr;
	s5 =	simm.s32 $0xFFFFFFFF;
	p2 =	slt.u32 s8, $0xFFFFF086  }
0x1c: {  	p1 =	slt.u32 s9, $0xF7A;
	s5 =	simm.s32 @!p2 $0x0  }
0x1d: {  	s5 =	simm.s32 @p1 $0x1;
	p0 =	seq.s32 s7, s2  }
0x1e: {  	s7 =	smul.u32 @!p0 $0xF7A, s2;
	p2 =	seq.s32 @!p0 s5, $0x0  }
0x1f: {  	s9 =	smul.u32 $0xF7A, s1;
	s8 =	simm.s32 @!p0 $0x1BF5;
	p2 =	por !p2, p0  }
0x20: {  	[sflag:s8] =	ssyncset.s32 @!p0 $0xFFFFF086;
	s6 =	sadd.s32 @!p0 s3, s7;
	s7 =	simm.s32 @!p0 $0x108  }
0x21: {  	s3 =	sadd.s32 s3, s9;
	s6 =	sadd.s32 @!p0 $0x88, s6;
	s7 =	simm.s32 @p2 $0x1082  }
0x22: {  	[simem:s7], [sflag:s8] =	dma.local @!p0 [hbm:s6], $0xF7A  }
0x23: {  	s9 =	sor.u32 $0xD0000000, s2;
	s6 =	simm.s32 $0x108;
	_ =	swait.ge @!p0 [sflag:s8], $0x0  }
0x24: {  	s3 =	sadd.s32 $0x88, s3;
	s6 =	simm.s32 @!p1 $0x1082;
	[sflag:s4] =	ssyncset.s32 $0xFFFFF086  }
0x25: {  	[simem:s6], [sflag:s4] =	dma.local [hbm:s3], $0xF7A  }
0x26: {  	[smem:$0x3F90] =	sst s1;
	(tag) =	ssettag s2;
	_ =	strace s9  }
0x27: {  	s1 =	sld [smem:$0x3FA0]  }
0x28: {  	s2 =	sld [smem:$0x3FA1]  }
0x29: {  	s4 =	sld [smem:$0x3FA3]  }
0x2a: {  	p0 =	seq.s32 s5, $0x0;
	s5 =	sld [smem:$0x3FA4]  }
0x2b: {  	s6 =	sld [smem:$0x3FA5]  }
0x2c: {  	s7 =	sld [smem:$0x3FA6]  }
0x2d: {  	s3 =	simm.s32 $0x108;
	s8 =	sld [smem:$0x3FA7]  }
0x2e: {  	s3 =	simm.s32 @!p0 $0x1082;
	s9 =	sld [smem:$0x3FA8]  }
0x2f: {  	lr =	sadd.s32 s0, s3;
	s0 =	sld [smem:$0x3F9F]  }
0x30: {  	s3 =	sld [smem:$0x3FA2]  }
0x31: {  	[smem:$0x3FAB] =	sst s10  }
0x32: {  	s10 =	sld [smem:$0x3FA9];
	_ =	sdelay $0x3  }
0x33: {  	p0 =	seq.s32 s10, $0x1;
	s10 =	sld [smem:$0x3FAB];
	_ =	sdelay $0x3  }
0x34: {  	[smem:$0x3FAB] =	sst s10  }
0x35: {  	s10 =	sld [smem:$0x3FAA];
	_ =	sdelay $0x3  }
0x36: {  	p1 =	seq.s32 s10, $0x1;
	s10 =	sld [smem:$0x3FAB];
	_ =	sdelay $0x3  }
0x37: {  	[smem:$0x3FAB] =	sst s10  }
0x38: {  	s10 =	sld [smem:$0x3FAC]  }
0x39: {  	_ = 	snop;
	(pc) =	sbr.ind lr, $3  }
0x3a: {  	_ = 	snop  }
0x3b: {  	_ = 	snop  }
0x3c: {  	p2 =	seq.s32 s10, $0x1;
	s10 =	sld [smem:$0x3FAB]  }
0x3d: {  	_ =	shalt  }
0x3e: {  	_ =	shalt  }
0x3f: {  	_ =	shalt  }
0x40: {  	_ =	shalt  }
0x41: {  	_ =	shalt  }
0x42: {  	_ =	shalt  }
0x43: {  	_ =	shalt  }
0x44: {  	_ =	shalt  }
0x45: {  	_ =	shalt  }
0x46: {  	_ =	shalt  }
0x47: {  	_ =	shalt  }
0x48: {  	_ =	shalt  }
0x49: {  	_ =	shalt  }
0x4a: {  	_ =	shalt  }
0x4b: {  	_ =	shalt  }
0x4c: {  	_ =	shalt  }
0x4d: {  	_ =	shalt  }
0x4e: {  	_ =	shalt  }
0x4f: {  	_ =	shalt  }
0x50: {  	_ =	shalt  }
0x51: {  	_ =	shalt  }
0x52: {  	_ =	shalt  }
0x53: {  	_ =	shalt  }
0x54: {  	_ =	shalt  }
0x55: {  	_ =	shalt  }
0x56: {  	_ =	shalt  }
0x57: {  	_ =	shalt  }
0x58: {  	_ =	shalt  }
0x59: {  	_ =	shalt  }
0x5a: {  	_ =	shalt  }
0x5b: {  	_ =	shalt  }
0x5c: {  	_ =	shalt  }
0x5d: {  	_ =	shalt  }
0x5e: {  	_ =	shalt  }
0x5f: {  	_ =	shalt  }
0x60: {  	_ =	shalt  }
0x61: {  	_ =	shalt  }
0x62: {  	_ =	shalt  }
0x63: {  	_ =	shalt  }
0x64: {  	_ =	shalt  }
0x65: {  	_ =	shalt  }
0x66: {  	_ =	shalt  }
0x67: {  	_ =	shalt  }
0x68: {  	_ =	shalt  }
0x69: {  	_ =	shalt  }
0x6a: {  	_ =	shalt  }
0x6b: {  	_ =	shalt  }
0x6c: {  	_ =	shalt  }
0x6d: {  	_ =	shalt  }
0x6e: {  	_ =	shalt  }
0x6f: {  	_ =	shalt  }
0x70: {  	_ =	shalt  }
0x71: {  	_ =	shalt  }
0x72: {  	_ =	shalt  }
0x73: {  	_ =	shalt  }
0x74: {  	_ =	shalt  }
0x75: {  	_ =	shalt  }
0x76: {  	_ =	shalt  }
0x77: {  	_ =	shalt  }
0x78: {  	_ =	shalt  }
0x79: {  	_ =	shalt  }
0x7a: {  	_ =	shalt  }
0x7b: {  	_ =	shalt  }
0x7c: {  	_ =	shalt  }
0x7d: {  	_ =	shalt  }
0x7e: {  	_ =	shalt  }
0x7f: {  	_ =	shalt  }
0x80: {  	_ =	shalt  }
0x81: {  	_ =	shalt  }
0x82: {  	_ =	shalt  }
0x83: {  	_ =	shalt  }
0x84: {  	_ =	shalt  }
0x85: {  	_ =	shalt  }
0x86: {  	_ =	shalt  }
0x87: {  	_ =	shalt  }
.Lfunc_end0:
.L_simem_size_0:
called_computation.1_lowered:
.L_overlay_start_0:
0x88: {  	s2 =	sld [smem:$0x3FD9]  }
0x89: {  	s3 =	sld [smem:$0x3FFE];
	_ =	sdelay $0x1  }
0x8a: {  	s1 =	srdreg.scid  }
0x8b: {  	s0 =	sand.u32 $0x1, s1  }
0x8c: {  	s16 =	sshll.u32 s0, $0xA;
	s2 =	sadd.s32 s3, s2  }
0x8d: {  	s2 =	sadd.s32 s2, s16  }
0x8e: {  	[smem:$0x3FB7] =	sst s2  }
0x8f: {  	_ = 	snop  }
0x90: {  	(tm) =	ssettm $0x1  }
0x91: {  	s17 =	sld [smem:$0x3FFB];
	_ =	sdelay $0x3  }
0x92: {  	_ =	strace s17  }
0x93: {  	s2 =	sld [smem:$0x3FFC];
	_ =	sdelay $0x3  }
0x94: {  	_ =	strace s2  }
0x95: {  	s2 =	sld [smem:$0x3FFD];
	_ =	sdelay $0x3  }
0x96: {  	_ =	strace s2  }
0x97: {  	_ =	strace $0x8FFFFFFF  }
0x98: {  	s18 =	sld [smem:$0x3FDB];
	_ =	sdelay $0x1  }
0x99: {  	s19 =	simm.s32 $_scs_section_size  }
0x9a: {  	s4 =	simm.s32 $_size__tile_overlayer_lowered;
	s5 =	simm.s32 $_tile_overlayer_lowered  }
0x9b: {  	s22 =	simm.s32 $0x1BFF;
	s21 =	sshll.u32 s5, $0x1;
	s2 =	sadd.s32 s19, s18  }
0x9c: {  	s6 =	simm.s32 $0x0;
	s20 =	sshll.u32 s4, $0x1;
	s4 =	sadd.s32 s21, s2  }
0x9d: {  	[timem:s6], [sflag:s22] =	dma.local [hbm:s4], s20  }
0x9e: {  	_ =	swait.ge [sflag:s22], s20  }
0x9f: {  	s3 =	ssub.s32 $0x0, s20;
	[sflag:s22] =	ssyncset.done $0x0  }
0xa0: {  	[sflag:s22] =	ssyncadd.s32 s3;
	_ =	sdelay $0x1  }
0xa1: {  	s23 =	simm.s32 $0x1B8B  }
0xa2: {  	_ =	swait.ge [sflag:s23], $0x1  }
0xa3: {  	[sflag:s23] =	ssyncset.done $0x0  }
0xa4: {  	s25 =	simm.s32 $0x1B8E;
	s24 =	sld [smem:$0x3FFE];
	[sflag:s23] =	ssyncadd.s32 $0xFFFFFFFF  }
0xa5: {  	s26 =	simm.s32 $execute0_lowered;
	[smem:$0x3FD2] =	sst s25  }
0xa6: {  	s4 =	sshll.u32 s26, $0x1;
	_ =	strace $0x80000049;
	[dreg:$0x1] =	wrdreg $0xFFFFFFFF  }
0xa7: {  	s28 =	simm.s32 $_size_execute0_lowered;
	s2 =	sadd.s32 s2, s4;
	[dreg:$0x0] =	wrdreg $0x0  }
0xa8: {  	s4 =	sshll.u32 s28, $0x1;
	[dreg:$0x2] =	wrdreg s2  }
0xa9: {  	[dreg:$0x3] =	wrdreg s4  }
0xaa: {  	[dreg:$0x4] =	wrdreg $0xC0  }
0xab: {  	_ =	task [dreg:s6], $0x5FFFF  }
0xac: {  	[dreg:$0x1] =	wrdreg $0xFFFFFFFF  }
0xad: {  	[dreg:$0x0] =	wrdreg $0x60  }
0xae: {  	[dreg:$0x2] =	wrdreg s24  }
0xaf: {  	[dreg:$0x3] =	wrdreg $0x0  }
0xb0: {  	[dreg:$0x4] =	wrdreg $0x9  }
0xb1: {  	_ =	task.clear_ibuf [dreg:s6], $0x5FFFF;
	_ =	strace $0x90000049  }
0xb2: {  	s29 =	simm.s32 $0x9;
	_ =	strace $0x8000004B  }
0xb3: {  	_ =	swait.ge [sflag:s29], $0x1  }
0xb4: {  	[sflag:s29] =	ssyncadd.s32 $0xFFFFFFFF  }
0xb5: {  	_ =	strace $0x9000004B  }
0xb6: {  	_ =	sfence  }
0xb7: {  	s30 =	sld [smem:$0x0];
	_ =	sdelay $0x2  }
0xb8: {  	s31 =	sshll.u32 s1, $0xD;
	s1 =	sshrl.u32 s1, $0x2  }
0xb9: {  	s3 =	sand.u32 $0x4000, s31;
	s1 =	sadd.s32 s1, s30  }
0xba: {  	s0 =	sor.u32 s3, s0;
	s1 =	sshll.u32 s1, $0x11  }
0xbb: {  	s0 =	sor.u32 s1, s0  }
0xbc: {  	s0 =	sadd.s32 $0x8F2B, s0  }
0xbd: {  	[sflag:s0] =	ssyncadd.remote.s32 $0x1  }
0xbe: {  	_ =	sfence.sel $0xFFFF  }
0xbf: {  	[dreg:$0x0] =	wrdreg $0xFFFFFFFF;
	(pc) =	sbr.abs _section_cstart, $3  }
0xc0: {  	[dreg:$0x1] =	wrdreg $0xFFFFFFFF  }
0xc1: {  	_ =	task.clear_ibuf [dreg:s6], $0x2FFFF;
	_ =	strace $0x9FFFFFFF  }
0xc2: {  	(tm) =	ssettm $0x7FFFFFFF  }
0xc3: {  	_ =	shalt  }
tec
execute0_lowered:
.L_overlay_start_1:
0x0: {  	(tag) =	ssettag $0x1  }
0x1: {  	s0 =	rddreg [dreg:$0x0]  }
0x2: {  	s1 =	rddreg [dreg:$0x1]  }
0x3: {  	s2 =	simm.s32 $0x0;
	s5 =	srdreg.scid;
	s12 =	stileid.u32  }
0x4: {  	[smem:$0x7FF] =	sst s2;
	s3 =	sadd.s32 $0x1E400, s0;
	s4 =	sadd.s32 $0x5C00, s0  }
0x5: {  	s13 =	sadd.s32 $0x12E200, s0;
	s6 =	sadd.s32 $0xFD400, s0;
	s10 =	smul.u32 $0x62000, s12  }
0x6: {  	s5 =	sand.u32 $0x1, s5;
	s7 =	sadd.s32 $0x15F000, s0;
	s21 =	smul.u32 $0xC300, s12  }
0x7: {  	s0 =	sadd.s32 $0x190000, s0;
	s11 =	sshll.u32 s12, $0x4;
	s16 =	smul.u32 $0x3100, s12  }
0x8: {  	_ =	strace $0x8000004A;
	s8 =	ssub.s32 $0x2, s5;
	p1 =	seq.s32 s5, $0x0  }
0x9: {  	s11 =	sor.u32 $0x18600, s11;
	p0 =	seq.s32 s5, $0x1;
	s15 =	smov.u32 s6  }
0xa: {  	s9 =	sshrl.u32 s8, $0x1;
	s10 =	sshrl.u32 s10, $0x2;
	s14 =	sadd.s32 s3, s11  }
0xb: {  	s11 =	sadd.s32 s4, s11;
	s31 =	sshrl.u32 s21, $0x3;
	[dreg:$0x4] =	wrdreg s14  }
0xc: {  	s15 =	smov.u32 @p1 s13;
	s13 =	smov.u32 @p0 s6;
	[dreg:$0x5] =	wrdreg s11  }
0xd: {  	s29 =	sadd.s32 s10, s1;
	s10 =	sadd.s32 s3, s31;
	[dreg:$0x3] =	wrdreg s13  }
0xe: {  	s8 =	ssub.s32 s8, s9;
	s11 =	sadd.s32 s4, s31;
	[dreg:$0xe] =	wrdreg s10  }
0xf: {  	s0 =	smov.u32 @p1 s7;
	s22 =	smax.u32 s8, $0x1;
	[dreg:$0xf] =	wrdreg s11  }
0x10: {  	p0 =	sgt.u32 s12, $0x9;
	s23 =	sadd.s32 $0x1880, s29;
	[dreg:$0x6] =	wrdreg s22  }
0x11: {  	s6 =	simm.s32 $0x7;
	s24 =	sadd.s32 $0x3100, s29;
	[dreg:$0x7] =	wrdreg s23  }
0x12: {  	s14 =	smul.u32 $0x1860, s12;
	s25 =	sadd.s32 $0x4980, s29;
	[dreg:$0x8] =	wrdreg s24  }
0x13: {  	s5 =	sor.u32 $0x10, s31;
	s26 =	sadd.s32 $0x6200, s29;
	[dreg:$0x9] =	wrdreg s25  }
0x14: {  	s12 =	simm.s32 $0x1;
	s28 =	sadd.s32 $0x7A80, s29;
	[dreg:$0xa] =	wrdreg s26  }
0x15: {  	s13 =	simm.s32 $0x80;
	s30 =	sadd.s32 $0x9300, s29;
	[dreg:$0xb] =	wrdreg s28  }
0x16: {  	s9 =	sadd.s32 $0xAB80, s29;
	s17 =	sadd.s32 s3, s5;
	[dreg:$0xc] =	wrdreg s30  }
0x17: {  	s5 =	sadd.s32 s4, s5;
	s18 =	sadd.s32 $0xC400, s29;
	[dreg:$0xd] =	wrdreg s9  }
0x18: {  	s19 =	sadd.s32 $0xDC80, s29;
	s20 =	sadd.s32 $0xF500, s29;
	[dreg:$0x10] =	wrdreg s17  }
0x19: {  	s31 =	sadd.s32 $0x16F80, s29;
	s8 =	simm.s32 $0x18800;
	[dreg:$0x11] =	wrdreg s5  }
0x1a: {  	s10 =	simm.s32 $0x19900;
	s11 =	simm.s32 $0x19980;
	[dreg:$0x12] =	wrdreg s18  }
0x1b: {  	s21 =	sadd.s32 s14, s3;
	s22 =	sadd.s32 s14, s4;
	[dreg:$0x13] =	wrdreg s19  }
0x1c: {  	s23 =	sadd.s32 s16, s0;
	s24 =	simm.s32 $0x8;
	[dreg:$0x14] =	wrdreg s20  }
0x1d: {  	s25 =	sadd.s32 $0x10D80, s29;
	s26 =	sadd.s32 $0x12600, s29;
	s28 =	sadd.s32 $0x13E80, s29  }
0x1e: {  	s30 =	sadd.s32 $0x15700, s29;
	[dreg:$0x19] =	wrdreg s31;
	s5 =	simm.s32 $0x1AA00  }
0x1f: {  	s9 =	simm.s32 $0x18880;
	s14 =	simm.s32 $0x18900;
	s16 =	simm.s32 $0x2  }
0x20: {  	s17 =	simm.s32 $0x19A00;
	s18 =	simm.s32 $0x3;
	[dreg:$0x15] =	wrdreg s25  }
0x21: {  	s4 =	simm.s32 $0x4;
	s19 =	simm.s32 $0x5;
	[dreg:$0x16] =	wrdreg s26  }
0x22: {  	s20 =	simm.s32 $0x6;
	s24 =	simm.s32 @!p1 $0x7;
	[dreg:$0x17] =	wrdreg s28  }
0x23: {  	v0 =	vimm.f32 $0.0e+00;
	[dreg:$0x18] =	wrdreg s30;
	s25 =	simm.s32 $0x8;
	s26 =	simm.s32 $0x0  }
.LBB2_1:
0x24: {  	s7 =	simm.s32 $0x80;
	s28 =	simm.s32 $0x0  }
.LBB2_2:
0x25: {  	p1 =	sne.s32 s7, $0x6180;
	[tilespmem:s28+$0x1AA00] =	vst v0;
	s30 =	smov.u32 s7;
	s7 =	sadd.s32 $0x80, s7  }
.Ltmp0:
0x26: {  	[tilespmem:s28+$0x1AA10] =	vst v0;
	(pc) =	sbr.rel @p1 .LBB2_2-.Ltmp0, $2  }
0x27: {  	_ =	sdelay $0x2  }
0x28: {  	s28 =	sshra.s32 s30, $0x2  }
0x29: {  	[tilespmem:s28+$0x1AA00] =	vst v0  }
0x2a: {  	[tilespmem:s28+$0x1AA10] =	vst v0  }
0x2b: {  	[spmem:s29] =	stream.linear.scatter [tilespmem:s5], [sflag:$0x7], $0x1880, $0x38;
	[tilespmem:$0x1C280] =	vst v63  }
0x2c: {  	_ =	swait.ge [sflag:s6], $0x1880  }
0x2d: {  	[sflag:s6] =	ssyncset.done $0x0  }
0x2e: {  	s0 =	rddreg [dreg:$0x7];
	[sflag:s6] =	ssyncadd.s32 $0xFFFFE780  }
0x2f: {  	[spmem:s0] =	stream.linear.scatter [tilespmem:s5], [sflag:$0x7], $0x1880, $0x38;
	[tilespmem:$0x1C280] =	vst v63  }
0x30: {  	_ =	swait.ge [sflag:s6], $0x1880  }
0x31: {  	[sflag:s6] =	ssyncset.done $0x0  }
0x32: {  	s7 =	rddreg [dreg:$0x8];
	[sflag:s6] =	ssyncadd.s32 $0xFFFFE780  }
0x33: {  	[spmem:s7] =	stream.linear.scatter [tilespmem:s5], [sflag:$0x7], $0x1880, $0x38;
	[tilespmem:$0x1C280] =	vst v63  }
0x34: {  	_ =	swait.ge [sflag:s6], $0x1880  }
0x35: {  	[sflag:s6] =	ssyncset.done $0x0  }
0x36: {  	s30 =	rddreg [dreg:$0x9];
	[sflag:s6] =	ssyncadd.s32 $0xFFFFE780  }
0x37: {  	[spmem:s30] =	stream.linear.scatter [tilespmem:s5], [sflag:$0x7], $0x1880, $0x38;
	[tilespmem:$0x1C280] =	vst v63  }
0x38: {  	_ =	swait.ge [sflag:s6], $0x1880  }
0x39: {  	[sflag:s6] =	ssyncset.done $0x0  }
0x3a: {  	s31 =	rddreg [dreg:$0xa];
	[sflag:s6] =	ssyncadd.s32 $0xFFFFE780  }
0x3b: {  	[spmem:s31] =	stream.linear.scatter [tilespmem:s5], [sflag:$0x7], $0x1880, $0x38;
	[tilespmem:$0x1C280] =	vst v63  }
0x3c: {  	_ =	swait.ge [sflag:s6], $0x1880  }
0x3d: {  	[sflag:s6] =	ssyncset.done $0x0  }
0x3e: {  	s3 =	rddreg [dreg:$0xb];
	[sflag:s6] =	ssyncadd.s32 $0xFFFFE780  }
0x3f: {  	[spmem:s3] =	stream.linear.scatter [tilespmem:s5], [sflag:$0x7], $0x1880, $0x38;
	[tilespmem:$0x1C280] =	vst v63  }
0x40: {  	_ =	swait.ge [sflag:s6], $0x1880  }
0x41: {  	[sflag:s6] =	ssyncset.done $0x0  }
0x42: {  	s7 =	rddreg [dreg:$0xc];
	[sflag:s6] =	ssyncadd.s32 $0xFFFFE780  }
0x43: {  	[spmem:s7] =	stream.linear.scatter [tilespmem:s5], [sflag:$0x7], $0x1880, $0x38;
	[tilespmem:$0x1C280] =	vst v63  }
0x44: {  	_ =	swait.ge [sflag:s6], $0x1880  }
0x45: {  	[sflag:s6] =	ssyncset.done $0x0  }
0x46: {  	s30 =	rddreg [dreg:$0xd];
	[sflag:s6] =	ssyncadd.s32 $0xFFFFE780  }
0x47: {  	[spmem:s30] =	stream.linear.scatter [tilespmem:s5], [sflag:$0x7], $0x1880, $0x38;
	[tilespmem:$0x1C280] =	vst v63  }
0x48: {  	_ =	swait.ge [sflag:s6], $0x1880  }
0x49: {  	[sflag:s6] =	ssyncset.done $0x0  }
0x4a: {  	s31 =	rddreg [dreg:$0x12];
	[sflag:s6] =	ssyncadd.s32 $0xFFFFE780  }
0x4b: {  	[spmem:s31] =	stream.linear.scatter [tilespmem:s5], [sflag:$0x7], $0x1880, $0x38;
	[tilespmem:$0x1C280] =	vst v63  }
0x4c: {  	_ =	swait.ge [sflag:s6], $0x1880  }
0x4d: {  	[sflag:s6] =	ssyncset.done $0x0  }
0x4e: {  	s3 =	rddreg [dreg:$0x13];
	[sflag:s6] =	ssyncadd.s32 $0xFFFFE780  }
0x4f: {  	[spmem:s3] =	stream.linear.scatter [tilespmem:s5], [sflag:$0x7], $0x1880, $0x38;
	[tilespmem:$0x1C280] =	vst v63  }
0x50: {  	_ =	swait.ge [sflag:s6], $0x1880  }
0x51: {  	[sflag:s6] =	ssyncset.done $0x0  }
0x52: {  	s7 =	rddreg [dreg:$0x14];
	[sflag:s6] =	ssyncadd.s32 $0xFFFFE780  }
0x53: {  	[spmem:s7] =	stream.linear.scatter [tilespmem:s5], [sflag:$0x7], $0x1880, $0x38;
	[tilespmem:$0x1C280] =	vst v63  }
0x54: {  	_ =	swait.ge [sflag:s6], $0x1880  }
0x55: {  	[sflag:s6] =	ssyncset.done $0x0  }
0x56: {  	s30 =	rddreg [dreg:$0x15];
	[sflag:s6] =	ssyncadd.s32 $0xFFFFE780  }
0x57: {  	[spmem:s30] =	stream.linear.scatter [tilespmem:s5], [sflag:$0x7], $0x1880, $0x38;
	[tilespmem:$0x1C280] =	vst v63  }
0x58: {  	_ =	swait.ge [sflag:s6], $0x1880  }
0x59: {  	[sflag:s6] =	ssyncset.done $0x0  }
0x5a: {  	s31 =	rddreg [dreg:$0x16];
	[sflag:s6] =	ssyncadd.s32 $0xFFFFE780  }
0x5b: {  	[spmem:s31] =	stream.linear.scatter [tilespmem:s5], [sflag:$0x7], $0x1880, $0x38;
	[tilespmem:$0x1C280] =	vst v63  }
0x5c: {  	_ =	swait.ge [sflag:s6], $0x1880  }
0x5d: {  	[sflag:s6] =	ssyncset.done $0x0  }
0x5e: {  	s3 =	rddreg [dreg:$0x17];
	[sflag:s6] =	ssyncadd.s32 $0xFFFFE780  }
0x5f: {  	[spmem:s3] =	stream.linear.scatter [tilespmem:s5], [sflag:$0x7], $0x1880, $0x38;
	[tilespmem:$0x1C280] =	vst v63  }
0x60: {  	_ =	swait.ge [sflag:s6], $0x1880  }
0x61: {  	[sflag:s6] =	ssyncset.done $0x0  }
0x62: {  	s7 =	rddreg [dreg:$0x18];
	[sflag:s6] =	ssyncadd.s32 $0xFFFFE780  }
0x63: {  	[spmem:s7] =	stream.linear.scatter [tilespmem:s5], [sflag:$0x7], $0x1880, $0x38;
	[tilespmem:$0x1C280] =	vst v63  }
0x64: {  	_ =	swait.ge [sflag:s6], $0x1880  }
0x65: {  	[sflag:s6] =	ssyncset.done $0x0  }
0x66: {  	s30 =	rddreg [dreg:$0x19];
	[sflag:s6] =	ssyncadd.s32 $0xFFFFE780  }
0x67: {  	[spmem:s30] =	stream.linear.scatter [tilespmem:s5], [sflag:$0x7], $0x1880, $0x38;
	[tilespmem:$0x1C280] =	vst v63  }
0x68: {  	_ =	swait.ge [sflag:s6], $0x1880  }
0x69: {  	[sflag:s6] =	ssyncset.done $0x0  }
0x6a: {  	[sflag:s6] =	ssyncadd.s32 $0xFFFFE780  }
0x6b: {  	[bflag:$0x0] =	sbarrier.arrive $0xFFFF  }
0x6c: {  	s31 =	rddreg [dreg:$0xe]  }
0x6d: {  	[tilespmem:s8], [sflag:$0x1] =	stream.linear.gather [hbm4b:s31+s2], $0x80, $0x38;
	[tilespmem:$0x1C280] =	vst v63  }
0x6e: {  	s3 =	rddreg [dreg:$0xf]  }
0x6f: {  	[tilespmem:s9], [sflag:$0x1] =	stream.linear.gather [hbm4b:s3+s2], $0x80, $0x38;
	[tilespmem:$0x1C280] =	vst v63  }
0x70: {  	s7 =	rddreg [dreg:$0x10]  }
0x71: {  	[tilespmem:s10], [sflag:$0x2] =	stream.linear.gather [hbm4b:s7+s2], $0x80, $0x38;
	[tilespmem:$0x1C280] =	vst v63  }
0x72: {  	s30 =	rddreg [dreg:$0x11]  }
0x73: {  	[tilespmem:s11], [sflag:$0x2] =	stream.linear.gather [hbm4b:s30+s2], $0x80, $0x38;
	[tilespmem:$0x1C280] =	vst v63  }
0x74: {  	_ =	swait.ge [sflag:s12], $0x80  }
0x75: {  	[sflag:s12] =	ssyncset.done $0x0  }
0x76: {  	[sflag:s12] =	ssyncadd.s32 $0xFFFFFF80  }
0x77: {  	_ =	swait.ge [sflag:s12], $0x80  }
0x78: {  	[sflag:s12] =	ssyncset.done $0x0  }
0x79: {  	[sflag:s12] =	ssyncadd.s32 $0xFFFFFF80  }
0x7a: {  	[tilespmem:s14], [sflag:$0x3] =	stream.indirect.gather [hbm4b:s15+s13], $0x20, s8, s13, $0xb8;
	[tilespmem:$0x1C280] =	vst v63  }
0x7b: {  	_ =	swait.ge [sflag:s16], $0x80  }
0x7c: {  	[sflag:s16] =	ssyncset.done $0x0  }
0x7d: {  	[sflag:s16] =	ssyncadd.s32 $0xFFFFFF80  }
0x7e: {  	_ =	swait.ge [sflag:s16], $0x80  }
0x7f: {  	[sflag:s16] =	ssyncset.done $0x0  }
0x80: {  	[sflag:s16] =	ssyncadd.s32 $0xFFFFFF80  }
0x81: {  	[tilespmem:s17], [sflag:$0x4] =	stream.indirect.gather [hbm4b:s15+s13], $0x20, s10, s13, $0xb8;
	[tilespmem:$0x1C280] =	vst v63  }
0x82: {  	_ =	swait.ge [sflag:s18], $0x1000  }
0x83: {  	[sflag:s18] =	ssyncset.done $0x0  }
0x84: {  	[sflag:s18] =	ssyncadd.s32 $0xFFFFF000  }
0x85: {  	[spmem:s1] =	stream.indirect.scatter.add.f32 [tilespmem:s14], [sflag:$0x5], $0x20, s9, s13, $0xb8;
	[tilespmem:$0x1C280] =	vst v63  }
0x86: {  	_ =	swait.ge [sflag:s4], $0x1000  }
0x87: {  	[sflag:s4] =	ssyncset.done $0x0  }
0x88: {  	[sflag:s4] =	ssyncadd.s32 $0xFFFFF000  }
0x89: {  	[spmem:s1] =	stream.indirect.scatter.add.f32 [tilespmem:s17], [sflag:$0x6], $0x20, s11, s13, $0xb8;
	[tilespmem:$0x1C280] =	vst v63  }
0x8a: {  	_ =	swait.ge [sflag:s19], $0x1000  }
0x8b: {  	[sflag:s19] =	ssyncset.done $0x0  }
0x8c: {  	[sflag:s19] =	ssyncadd.s32 $0xFFFFF000  }
0x8d: {  	_ =	swait.ge [sflag:s20], $0x1000  }
0x8e: {  	s7 =	sadd.s32 $0xFFFFE7C0, s21;
	[sflag:s20] =	ssyncset.done $0x0  }
0x8f: {  	s28 =	sadd.s32 $0x1860, s7;
	s30 =	sadd.s32 $0xFFFFE7C0, s22;
	[sflag:s20] =	ssyncadd.s32 $0xFFFFF000  }
0x90: {  	[tilespmem:s8], [sflag:$0x1] =	stream.linear.gather [hbm4b:s28+s2], $0x80, $0x38;
	[tilespmem:$0x1C280] =	vst v63  }
0x91: {  	s28 =	sadd.s32 $0x1860, s30  }
0x92: {  	[tilespmem:s9], [sflag:$0x1] =	stream.linear.gather [hbm4b:s28+s2], $0x80, $0x38;
	[tilespmem:$0x1C280] =	vst v63  }
0x93: {  	s7 =	sadd.s32 $0x1870, s7  }
0x94: {  	[tilespmem:s10], [sflag:$0x2] =	stream.linear.gather [hbm4b:s7+s2], $0x80, $0x38;
	[tilespmem:$0x1C280] =	vst v63  }
0x95: {  	s31 =	sadd.s32 $0x1870, s30  }
0x96: {  	[tilespmem:s11], [sflag:$0x2] =	stream.linear.gather [hbm4b:s31+s2], $0x80, $0x38;
	[tilespmem:$0x1C280] =	vst v63  }
0x97: {  	_ =	swait.ge [sflag:s12], $0x80  }
0x98: {  	[sflag:s12] =	ssyncset.done $0x0  }
0x99: {  	[sflag:s12] =	ssyncadd.s32 $0xFFFFFF80  }
0x9a: {  	_ =	swait.ge [sflag:s12], $0x80  }
0x9b: {  	[sflag:s12] =	ssyncset.done $0x0  }
0x9c: {  	[sflag:s12] =	ssyncadd.s32 $0xFFFFFF80  }
0x9d: {  	[tilespmem:s14], [sflag:$0x3] =	stream.indirect.gather [hbm4b:s15+s13], $0x20, s8, s13, $0xb8;
	[tilespmem:$0x1C280] =	vst v63  }
0x9e: {  	_ =	swait.ge [sflag:s16], $0x80  }
0x9f: {  	[sflag:s16] =	ssyncset.done $0x0  }
0xa0: {  	[sflag:s16] =	ssyncadd.s32 $0xFFFFFF80  }
0xa1: {  	_ =	swait.ge [sflag:s16], $0x80  }
0xa2: {  	[sflag:s16] =	ssyncset.done $0x0  }
0xa3: {  	[sflag:s16] =	ssyncadd.s32 $0xFFFFFF80  }
0xa4: {  	[tilespmem:s17], [sflag:$0x4] =	stream.indirect.gather [hbm4b:s15+s13], $0x20, s10, s13, $0xb8;
	[tilespmem:$0x1C280] =	vst v63  }
0xa5: {  	_ =	swait.ge [sflag:s18], $0x1000  }
0xa6: {  	[sflag:s18] =	ssyncset.done $0x0  }
0xa7: {  	[sflag:s18] =	ssyncadd.s32 $0xFFFFF000  }
0xa8: {  	[spmem:s1] =	stream.indirect.scatter.add.f32 [tilespmem:s14], [sflag:$0x5], $0x20, s9, s13, $0xb8;
	[tilespmem:$0x1C280] =	vst v63  }
0xa9: {  	_ =	swait.ge [sflag:s4], $0x1000  }
0xaa: {  	[sflag:s4] =	ssyncset.done $0x0  }
0xab: {  	s28 =	simm.s32 $0xFFFFE7E0;
	[sflag:s4] =	ssyncadd.s32 $0xFFFFF000  }
.LBB2_4:
0xac: {  	[spmem:s1] =	stream.indirect.scatter.add.f32 [tilespmem:s17], [sflag:$0x6], $0x20, s11, s13, $0xb8;
	[tilespmem:$0x1C280] =	vst v63  }
0xad: {  	s7 =	smov.u32 s28  }
0xae: {  	p1 =	sne.s32 s28, $0xFFFFFFE0;
	s28 =	sadd.s32 $0x20, s28;
	_ =	swait.ge [sflag:s19], $0x1000  }
0xaf: {  	[sflag:s19] =	ssyncset.done $0x0  }
0xb0: {  	[sflag:s19] =	ssyncadd.s32 $0xFFFFF000  }
0xb1: {  	_ =	swait.ge [sflag:s20], $0x1000  }
0xb2: {  	s30 =	sadd.s32 s7, s21;
	[sflag:s20] =	ssyncset.done $0x0  }
0xb3: {  	s7 =	sadd.s32 s7, s22;
	s31 =	sadd.s32 $0x1860, s30;
	[sflag:s20] =	ssyncadd.s32 $0xFFFFF000  }
0xb4: {  	[tilespmem:s8], [sflag:$0x1] =	stream.linear.gather [hbm4b:s31+s2], $0x80, $0x38;
	[tilespmem:$0x1C280] =	vst v63  }
0xb5: {  	s31 =	sadd.s32 $0x1860, s7  }
0xb6: {  	[tilespmem:s9], [sflag:$0x1] =	stream.linear.gather [hbm4b:s31+s2], $0x80, $0x38;
	[tilespmem:$0x1C280] =	vst v63  }
0xb7: {  	s30 =	sadd.s32 $0x1870, s30  }
0xb8: {  	[tilespmem:s10], [sflag:$0x2] =	stream.linear.gather [hbm4b:s30+s2], $0x80, $0x38;
	[tilespmem:$0x1C280] =	vst v63  }
0xb9: {  	s7 =	sadd.s32 $0x1870, s7  }
0xba: {  	[tilespmem:s11], [sflag:$0x2] =	stream.linear.gather [hbm4b:s7+s2], $0x80, $0x38;
	[tilespmem:$0x1C280] =	vst v63  }
0xbb: {  	_ =	swait.ge [sflag:s12], $0x80  }
0xbc: {  	[sflag:s12] =	ssyncset.done $0x0  }
0xbd: {  	[sflag:s12] =	ssyncadd.s32 $0xFFFFFF80  }
0xbe: {  	_ =	swait.ge [sflag:s12], $0x80  }
0xbf: {  	[sflag:s12] =	ssyncset.done $0x0  }
0xc0: {  	[sflag:s12] =	ssyncadd.s32 $0xFFFFFF80  }
0xc1: {  	[tilespmem:s14], [sflag:$0x3] =	stream.indirect.gather [hbm4b:s15+s13], $0x20, s8, s13, $0xb8;
	[tilespmem:$0x1C280] =	vst v63  }
0xc2: {  	_ =	swait.ge [sflag:s16], $0x80  }
0xc3: {  	[sflag:s16] =	ssyncset.done $0x0  }
0xc4: {  	[sflag:s16] =	ssyncadd.s32 $0xFFFFFF80  }
0xc5: {  	_ =	swait.ge [sflag:s16], $0x80  }
0xc6: {  	[sflag:s16] =	ssyncset.done $0x0  }
0xc7: {  	[sflag:s16] =	ssyncadd.s32 $0xFFFFFF80  }
0xc8: {  	[tilespmem:s17], [sflag:$0x4] =	stream.indirect.gather [hbm4b:s15+s13], $0x20, s10, s13, $0xb8;
	[tilespmem:$0x1C280] =	vst v63  }
0xc9: {  	_ =	swait.ge [sflag:s18], $0x1000  }
0xca: {  	[sflag:s18] =	ssyncset.done $0x0  }
.Ltmp1:
0xcb: {  	[sflag:s18] =	ssyncadd.s32 $0xFFFFF000;
	(pc) =	sbr.rel @p1 .LBB2_4-.Ltmp1, $4  }
0xcc: {  	[spmem:s1] =	stream.indirect.scatter.add.f32 [tilespmem:s14], [sflag:$0x5], $0x20, s9, s13, $0xb8;
	[tilespmem:$0x1C280] =	vst v63  }
0xcd: {  	_ =	swait.ge [sflag:s4], $0x1000  }
0xce: {  	[sflag:s4] =	ssyncset.done $0x0  }
0xcf: {  	[sflag:s4] =	ssyncadd.s32 $0xFFFFF000  }
0xd0: {  	[spmem:s1] =	stream.indirect.scatter.add.f32 [tilespmem:s17], [sflag:$0x6], $0x20, s11, s13, $0xb8;
	[tilespmem:$0x1C280] =	vst v63  }
0xd1: {  	_ =	swait.ge [sflag:s19], $0x1000  }
0xd2: {  	[sflag:s19] =	ssyncset.done $0x0  }
0xd3: {  	[sflag:s19] =	ssyncadd.s32 $0xFFFFF000  }
0xd4: {  	_ =	swait.ge [sflag:s20], $0x1000  }
0xd5: {  	s7 =	simm.s32 @!p0 $0x0;
	s28 =	simm.s32 @!p0 $0x18800;
	[sflag:s20] =	ssyncset.done $0x0  }
0xd6: {  	s30 =	simm.s32 @!p0 $0x7;
	s0 =	rddreg [dreg:$0x4];
	[sflag:s20] =	ssyncadd.s32 $0xFFFFF000  }
0xd7: {  	[tilespmem:s28], [sflag:$0x7] =	stream.linear.gather @!p0 [hbm4b:s0+s7], $0x80, $0x38;
	[tilespmem:$0x1C280] =	vst v63  }
0xd8: {  	_ =	swait.ge @!p0 [sflag:s30], $0x80  }
0xd9: {  	[sflag:s30] =	ssyncset.done @!p0 $0x0  }
0xda: {  	s31 =	simm.s32 @!p0 $0x18880;
	s0 =	rddreg [dreg:$0x5];
	[sflag:s30] =	ssyncadd.s32 @!p0 $0xFFFFFF80  }
0xdb: {  	[tilespmem:s31], [sflag:$0x7] =	stream.linear.gather @!p0 [hbm4b:s0+s7], $0x80, $0x38;
	[tilespmem:$0x1C280] =	vst v63  }
0xdc: {  	_ =	swait.ge @!p0 [sflag:s30], $0x80  }
0xdd: {  	s7 =	simm.s32 @!p0 $0x80;
	[sflag:s30] =	ssyncset.done @!p0 $0x0  }
0xde: {  	s0 =	simm.s32 @!p0 $0x18900;
	s3 =	rddreg [dreg:$0x3];
	[sflag:s30] =	ssyncadd.s32 @!p0 $0xFFFFFF80  }
0xdf: {  	[tilespmem:s0], [sflag:$0x7] =	stream.indirect.gather @!p0 [hbm4b:s3+s7], $0x20, s28, s7, $0xb8;
	[tilespmem:$0x1C280] =	vst v63  }
0xe0: {  	_ =	swait.ge @!p0 [sflag:s30], $0x1000  }
0xe1: {  	[sflag:s30] =	ssyncset.done @!p0 $0x0  }
0xe2: {  	[sflag:s30] =	ssyncadd.s32 @!p0 $0xFFFFF000  }
0xe3: {  	[spmem:s1] =	stream.indirect.scatter.add.f32 @!p0 [tilespmem:s0], [sflag:$0x7], $0x20, s31, s7, $0xb8;
	[tilespmem:$0x1C280] =	vst v63  }
0xe4: {  	_ =	swait.ge @!p0 [sflag:s30], $0x1000  }
0xe5: {  	[sflag:s30] =	ssyncset.done @!p0 $0x0  }
0xe6: {  	[sflag:s30] =	ssyncadd.s32 @!p0 $0xFFFFF000  }
0xe7: {  	[bflag:$0x0] =	sbarrier.arrive $0xFFFF  }
0xe8: {  	[tilespmem:s5], [sflag:$0x8] =	stream.linear.gather [spmem:s29], $0x1880, $0x38;
	[tilespmem:$0x1C280] =	vst v63  }
0xe9: {  	_ =	swait.ge [sflag:s25], $0x1880  }
0xea: {  	[sflag:s25] =	ssyncset.done $0x0  }
0xeb: {  	s31 =	sadd.s32 $0x0, s23;
	[sflag:s25] =	ssyncadd.s32 $0xFFFFE780  }
0xec: {  	[hbm4b:s31+s2] =	stream.linear.scatter [tilespmem:s5], [sflag:s24], $0x1880, $0x38;
	[tilespmem:$0x1C280] =	vst v63  }
0xed: {  	_ =	swait.ge [sflag:s24], $0x1880  }
0xee: {  	s28 =	simm.s32 $0x310;
	s7 =	smov.u32 s29;
	[sflag:s24] =	ssyncset.done $0x0  }
.LBB2_6:
0xef: {  	p1 =	sne.s32 s28, $0x2DF0;
	[sflag:s24] =	ssyncadd.s32 $0xFFFFE780;
	s7 =	sadd.s32 $0x1880, s7  }
0xf0: {  	[tilespmem:s5], [sflag:$0x8] =	stream.linear.gather [spmem:s7], $0x1880, $0x38;
	[tilespmem:$0x1C280] =	vst v63  }
0xf1: {  	s0 =	smov.u32 s28;
	s28 =	sadd.s32 $0x310, s28;
	_ =	swait.ge [sflag:s25], $0x1880  }
.Ltmp2:
0xf2: {  	[sflag:s25] =	ssyncset.done $0x0;
	(pc) =	sbr.rel @p1 .LBB2_6-.Ltmp2, $4  }
0xf3: {  	s0 =	sadd.s32 s0, s23;
	[sflag:s25] =	ssyncadd.s32 $0xFFFFE780  }
0xf4: {  	[hbm4b:s0+s2] =	stream.linear.scatter [tilespmem:s5], [sflag:s24], $0x1880, $0x38;
	[tilespmem:$0x1C280] =	vst v63  }
0xf5: {  	_ =	swait.ge [sflag:s24], $0x1880  }
0xf6: {  	[sflag:s24] =	ssyncset.done $0x0  }
0xf7: {  	s26 =	sadd.s32 $0x1, s26;
	s0 =	rddreg [dreg:$0x6]  }
0xf8: {  	p1 =	sne.s32 s26, s0  }
.Ltmp3:
0xf9: {  	_ = 	snop;
	(pc) =	sbr.rel @p1 .LBB2_1-.Ltmp3, $2  }
0xfa: {  	_ =	sdelay $0x2  }
0xfb: {  	[sflag:s24] =	ssyncadd.s32 $0xFFFFE780  }
0xfc: {  	_ =	sfence.sel $0x180000  }
0xfd: {  	[bflag:$0x0] =	sbarrier.arrive $0xFFFF  }
0xfe: {  	_ =	strace $0x9000004A  }
0xff: {  	s0 =	stileid.u32;
	[bflag:$0x2] =	sbarrier.arrive $0xFFFF  }
0x100: {  	p0 =	sne.s32 s0, $0x0;
	s0 =	rddreg [dreg:$0x2]  }
0x101: {  	s0 =	sadd.s32 @!p0 $0x100000, s0  }
0x102: {  	[sflag:s0] =	ssyncadd.tile.s32 @!p0 $0x1;
	_ =	shalt  }
.Lfunc_end2:
_tile_overlayer_lowered:
.L_overlay_start_2:
0x103: {  	(tag) =	ssettag $0x2  }
0x104: {  	s0 =	rddreg [dreg:$0x0];
	s2 =	stileid.u32  }
0x105: {  	s1 =	rddreg [dreg:$0x1];
	p0 =	sne.s32 s2, $0x0  }
0x106: {  	s3 =	rddreg [dreg:$0x2];
	[bflag:$0x3] =	sbarrier.arrive $0xFFFF;
	s2 =	simm.s32 @!p0 $0x1C07  }
0x107: {  	[timem:s3], [sflag:s2] =	dma.local @!p0 [hbm:s0], s1  }
0x108: {  	s0 =	simm.s32 @!p0 $0x7  }
0x109: {  	_ =	swait.ge @!p0 [sflag:s0], s1  }
0x10a: {  	s1 =	ssub.s32 @!p0 $0x0, s1;
	[sflag:s0] =	ssyncset.done @!p0 $0x0  }
0x10b: {  	[sflag:s0] =	ssyncadd.s32 @!p0 s1  }
0x10c: {  	[bflag:$0x3] =	sbarrier.arrive $0xFFFF  }
0x10d: {  	_ =	shalt  }

// kernel: kernel.14.cloned.1.call-start
scs
__scs_entry_jumppad:
0x0: {  	(pc) =	sbr.rel $0x88, $3  }
0x1: {  	(tag) =	ssettag $0x0;
	lr =	simm.s32 $0x1  }
0x2: {  	[smem:$0x3F90] =	sst lr;
	_ =	strace $0xD0000000  }
0x3: {  	_ = 	snop  }
0x4: {  	_ = 	snop  }
0x5: {  	_ = 	snop  }
0x6: {  	_ = 	snop  }
0x7: {  	_ = 	snop  }
__scs_overlays_trampoline_lowered:
0x8: {  	[smem:$0x3F9F] =	sst s0  }
0x9: {  	[smem:$0x3FA0] =	sst s1  }
0xa: {  	[smem:$0x3FA1] =	sst s2  }
0xb: {  	[smem:$0x3FA2] =	sst s3  }
0xc: {  	[smem:$0x3FA3] =	sst s4  }
0xd: {  	[smem:$0x3FA4] =	sst s5  }
0xe: {  	[smem:$0x3FA5] =	sst s6  }
0xf: {  	[smem:$0x3FA6] =	sst s7  }
0x10: {  	[smem:$0x3FA7] =	sst s8  }
0x11: {  	[smem:$0x3FA8] =	sst s9;
	s0 =	simm.s32 @!p0 $0x0  }
0x12: {  	s1 =	sld [smem:$0x3F8E];
	s0 =	simm.s32 @p0 $0x1  }
0x13: {  	[smem:$0x3FA9] =	sst s0;
	s0 =	simm.s32 @!p1 $0x0  }
0x14: {  	s2 =	sld [smem:$0x3F8D];
	s0 =	simm.s32 @p1 $0x1  }
0x15: {  	[smem:$0x3FAA] =	sst s0;
	s0 =	simm.s32 @!p2 $0x0  }
0x16: {  	s3 =	sld [smem:$0x3FDB];
	s0 =	simm.s32 @p2 $0x1  }
0x17: {  	s4 =	simm.s32 $0x1BF5;
	[smem:$0x3FAC] =	sst s0  }
0x18: {  	s0 =	sld [smem:$0x3F8F];
	_ =	swait.ge [sflag:s4], $0x0  }
0x19: {  	s7 =	sld [smem:$0x3F90]  }
0x1a: {  	s8 =	sadd.s32 $0xFFFFE003, lr  }
0x1b: {  	s9 =	sadd.s32 $0xFFFFFEF7, lr;
	s5 =	simm.s32 $0xFFFFFFFF;
	p2 =	slt.u32 s8, $0xFFFFF086  }
0x1c: {  	p1 =	slt.u32 s9, $0xF7A;
	s5 =	simm.s32 @!p2 $0x0  }
0x1d: {  	s5 =	simm.s32 @p1 $0x1;
	p0 =	seq.s32 s7, s2  }
0x1e: {  	s7 =	smul.u32 @!p0 $0xF7A, s2;
	p2 =	seq.s32 @!p0 s5, $0x0  }
0x1f: {  	s9 =	smul.u32 $0xF7A, s1;
	s8 =	simm.s32 @!p0 $0x1BF5;
	p2 =	por !p2, p0  }
0x20: {  	[sflag:s8] =	ssyncset.s32 @!p0 $0xFFFFF086;
	s6 =	sadd.s32 @!p0 s3, s7;
	s7 =	simm.s32 @!p0 $0x108  }
0x21: {  	s3 =	sadd.s32 s3, s9;
	s6 =	sadd.s32 @!p0 $0x88, s6;
	s7 =	simm.s32 @p2 $0x1082  }
0x22: {  	[simem:s7], [sflag:s8] =	dma.local @!p0 [hbm:s6], $0xF7A  }
0x23: {  	s9 =	sor.u32 $0xD0000000, s2;
	s6 =	simm.s32 $0x108;
	_ =	swait.ge @!p0 [sflag:s8], $0x0  }
0x24: {  	s3 =	sadd.s32 $0x88, s3;
	s6 =	simm.s32 @!p1 $0x1082;
	[sflag:s4] =	ssyncset.s32 $0xFFFFF086  }
0x25: {  	[simem:s6], [sflag:s4] =	dma.local [hbm:s3], $0xF7A  }
0x26: {  	[smem:$0x3F90] =	sst s1;
	(tag) =	ssettag s2;
	_ =	strace s9  }
0x27: {  	s1 =	sld [smem:$0x3FA0]  }
0x28: {  	s2 =	sld [smem:$0x3FA1]  }
0x29: {  	s4 =	sld [smem:$0x3FA3]  }
0x2a: {  	p0 =	seq.s32 s5, $0x0;
	s5 =	sld [smem:$0x3FA4]  }
0x2b: {  	s6 =	sld [smem:$0x3FA5]  }
0x2c: {  	s7 =	sld [smem:$0x3FA6]  }
0x2d: {  	s3 =	simm.s32 $0x108;
	s8 =	sld [smem:$0x3FA7]  }
0x2e: {  	s3 =	simm.s32 @!p0 $0x1082;
	s9 =	sld [smem:$0x3FA8]  }
0x2f: {  	lr =	sadd.s32 s0, s3;
	s0 =	sld [smem:$0x3F9F]  }
0x30: {  	s3 =	sld [smem:$0x3FA2]  }
0x31: {  	[smem:$0x3FAB] =	sst s10  }
0x32: {  	s10 =	sld [smem:$0x3FA9];
	_ =	sdelay $0x3  }
0x33: {  	p0 =	seq.s32 s10, $0x1;
	s10 =	sld [smem:$0x3FAB];
	_ =	sdelay $0x3  }
0x34: {  	[smem:$0x3FAB] =	sst s10  }
0x35: {  	s10 =	sld [smem:$0x3FAA];
	_ =	sdelay $0x3  }
0x36: {  	p1 =	seq.s32 s10, $0x1;
	s10 =	sld [smem:$0x3FAB];
	_ =	sdelay $0x3  }
0x37: {  	[smem:$0x3FAB] =	sst s10  }
0x38: {  	s10 =	sld [smem:$0x3FAC]  }
0x39: {  	_ = 	snop;
	(pc) =	sbr.ind lr, $3  }
0x3a: {  	_ = 	snop  }
0x3b: {  	_ = 	snop  }
0x3c: {  	p2 =	seq.s32 s10, $0x1;
	s10 =	sld [smem:$0x3FAB]  }
0x3d: {  	_ =	shalt  }
0x3e: {  	_ =	shalt  }
0x3f: {  	_ =	shalt  }
0x40: {  	_ =	shalt  }
0x41: {  	_ =	shalt  }
0x42: {  	_ =	shalt  }
0x43: {  	_ =	shalt  }
0x44: {  	_ =	shalt  }
0x45: {  	_ =	shalt  }
0x46: {  	_ =	shalt  }
0x47: {  	_ =	shalt  }
0x48: {  	_ =	shalt  }
0x49: {  	_ =	shalt  }
0x4a: {  	_ =	shalt  }
0x4b: {  	_ =	shalt  }
0x4c: {  	_ =	shalt  }
0x4d: {  	_ =	shalt  }
0x4e: {  	_ =	shalt  }
0x4f: {  	_ =	shalt  }
0x50: {  	_ =	shalt  }
0x51: {  	_ =	shalt  }
0x52: {  	_ =	shalt  }
0x53: {  	_ =	shalt  }
0x54: {  	_ =	shalt  }
0x55: {  	_ =	shalt  }
0x56: {  	_ =	shalt  }
0x57: {  	_ =	shalt  }
0x58: {  	_ =	shalt  }
0x59: {  	_ =	shalt  }
0x5a: {  	_ =	shalt  }
0x5b: {  	_ =	shalt  }
0x5c: {  	_ =	shalt  }
0x5d: {  	_ =	shalt  }
0x5e: {  	_ =	shalt  }
0x5f: {  	_ =	shalt  }
0x60: {  	_ =	shalt  }
0x61: {  	_ =	shalt  }
0x62: {  	_ =	shalt  }
0x63: {  	_ =	shalt  }
0x64: {  	_ =	shalt  }
0x65: {  	_ =	shalt  }
0x66: {  	_ =	shalt  }
0x67: {  	_ =	shalt  }
0x68: {  	_ =	shalt  }
0x69: {  	_ =	shalt  }
0x6a: {  	_ =	shalt  }
0x6b: {  	_ =	shalt  }
0x6c: {  	_ =	shalt  }
0x6d: {  	_ =	shalt  }
0x6e: {  	_ =	shalt  }
0x6f: {  	_ =	shalt  }
0x70: {  	_ =	shalt  }
0x71: {  	_ =	shalt  }
0x72: {  	_ =	shalt  }
0x73: {  	_ =	shalt  }
0x74: {  	_ =	shalt  }
0x75: {  	_ =	shalt  }
0x76: {  	_ =	shalt  }
0x77: {  	_ =	shalt  }
0x78: {  	_ =	shalt  }
0x79: {  	_ =	shalt  }
0x7a: {  	_ =	shalt  }
0x7b: {  	_ =	shalt  }
0x7c: {  	_ =	shalt  }
0x7d: {  	_ =	shalt  }
0x7e: {  	_ =	shalt  }
0x7f: {  	_ =	shalt  }
0x80: {  	_ =	shalt  }
0x81: {  	_ =	shalt  }
0x82: {  	_ =	shalt  }
0x83: {  	_ =	shalt  }
0x84: {  	_ =	shalt  }
0x85: {  	_ =	shalt  }
0x86: {  	_ =	shalt  }
0x87: {  	_ =	shalt  }
.Lfunc_end0:
.L_simem_size_0:
called_computation.2_lowered:
.L_overlay_start_0:
0x88: {  	s2 =	sld [smem:$0x3FD9]  }
0x89: {  	s3 =	sld [smem:$0x3FFE];
	_ =	sdelay $0x1  }
0x8a: {  	s1 =	srdreg.scid  }
0x8b: {  	s0 =	sand.u32 $0x1, s1  }
0x8c: {  	s17 =	sshll.u32 s0, $0xA;
	s2 =	sadd.s32 s3, s2  }
0x8d: {  	s2 =	sadd.s32 s2, s17  }
0x8e: {  	[smem:$0x3FB7] =	sst s2  }
0x8f: {  	_ = 	snop  }
0x90: {  	s18 =	sld [smem:$0x3FC7];
	(tm) =	ssettm $0x1  }
0x91: {  	s19 =	sld [smem:$0x3FFB];
	_ =	sdelay $0x3  }
0x92: {  	_ =	strace s19  }
0x93: {  	s2 =	sld [smem:$0x3FFC];
	_ =	sdelay $0x3  }
0x94: {  	_ =	strace s2  }
0x95: {  	s2 =	sld [smem:$0x3FFD];
	_ =	sdelay $0x3  }
0x96: {  	_ =	strace s2  }
0x97: {  	_ =	strace $0x8FFFFFFF  }
0x98: {  	s20 =	sld [smem:$0x3FDB];
	_ =	sdelay $0x1  }
0x99: {  	s4 =	simm.s32 $_scs_section_size  }
0x9a: {  	s5 =	simm.s32 $_size__tile_overlayer_lowered;
	s6 =	simm.s32 $_tile_overlayer_lowered  }
0x9b: {  	s7 =	simm.s32 $0x1BFF;
	s21 =	sshll.u32 s6, $0x1;
	s4 =	sadd.s32 s4, s20  }
0x9c: {  	s22 =	simm.s32 $0x0;
	s5 =	sshll.u32 s5, $0x1;
	s6 =	sadd.s32 s21, s4  }
0x9d: {  	[timem:s22], [sflag:s7] =	dma.local [hbm:s6], s5  }
0x9e: {  	_ =	swait.ge [sflag:s7], s5  }
0x9f: {  	s5 =	ssub.s32 $0x0, s5;
	[sflag:s7] =	ssyncset.done $0x0  }
0xa0: {  	[sflag:s7] =	ssyncadd.s32 s5;
	_ =	sdelay $0x1  }
0xa1: {  	s23 =	simm.s32 $0x1B8B  }
0xa2: {  	_ =	swait.ge [sflag:s23], $0x1  }
0xa3: {  	[sflag:s23] =	ssyncset.done $0x0  }
0xa4: {  	[sflag:s23] =	ssyncadd.s32 $0xFFFFFFFF  }
0xa5: {  	s5 =	sld [smem:$0x0]  }
0xa6: {  	s6 =	sand.u32 $0xFFFFFFFE, s1  }
0xa7: {  	p0 =	sne.s32 s1, s6  }
0xa8: {  	s6 =	sshll.u32 @p0 s6, $0xE  }
0xa9: {  	s6 =	sadd.s32 @p0 $0x11B8D, s6;
	s7 =	sshll.u32 @p0 s5, $0x11  }
0xaa: {  	s6 =	sor.u32 @p0 s7, s6  }
0xab: {  	[sflag:s6] =	ssyncadd.remote.s32 @p0 $0x1;
	_ =	sdelay $0x1  }
0xac: {  	s6 =	simm.s32 @p0 $0x1B8D  }
0xad: {  	_ =	swait.eq @p0 [sflag:s6], $0x1  }
0xae: {  	[sflag:s6] =	ssyncadd.s32 @p0 $0xFFFFFFFF  }
0xaf: {  	s7 =	sshll.u32 @!p0 s1, $0xE  }
0xb0: {  	s7 =	sor.u32 @!p0 $0x4000, s7;
	s6 =	simm.s32 @!p0 $0x1B8D  }
0xb1: {  	s5 =	sshll.u32 @!p0 s5, $0x11;
	s7 =	sadd.s32 @!p0 $0x11B8D, s7;
	_ =	swait.eq @!p0 [sflag:s6], $0x1  }
0xb2: {  	s5 =	sor.u32 @!p0 s5, s7;
	[sflag:s6] =	ssyncadd.s32 @!p0 $0xFFFFFFFF  }
0xb3: {  	s25 =	simm.s32 $0x1B8E;
	s24 =	sld [smem:$0x3FFE];
	[sflag:s5] =	ssyncadd.remote.s32 @!p0 $0x1  }
0xb4: {  	s26 =	simm.s32 $execute0_lowered;
	[smem:$0x3FD2] =	sst s25  }
0xb5: {  	s6 =	sshll.u32 s26, $0x1;
	_ =	strace $0x8000004C;
	[dreg:$0x1] =	wrdreg $0xFFFFFFFF  }
0xb6: {  	s28 =	simm.s32 $_size_execute0_lowered;
	s4 =	sadd.s32 s4, s6;
	[dreg:$0x0] =	wrdreg $0x0  }
0xb7: {  	s6 =	sshll.u32 s28, $0x1;
	[dreg:$0x2] =	wrdreg s4  }
0xb8: {  	[dreg:$0x3] =	wrdreg s6  }
0xb9: {  	[dreg:$0x4] =	wrdreg $0xC0  }
0xba: {  	_ =	task [dreg:s22], $0x5FFFF  }
0xbb: {  	[dreg:$0x1] =	wrdreg $0xFFFFFFFF  }
0xbc: {  	[dreg:$0x0] =	wrdreg $0x60  }
0xbd: {  	[dreg:$0x2] =	wrdreg s24  }
0xbe: {  	[dreg:$0x3] =	wrdreg s18  }
0xbf: {  	[dreg:$0x4] =	wrdreg $0x0  }
0xc0: {  	[dreg:$0x5] =	wrdreg $0xA  }
0xc1: {  	_ =	task.clear_ibuf [dreg:s22], $0x6FFFF;
	_ =	strace $0x9000004C  }
0xc2: {  	s29 =	simm.s32 $0xA;
	_ =	strace $0x8000004E  }
0xc3: {  	_ =	swait.ge [sflag:s29], $0x1  }
0xc4: {  	[sflag:s29] =	ssyncadd.s32 $0xFFFFFFFF  }
0xc5: {  	_ =	strace $0x9000004E  }
0xc6: {  	_ =	sfence  }
0xc7: {  	s30 =	sld [smem:$0x0];
	_ =	sdelay $0x2  }
0xc8: {  	s31 =	sshll.u32 s1, $0xD;
	s1 =	sshrl.u32 s1, $0x2  }
0xc9: {  	s4 =	sand.u32 $0x4000, s31;
	s1 =	sadd.s32 s1, s30  }
0xca: {  	s0 =	sor.u32 s4, s0;
	s1 =	sshll.u32 s1, $0x11  }
0xcb: {  	s0 =	sor.u32 s1, s0  }
0xcc: {  	s0 =	sadd.s32 $0x8F2B, s0  }
0xcd: {  	[sflag:s0] =	ssyncadd.remote.s32 $0x1  }
0xce: {  	_ =	sfence.sel $0xFFFF  }
0xcf: {  	[dreg:$0x0] =	wrdreg $0xFFFFFFFF;
	(pc) =	sbr.abs _section_cstart, $3  }
0xd0: {  	[dreg:$0x1] =	wrdreg $0xFFFFFFFF  }
0xd1: {  	_ =	task.clear_ibuf [dreg:s22], $0x2FFFF;
	_ =	strace $0x9FFFFFFF  }
0xd2: {  	(tm) =	ssettm $0x7FFFFFFF  }
0xd3: {  	_ =	shalt  }
tec
execute0_lowered:
.L_overlay_start_1:
0x0: {  	(tag) =	ssettag $0x1  }
0x1: {  	s0 =	rddreg [dreg:$0x0]  }
0x2: {  	s2 =	rddreg [dreg:$0x1]  }
0x3: {  	s3 =	rddreg [dreg:$0x2]  }
0x4: {  	s1 =	srdreg.scid;
	s25 =	stileid.u32  }
0x5: {  	s4 =	simm.s32 $0x0;
	s14 =	simm.s32 $0x18BA8;
	s15 =	simm.s32 $0x7  }
0x6: {  	s17 =	simm.s32 $0x18728;
	s18 =	simm.s32 $0x18928;
	s19 =	simm.s32 $0x189A8  }
0x7: {  	s20 =	simm.s32 $0x1;
	s21 =	simm.s32 $0x80;
	s28 =	simm.s32 $0x3  }
0x8: {  	s29 =	simm.s32 $0x18828;
	s30 =	simm.s32 $0x4;
	s31 =	simm.s32 $0x18AA8  }
0x9: {  	s1 =	sand.u32 $0x1, s1;
	s5 =	smul.u32 $0x186A0, s25;
	[smem:$0x7FF] =	sst s4  }
0xa: {  	s7 =	sadd.s32 $0x1E400, s0;
	s8 =	sadd.s32 $0x5C00, s0;
	s10 =	smul.u32 $0x61A80, s25  }
0xb: {  	s24 =	sshll.u32 s25, $0x4;
	s16 =	ssub.s32 $0x0, s25;
	s12 =	smul.u32 $0x1860, s25  }
0xc: {  	s13 =	sadd.s32 $0x186A00, s3;
	p1 =	sgt.u32 s25, $0x9;
	s25 =	simm.s32 $0x18B28  }
0xd: {  	s6 =	smul.u32 $0x186A00, s1;
	_ =	strace $0x8000004D;
	s9 =	ssub.s32 $0x2, s1  }
0xe: {  	s23 =	sshll.u32 s1, $0x4;
	[dreg:$0x4] =	wrdreg s13;
	s1 =	smul.u32 $0x61A8, s1  }
0xf: {  	s11 =	sshrl.u32 s9, $0x1;
	s22 =	sshrl.u32 s10, $0x2;
	p0 =	sne.s32 s23, s16  }
0x10: {  	s16 =	simm.s32 $0x186A8;
	s23 =	simm.s32 $0x187A8;
	s6 =	sadd.s32 s5, s6  }
0x11: {  	s5 =	sadd.s32 $0x36C00, s0;
	s9 =	ssub.s32 s9, s11;
	s11 =	sor.u32 $0x18600, s24  }
0x12: {  	s24 =	simm.s32 $0x2;
	v0 =	vmov s1;
	s1 =	simm.s32 $0x6;
	s26 =	sadd.s32 s7, s11  }
0x13: {  	s6 =	sshrl.u32 s6, $0x3;
	s11 =	sadd.s32 s8, s11;
	[dreg:$0x5] =	wrdreg s26  }
0x14: {  	s9 =	smax.u32 s9, $0x1;
	s0 =	sadd.s32 s6, s0;
	[dreg:$0x6] =	wrdreg s11  }
0x15: {  	s6 =	sadd.s32 s22, s3;
	[dreg:$0x7] =	wrdreg s9;
	s11 =	sadd.s32 s12, s7  }
0x16: {  	v2 =	vlaneseq.u32;
	s12 =	sadd.s32 s12, s8;
	s22 =	simm.s32 $0x188A8;
	s26 =	simm.s32 $0x18A28  }
0x17: {  	v1 =	vimm.f32 $0.0e+00;
	v2 =	vor.u32 $0x186A00, v2;
	s8 =	simm.s32 $0x0;
	s13 =	sadd.s32 $0x1C1000, s0;
	s0 =	simm.s32 $0x5  }
.LBB2_1:
0x18: {  	s7 =	simm.s32 $0x0  }
.LBB2_2:
0x19: {  	p2 =	sne.s32 s7, $0x1F00  }
.Ltmp0:
0x1a: {  	_ = 	snop;
	(pc) =	sbr.rel @p2 .LBB2_2-.Ltmp0, $3  }
0x1b: {  	_ =	sdelay $0x1  }
0x1c: {  	s9 =	sshra.s32 s7, $0x2  }
0x1d: {  	s7 =	sadd.s32 $0x40, s7;
	[tilespmem:s9+$0x18BA8] =	vst v1  }
0x1e: {  	s7 =	sadd.s32 $0x0, s6  }
0x1f: {  	[spmem:s7] =	stream.linear.scatter [tilespmem:s14], [sflag:$0x7], $0x7D0, $0x38;
	[tilespmem:$0x19378] =	vst v63  }
0x20: {  	s7 =	simm.s32 $0x1F40;
	_ =	swait.ge [sflag:s15], $0x7D0  }
.LBB2_4:
0x21: {  	s9 =	sshra.s32 s7, $0x2;
	[sflag:s15] =	ssyncset.done $0x0;
	p2 =	sne.s32 s7, $0x5FB40  }
.Ltmp1:
0x22: {  	s9 =	sadd.s32 s9, s6;
	[sflag:s15] =	ssyncadd.s32 $0xFFFFF830;
	(pc) =	sbr.rel @p2 .LBB2_4-.Ltmp1, $3  }
0x23: {  	[spmem:s9] =	stream.linear.scatter [tilespmem:s14], [sflag:$0x7], $0x7D0, $0x38;
	[tilespmem:$0x19378] =	vst v63  }
0x24: {  	s7 =	sadd.s32 $0x1F40, s7;
	_ =	sdelay $0x1  }
0x25: {  	_ =	swait.ge [sflag:s15], $0x7D0  }
0x26: {  	[sflag:s15] =	ssyncset.done $0x0  }
0x27: {  	s7 =	simm.s32 @!p0 $0x18BA8;
	s9 =	rddreg [dreg:$0x4];
	[sflag:s15] =	ssyncadd.s32 $0xFFFFF830  }
0x28: {  	[spmem:s9] =	stream.linear.scatter @!p0 [tilespmem:s7], [sflag:$0x7], $0x80, $0x38;
	[tilespmem:$0x19378] =	vst v63  }
0x29: {  	s7 =	simm.s32 @!p0 $0x7  }
0x2a: {  	_ =	swait.ge @!p0 [sflag:s7], $0x80  }
0x2b: {  	[sflag:s7] =	ssyncset.done @!p0 $0x0  }
0x2c: {  	p2 =	por $0x1, $0x1;
	[sflag:s7] =	ssyncadd.s32 @!p0 $0xFFFFFF80  }
0x2d: {  	s7 =	simm.s32 @!p2 $0x5;
	[bflag:$0x0] =	sbarrier.arrive $0xFFFF  }
0x2e: {  	_ =	swait.ge @!p2 [sflag:s7], $0x80  }
0x2f: {  	[sflag:s7] =	ssyncset.done @!p2 $0x0  }
0x30: {  	[sflag:s7] =	ssyncadd.s32 @!p2 $0xFFFFFF80;
	s7 =	simm.s32 @!p2 $0x6  }
0x31: {  	_ =	swait.ge @!p2 [sflag:s7], $0x80  }
0x32: {  	[sflag:s7] =	ssyncset.done @!p2 $0x0  }
0x33: {  	s9 =	sadd.s32 $0x0, s11;
	[sflag:s7] =	ssyncadd.s32 @!p2 $0xFFFFFF80  }
0x34: {  	[tilespmem:s16], [sflag:$0x1] =	stream.linear.gather [hbm4b:s9+s4], $0x80, $0x38;
	[tilespmem:$0x19378] =	vst v63  }
0x35: {  	s10 =	sadd.s32 $0x0, s12  }
0x36: {  	[tilespmem:s17], [sflag:$0x1] =	stream.linear.gather [hbm4b:s10+s4], $0x80, $0x38;
	[tilespmem:$0x19378] =	vst v63  }
0x37: {  	s7 =	sadd.s32 $0x10, s9  }
0x38: {  	[tilespmem:s18], [sflag:$0x2] =	stream.linear.gather [hbm4b:s7+s4], $0x80, $0x38;
	[tilespmem:$0x19378] =	vst v63  }
0x39: {  	s10 =	sadd.s32 $0x10, s10  }
0x3a: {  	[tilespmem:s19], [sflag:$0x2] =	stream.linear.gather [hbm4b:s10+s4], $0x80, $0x38;
	[tilespmem:$0x19378] =	vst v63  }
0x3b: {  	_ =	swait.ge [sflag:s20], $0x80  }
0x3c: {  	[sflag:s20] =	ssyncset.done $0x0  }
0x3d: {  	[sflag:s20] =	ssyncadd.s32 $0xFFFFFF80  }
0x3e: {  	_ =	swait.ge [sflag:s20], $0x80  }
0x3f: {  	[sflag:s20] =	ssyncset.done $0x0  }
0x40: {  	[sflag:s20] =	ssyncadd.s32 $0xFFFFFF80  }
0x41: {  	[tilespmem:s22], [sflag:$0x3] =	stream.indirect.gather [hbm4b:s5+s21], $0x1, s17, s21, $0xb8;
	[tilespmem:$0x19378] =	vst v63  }
0x42: {  	_ = 	snop  }
0x43: {  	[tilespmem:s23], [sflag:$0x3] =	stream.indirect.gather [hbm4b:s2+s21], $0x1, s17, s21, $0xb8;
	[tilespmem:$0x19378] =	vst v63  }
0x44: {  	_ =	swait.ge [sflag:s24], $0x80  }
0x45: {  	[sflag:s24] =	ssyncset.done $0x0  }
0x46: {  	[sflag:s24] =	ssyncadd.s32 $0xFFFFFF80  }
0x47: {  	_ =	swait.ge [sflag:s24], $0x80  }
0x48: {  	[sflag:s24] =	ssyncset.done $0x0  }
0x49: {  	[sflag:s24] =	ssyncadd.s32 $0xFFFFFF80  }
0x4a: {  	[tilespmem:s25], [sflag:$0x4] =	stream.indirect.gather [hbm4b:s5+s21], $0x1, s19, s21, $0xb8;
	[tilespmem:$0x19378] =	vst v63  }
0x4b: {  	_ = 	snop  }
0x4c: {  	[tilespmem:s26], [sflag:$0x4] =	stream.indirect.gather [hbm4b:s2+s21], $0x1, s19, s21, $0xb8;
	[tilespmem:$0x19378] =	vst v63  }
0x4d: {  	_ =	swait.ge [sflag:s28], $0x80  }
0x4e: {  	[sflag:s28] =	ssyncset.done $0x0  }
0x4f: {  	[sflag:s28] =	ssyncadd.s32 $0xFFFFFF80  }
0x50: {  	_ =	swait.ge [sflag:s28], $0x80  }
0x51: {  	[sflag:s28] =	ssyncset.done $0x0  }
0x52: {  	[sflag:s28] =	ssyncadd.s32 $0xFFFFFF80  }
0x53: {  	v3 =	vld [tilespmem:$0x187A8]  }
0x54: {  	v4 =	vld [tilespmem:$0x187D8]  }
0x55: {  	v9 =	vld [tilespmem:$0x18708]  }
0x56: {  	v5 =	vld [tilespmem:$0x186F8]  }
0x57: {  	v8 =	vld [tilespmem:$0x18718]  }
0x58: {  	v7 =	vld [tilespmem:$0x186D8]  }
0x59: {  	s9 =	simm.s32 $0x20;
	v6 =	vld [tilespmem:$0x186A8]  }
.LBB2_6:
0x5a: {  	v10 =	vld [tilespmem:$0x186E8];
	v9 =	vsub.s32 v9, v0;
	s7 =	smov.u32 s9;
	s9 =	sadd.s32 $0x20, s9  }
0x5b: {  	p2 =	sne.s32 s9, $0x1860;
	v11 =	vld [tilespmem:$0x186B8];
	vm0 =	vlt.u32 v9, $0x61A8;
	v9 =	vshll.u32 v9, $0x6  }
0x5c: {  	v12 =	vld [tilespmem:$0x186C8];
	v8 =	vsub.s32 v8, v0  }
0x5d: {  	v7 =	vsub.s32 v7, v0;
	v13 =	vld [tilespmem:$0x187F8];
	vm1 =	vlt.u32 v8, $0x61A8  }
0x5e: {  	v6 =	vsub.s32 v6, v0;
	vm2 =	vlt.u32 v7, $0x61A8;
	v7 =	vshll.u32 v7, $0x6;
	v14 =	vld [tilespmem:$0x187E8]  }
0x5f: {  	v5 =	vsub.s32 v5, v0;
	v4 =	vadd.s32 v4, v7;
	v7 =	vsub.s32 v10, v0;
	v10 =	vld [tilespmem:$0x18818]  }
0x60: {  	vm3 =	vlt.u32 v6, $0x61A8;
	v11 =	vsub.s32 v11, v0;
	v15 =	vld [tilespmem:$0x187C8];
	vm4 =	vlt.u32 v7, $0x61A8  }
0x61: {  	v6 =	vshll.u32 v6, $0x6;
	v7 =	vshll.u32 v7, $0x6;
	v12 =	vsub.s32 v12, v0;
	v16 =	vld [tilespmem:$0x18808]  }
0x62: {  	v18 =	vshll.u32 v5, $0x6;
	vm5 =	vlt.u32 v11, $0x61A8;
	v17 =	vld [tilespmem:$0x187B8];
	vm6 =	vlt.u32 v12, $0x61A8  }
0x63: {  	vm7 =	vlt.u32 v5, $0x61A8;
	v11 =	vshll.u32 v11, $0x6;
	v5 =	vadd.s32 v13, v18  }
0x64: {  	v12 =	vshll.u32 v12, $0x6;
	v7 =	vadd.s32 v14, v7;
	v5 =	vsel vm7, v5, v2  }
0x65: {  	v7 =	vsel vm4, v7, v2;
	v12 =	vadd.s32 v15, v12;
	[tilespmem:$0x18878] =	vst v5;
	v5 =	vshll.u32 v8, $0x6  }
0x66: {  	v8 =	vsel vm6, v12, v2;
	[tilespmem:$0x18868] =	vst v7;
	v7 =	vadd.s32 v16, v9;
	v5 =	vadd.s32 v10, v5  }
0x67: {  	v4 =	vsel vm2, v4, v2;
	v9 =	vadd.s32 v17, v11;
	[tilespmem:$0x18848] =	vst v8;
	v5 =	vsel vm1, v5, v2  }
0x68: {  	v3 =	vadd.s32 v3, v6;
	v7 =	vsel vm0, v7, v2;
	v6 =	vsel vm5, v9, v2;
	[tilespmem:$0x18898] =	vst v5  }
0x69: {  	v3 =	vsel vm3, v3, v2;
	[tilespmem:$0x18858] =	vst v4  }
0x6a: {  	[tilespmem:$0x18828] =	vst v3  }
0x6b: {  	[tilespmem:$0x18888] =	vst v7  }
0x6c: {  	[tilespmem:$0x18838] =	vst v6  }
0x6d: {  	[spmem:s3] =	stream.indirect.scatter.add.f32 [tilespmem:s22], [sflag:$0x5], $0x1, s29, s21, $0xb8;
	[tilespmem:$0x19378] =	vst v63  }
0x6e: {  	_ =	swait.ge [sflag:s30], $0x80  }
0x6f: {  	[sflag:s30] =	ssyncset.done $0x0  }
0x70: {  	[sflag:s30] =	ssyncadd.s32 $0xFFFFFF80  }
0x71: {  	_ =	swait.ge [sflag:s30], $0x80  }
0x72: {  	[sflag:s30] =	ssyncset.done $0x0  }
0x73: {  	[sflag:s30] =	ssyncadd.s32 $0xFFFFFF80  }
0x74: {  	v3 =	vld [tilespmem:$0x18A68]  }
0x75: {  	v4 =	vld [tilespmem:$0x18A48]  }
0x76: {  	v5 =	vld [tilespmem:$0x18A58]  }
0x77: {  	v6 =	vld [tilespmem:$0x18958]  }
0x78: {  	v7 =	vld [tilespmem:$0x18968]  }
0x79: {  	v8 =	vld [tilespmem:$0x18978]  }
0x7a: {  	p3 =	seq.s32 s7, $0x0;
	v9 =	vld [tilespmem:$0x18A78]  }
0x7b: {  	s10 =	simm.s32 @!p3 $0x5;
	v10 =	vld [tilespmem:$0x18988]  }
0x7c: {  	v11 =	vld [tilespmem:$0x18928];
	v6 =	vsub.s32 v6, v0  }
0x7d: {  	v12 =	vshll.u32 v6, $0x6;
	v7 =	vsub.s32 v7, v0;
	v13 =	vld [tilespmem:$0x18A88]  }
0x7e: {  	v14 =	vld [tilespmem:$0x18A28];
	v5 =	vadd.s32 v5, v12;
	vm0 =	vlt.u32 v7, $0x61A8;
	v7 =	vshll.u32 v7, $0x6  }
0x7f: {  	vm1 =	vlt.u32 v6, $0x61A8;
	v6 =	vsub.s32 v8, v0;
	v3 =	vadd.s32 v3, v7;
	v7 =	vld [tilespmem:$0x18998]  }
0x80: {  	v8 =	vshll.u32 v6, $0x6;
	v3 =	vsel vm0, v3, v2;
	v10 =	vsub.s32 v10, v0;
	v12 =	vld [tilespmem:$0x18A98]  }
0x81: {  	vm0 =	vlt.u32 v6, $0x61A8;
	v15 =	vld [tilespmem:$0x18948];
	[tilespmem:$0x18AE8] =	vst v3;
	v3 =	vadd.s32 v9, v8;
	v6 =	vshll.u32 v10, $0x6  }
0x82: {  	v8 =	vld [tilespmem:$0x18A38];
	v3 =	vsel vm0, v3, v2;
	vm0 =	vlt.u32 v10, $0x61A8;
	v6 =	vadd.s32 v13, v6  }
0x83: {  	v5 =	vsel vm1, v5, v2;
	v9 =	vsub.s32 v11, v0;
	[tilespmem:$0x18AF8] =	vst v3;
	v3 =	vsel vm0, v6, v2  }
0x84: {  	vm0 =	vlt.u32 v9, $0x61A8;
	v6 =	vshll.u32 v9, $0x6;
	v9 =	vld [tilespmem:$0x18938];
	[tilespmem:$0x18B08] =	vst v3;
	v3 =	vsub.s32 v7, v0  }
0x85: {  	v6 =	vadd.s32 v14, v6;
	[tilespmem:$0x18AD8] =	vst v5;
	vm1 =	vlt.u32 v3, $0x61A8;
	v3 =	vshll.u32 v3, $0x6  }
0x86: {  	v5 =	vsel vm0, v6, v2;
	v6 =	vsub.s32 v15, v0;
	v3 =	vadd.s32 v12, v3  }
0x87: {  	[tilespmem:$0x18AA8] =	vst v5;
	v5 =	vshll.u32 v6, $0x6;
	v3 =	vsel vm1, v3, v2  }
0x88: {  	vm0 =	vlt.u32 v6, $0x61A8;
	v4 =	vadd.s32 v4, v5;
	[tilespmem:$0x18B18] =	vst v3  }
0x89: {  	v3 =	vsub.s32 v9, v0;
	v4 =	vsel vm0, v4, v2  }
0x8a: {  	v5 =	vshll.u32 v3, $0x6;
	[tilespmem:$0x18AC8] =	vst v4  }
0x8b: {  	vm0 =	vlt.u32 v3, $0x61A8;
	v3 =	vadd.s32 v8, v5  }
0x8c: {  	v3 =	vsel vm0, v3, v2  }
0x8d: {  	[tilespmem:$0x18AB8] =	vst v3  }
0x8e: {  	[spmem:s3] =	stream.indirect.scatter.add.f32 [tilespmem:s25], [sflag:$0x6], $0x1, s31, s21, $0xb8;
	[tilespmem:$0x19378] =	vst v63  }
0x8f: {  	_ = 	snop  }
0x90: {  	_ =	swait.ge @!p3 [sflag:s10], $0x80  }
0x91: {  	[sflag:s10] =	ssyncset.done @!p3 $0x0  }
0x92: {  	[sflag:s10] =	ssyncadd.s32 @!p3 $0xFFFFFF80;
	s10 =	simm.s32 @!p3 $0x6  }
0x93: {  	_ =	swait.ge @!p3 [sflag:s10], $0x80  }
0x94: {  	[sflag:s10] =	ssyncset.done @!p3 $0x0  }
0x95: {  	[sflag:s10] =	ssyncadd.s32 @!p3 $0xFFFFFF80;
	s10 =	sadd.s32 s7, s11  }
0x96: {  	[tilespmem:s16], [sflag:$0x1] =	stream.linear.gather [hbm4b:s10+s4], $0x80, $0x38;
	[tilespmem:$0x19378] =	vst v63  }
0x97: {  	s7 =	sadd.s32 s7, s12  }
0x98: {  	[tilespmem:s17], [sflag:$0x1] =	stream.linear.gather [hbm4b:s7+s4], $0x80, $0x38;
	[tilespmem:$0x19378] =	vst v63  }
0x99: {  	s10 =	sadd.s32 $0x10, s10  }
0x9a: {  	[tilespmem:s18], [sflag:$0x2] =	stream.linear.gather [hbm4b:s10+s4], $0x80, $0x38;
	[tilespmem:$0x19378] =	vst v63  }
0x9b: {  	s7 =	sadd.s32 $0x10, s7  }
0x9c: {  	[tilespmem:s19], [sflag:$0x2] =	stream.linear.gather [hbm4b:s7+s4], $0x80, $0x38;
	[tilespmem:$0x19378] =	vst v63  }
0x9d: {  	_ =	swait.ge [sflag:s20], $0x80  }
0x9e: {  	[sflag:s20] =	ssyncset.done $0x0  }
0x9f: {  	[sflag:s20] =	ssyncadd.s32 $0xFFFFFF80  }
0xa0: {  	_ =	swait.ge [sflag:s20], $0x80  }
0xa1: {  	[sflag:s20] =	ssyncset.done $0x0  }
0xa2: {  	[sflag:s20] =	ssyncadd.s32 $0xFFFFFF80  }
0xa3: {  	[tilespmem:s22], [sflag:$0x3] =	stream.indirect.gather [hbm4b:s5+s21], $0x1, s17, s21, $0xb8;
	[tilespmem:$0x19378] =	vst v63  }
0xa4: {  	_ = 	snop  }
0xa5: {  	[tilespmem:s23], [sflag:$0x3] =	stream.indirect.gather [hbm4b:s2+s21], $0x1, s17, s21, $0xb8;
	[tilespmem:$0x19378] =	vst v63  }
0xa6: {  	_ =	swait.ge [sflag:s24], $0x80  }
0xa7: {  	[sflag:s24] =	ssyncset.done $0x0  }
0xa8: {  	[sflag:s24] =	ssyncadd.s32 $0xFFFFFF80  }
0xa9: {  	_ =	swait.ge [sflag:s24], $0x80  }
0xaa: {  	[sflag:s24] =	ssyncset.done $0x0  }
0xab: {  	[sflag:s24] =	ssyncadd.s32 $0xFFFFFF80  }
0xac: {  	[tilespmem:s25], [sflag:$0x4] =	stream.indirect.gather [hbm4b:s5+s21], $0x1, s19, s21, $0xb8;
	[tilespmem:$0x19378] =	vst v63  }
0xad: {  	_ = 	snop  }
0xae: {  	[tilespmem:s26], [sflag:$0x4] =	stream.indirect.gather [hbm4b:s2+s21], $0x1, s19, s21, $0xb8;
	[tilespmem:$0x19378] =	vst v63  }
0xaf: {  	_ =	swait.ge [sflag:s28], $0x80  }
0xb0: {  	[sflag:s28] =	ssyncset.done $0x0  }
0xb1: {  	[sflag:s28] =	ssyncadd.s32 $0xFFFFFF80  }
0xb2: {  	_ =	swait.ge [sflag:s28], $0x80  }
0xb3: {  	[sflag:s28] =	ssyncset.done $0x0  }
0xb4: {  	[sflag:s28] =	ssyncadd.s32 $0xFFFFFF80  }
0xb5: {  	v3 =	vld [tilespmem:$0x187A8]  }
0xb6: {  	v4 =	vld [tilespmem:$0x187D8]  }
.Ltmp2:
0xb7: {  	v9 =	vld [tilespmem:$0x18708];
	(pc) =	sbr.rel @p2 .LBB2_6-.Ltmp2, $4  }
0xb8: {  	v5 =	vld [tilespmem:$0x186F8]  }
0xb9: {  	v8 =	vld [tilespmem:$0x18718]  }
0xba: {  	v7 =	vld [tilespmem:$0x186D8]  }
0xbb: {  	v6 =	vld [tilespmem:$0x186A8]  }
0xbc: {  	v10 =	vld [tilespmem:$0x186E8]  }
0xbd: {  	v9 =	vsub.s32 v9, v0;
	v11 =	vld [tilespmem:$0x186C8]  }
0xbe: {  	v12 =	vld [tilespmem:$0x187F8];
	vm0 =	vlt.u32 v9, $0x61A8;
	v5 =	vsub.s32 v5, v0  }
0xbf: {  	v33 =	vld [tilespmem:$0x18808];
	v9 =	vshll.u32 v9, $0x6;
	v8 =	vsub.s32 v8, v0;
	v16 =	vshll.u32 v5, $0x6  }
0xc0: {  	vm5 =	vlt.u32 v5, $0x61A8;
	v7 =	vsub.s32 v7, v0;
	vm1 =	vlt.u32 v8, $0x61A8  }
0xc1: {  	v13 =	vld [tilespmem:$0x187E8];
	v35 =	vshll.u32 v8, $0x6;
	v6 =	vsub.s32 v6, v0;
	vm2 =	vlt.u32 v7, $0x61A8  }
0xc2: {  	v14 =	vld [tilespmem:$0x187C8];
	v7 =	vshll.u32 v7, $0x6;
	v10 =	vsub.s32 v10, v0;
	v11 =	vsub.s32 v11, v0  }
0xc3: {  	v17 =	vld [tilespmem:$0x186B8];
	v32 =	vadd.s32 v12, v16;
	v4 =	vadd.s32 v4, v7;
	vm6 =	vlt.u32 v6, $0x61A8  }
0xc4: {  	v15 =	vld [tilespmem:$0x18818];
	v6 =	vshll.u32 v6, $0x6;
	v39 =	vadd.s32 v33, v9;
	v5 =	vsel vm5, v32, v2  }
0xc5: {  	v34 =	vld [tilespmem:$0x187B8];
	vm3 =	vlt.u32 v10, $0x61A8;
	v10 =	vshll.u32 v10, $0x6;
	v4 =	vsel vm2, v4, v2;
	[tilespmem:$0x18878] =	vst v5  }
0xc6: {  	vm4 =	vlt.u32 v11, $0x61A8;
	v3 =	vadd.s32 v3, v6;
	v41 =	vsel vm0, v39, v2;
	[tilespmem:$0x18858] =	vst v4  }
0xc7: {  	v11 =	vshll.u32 v11, $0x6;
	v10 =	vadd.s32 v13, v10;
	v3 =	vsel vm6, v3, v2;
	[tilespmem:$0x18888] =	vst v41  }
0xc8: {  	v37 =	vsub.s32 v17, v0;
	v11 =	vadd.s32 v14, v11;
	v10 =	vsel vm3, v10, v2;
	[tilespmem:$0x18828] =	vst v3  }
0xc9: {  	v38 =	vshll.u32 v37, $0x6;
	v5 =	vadd.s32 v15, v35;
	v36 =	vsel vm4, v11, v2;
	[tilespmem:$0x18868] =	vst v10  }
0xca: {  	vm7 =	vlt.u32 v37, $0x61A8;
	v40 =	vadd.s32 v34, v38;
	v5 =	vsel vm1, v5, v2;
	[tilespmem:$0x18848] =	vst v36  }
0xcb: {  	v3 =	vsel vm7, v40, v2;
	[tilespmem:$0x18898] =	vst v5  }
0xcc: {  	[tilespmem:$0x18838] =	vst v3  }
0xcd: {  	[spmem:s3] =	stream.indirect.scatter.add.f32 [tilespmem:s22], [sflag:$0x5], $0x1, s29, s21, $0xb8;
	[tilespmem:$0x19378] =	vst v63  }
0xce: {  	_ =	swait.ge [sflag:s30], $0x80  }
0xcf: {  	[sflag:s30] =	ssyncset.done $0x0  }
0xd0: {  	[sflag:s30] =	ssyncadd.s32 $0xFFFFFF80  }
0xd1: {  	_ =	swait.ge [sflag:s30], $0x80  }
0xd2: {  	[sflag:s30] =	ssyncset.done $0x0  }
0xd3: {  	[sflag:s30] =	ssyncadd.s32 $0xFFFFFF80  }
0xd4: {  	v43 =	vld [tilespmem:$0x18958]  }
0xd5: {  	v44 =	vld [tilespmem:$0x18968]  }
0xd6: {  	v45 =	vld [tilespmem:$0x18978]  }
0xd7: {  	v47 =	vld [tilespmem:$0x18988]  }
0xd8: {  	v48 =	vld [tilespmem:$0x18928]  }
0xd9: {  	v55 =	vld [tilespmem:$0x18948]  }
0xda: {  	v58 =	vld [tilespmem:$0x18938]  }
0xdb: {  	v3 =	vld [tilespmem:$0x18A68]  }
0xdc: {  	v42 =	vld [tilespmem:$0x18A58]  }
0xdd: {  	v46 =	vld [tilespmem:$0x18A78];
	v5 =	vsub.s32 v43, v0;
	v6 =	vsub.s32 v44, v0;
	v52 =	vsub.s32 v45, v0  }
0xde: {  	v50 =	vld [tilespmem:$0x18A88];
	v9 =	vsub.s32 v47, v0;
	v10 =	vsub.s32 v48, v0;
	v61 =	vsub.s32 v55, v0  }
0xdf: {  	v51 =	vld [tilespmem:$0x18A28];
	v8 =	vsub.s32 v58, v0;
	v49 =	vshll.u32 v5, $0x6;
	vm8 =	vlt.u32 v6, $0x61A8  }
0xe0: {  	v53 =	vld [tilespmem:$0x18998];
	v6 =	vshll.u32 v6, $0x6;
	vm9 =	vlt.u32 v5, $0x61A8;
	v7 =	vshll.u32 v52, $0x6  }
0xe1: {  	vm10 =	vlt.u32 v52, $0x61A8;
	v57 =	vshll.u32 v9, $0x6;
	vm11 =	vlt.u32 v9, $0x61A8  }
0xe2: {  	v54 =	vld [tilespmem:$0x18A98];
	vm12 =	vlt.u32 v10, $0x61A8;
	v10 =	vshll.u32 v10, $0x6;
	v3 =	vadd.s32 v3, v6  }
0xe3: {  	v59 =	vld [tilespmem:$0x18A48];
	v62 =	vshll.u32 v61, $0x6;
	v56 =	vadd.s32 v46, v7;
	v3 =	vsel vm8, v3, v2  }
0xe4: {  	v4 =	vadd.s32 v42, v49;
	v7 =	vadd.s32 v50, v57;
	v5 =	vsel vm10, v56, v2;
	[tilespmem:$0x18AE8] =	vst v3;
	v3 =	vld [tilespmem:$0x18A38]  }
0xe5: {  	v6 =	vsub.s32 v53, v0;
	v60 =	vadd.s32 v51, v10;
	v7 =	vsel vm11, v7, v2;
	[tilespmem:$0x18AF8] =	vst v5  }
0xe6: {  	v4 =	vsel vm9, v4, v2;
	vm13 =	vlt.u32 v6, $0x61A8;
	v6 =	vshll.u32 v6, $0x6;
	[tilespmem:$0x18B08] =	vst v7  }
0xe7: {  	vm14 =	vlt.u32 v61, $0x61A8;
	v5 =	vsel vm12, v60, v2;
	v6 =	vadd.s32 v54, v6;
	[tilespmem:$0x18AD8] =	vst v4  }
0xe8: {  	v63 =	vshll.u32 v8, $0x6;
	v4 =	vadd.s32 v59, v62;
	v6 =	vsel vm13, v6, v2;
	[tilespmem:$0x18AA8] =	vst v5  }
0xe9: {  	vm15 =	vlt.u32 v8, $0x61A8;
	v4 =	vsel vm14, v4, v2;
	[tilespmem:$0x18B18] =	vst v6;
	v3 =	vadd.s32 v3, v63  }
0xea: {  	[tilespmem:$0x18AC8] =	vst v4;
	v3 =	vsel vm15, v3, v2  }
0xeb: {  	[tilespmem:$0x18AB8] =	vst v3  }
0xec: {  	[spmem:s3] =	stream.indirect.scatter.add.f32 [tilespmem:s25], [sflag:$0x6], $0x1, s31, s21, $0xb8;
	[tilespmem:$0x19378] =	vst v63  }
0xed: {  	_ =	swait.ge [sflag:s0], $0x80  }
.Ltmp3:
0xee: {  	[sflag:s0] =	ssyncset.done $0x0;
	(pc) =	sbr.rel @p1 .LBB2_9-.Ltmp3, $4  }
0xef: {  	[sflag:s0] =	ssyncadd.s32 $0xFFFFFF80  }
0xf0: {  	_ =	swait.ge [sflag:s1], $0x80  }
0xf1: {  	[sflag:s1] =	ssyncset.done $0x0  }
0xf2: {  	[sflag:s1] =	ssyncadd.s32 $0xFFFFFF80  }
0xf3: {  	s7 =	rddreg [dreg:$0x5]  }
0xf4: {  	[tilespmem:s16], [sflag:$0x7] =	stream.linear.gather [hbm4b:s7+s4], $0x80, $0x38;
	[tilespmem:$0x19378] =	vst v63  }
0xf5: {  	_ =	swait.ge [sflag:s15], $0x80  }
0xf6: {  	[sflag:s15] =	ssyncset.done $0x0  }
0xf7: {  	s10 =	rddreg [dreg:$0x6];
	[sflag:s15] =	ssyncadd.s32 $0xFFFFFF80  }
0xf8: {  	[tilespmem:s17], [sflag:$0x7] =	stream.linear.gather [hbm4b:s10+s4], $0x80, $0x38;
	[tilespmem:$0x19378] =	vst v63  }
0xf9: {  	_ =	swait.ge [sflag:s15], $0x80  }
0xfa: {  	[sflag:s15] =	ssyncset.done $0x0  }
0xfb: {  	[sflag:s15] =	ssyncadd.s32 $0xFFFFFF80  }
0xfc: {  	[tilespmem:s22], [sflag:$0x7] =	stream.indirect.gather [hbm4b:s5+s21], $0x1, s17, s21, $0xb8;
	[tilespmem:$0x19378] =	vst v63  }
0xfd: {  	_ =	swait.ge [sflag:s15], $0x80  }
0xfe: {  	[sflag:s15] =	ssyncset.done $0x0  }
0xff: {  	[sflag:s15] =	ssyncadd.s32 $0xFFFFFF80  }
0x100: {  	[tilespmem:s23], [sflag:$0x7] =	stream.indirect.gather [hbm4b:s2+s21], $0x1, s17, s21, $0xb8;
	[tilespmem:$0x19378] =	vst v63  }
0x101: {  	_ =	swait.ge [sflag:s15], $0x80  }
0x102: {  	[sflag:s15] =	ssyncset.done $0x0  }
0x103: {  	[sflag:s15] =	ssyncadd.s32 $0xFFFFFF80  }
0x104: {  	v4 =	vld [tilespmem:$0x186A8]  }
0x105: {  	v6 =	vld [tilespmem:$0x186B8]  }
0x106: {  	v8 =	vld [tilespmem:$0x186C8]  }
0x107: {  	v10 =	vld [tilespmem:$0x186D8]  }
0x108: {  	v12 =	vld [tilespmem:$0x186E8]  }
0x109: {  	v53 =	vld [tilespmem:$0x18708]  }
0x10a: {  	v14 =	vld [tilespmem:$0x18718];
	_ =	sdelay $0x1  }
0x10b: {  	v3 =	vld [tilespmem:$0x187A8]  }
0x10c: {  	v5 =	vld [tilespmem:$0x187B8];
	v4 =	vsub.s32 v4, v0;
	v6 =	vsub.s32 v6, v0;
	v49 =	vsub.s32 v8, v0  }
0x10d: {  	v50 =	vld [tilespmem:$0x186F8];
	v52 =	vsub.s32 v10, v0;
	v12 =	vsub.s32 v12, v0;
	v59 =	vsub.s32 v53, v0  }
0x10e: {  	v7 =	vld [tilespmem:$0x187C8];
	v61 =	vsub.s32 v14, v0;
	v11 =	vshll.u32 v4, $0x6;
	vm0 =	vlt.u32 v4, $0x61A8  }
0x10f: {  	v9 =	vld [tilespmem:$0x187D8];
	v47 =	vshll.u32 v6, $0x6;
	vm1 =	vlt.u32 v6, $0x61A8;
	v8 =	vshll.u32 v49, $0x6  }
0x110: {  	v48 =	vld [tilespmem:$0x187E8];
	vm10 =	vlt.u32 v49, $0x61A8;
	v10 =	vshll.u32 v52, $0x6;
	vm11 =	vlt.u32 v52, $0x61A8  }
0x111: {  	v13 =	vld [tilespmem:$0x187F8];
	v55 =	vshll.u32 v12, $0x6;
	vm12 =	vlt.u32 v12, $0x61A8;
	v3 =	vadd.s32 v3, v11  }
0x112: {  	v56 =	vld [tilespmem:$0x18808];
	v6 =	vsub.s32 v50, v0;
	v4 =	vadd.s32 v5, v47;
	v3 =	vsel vm0, v3, v2  }
0x113: {  	v57 =	vld [tilespmem:$0x18818];
	v60 =	vshll.u32 v59, $0x6;
	v51 =	vadd.s32 v7, v8;
	v4 =	vsel vm1, v4, v2;
	[tilespmem:$0x18828] =	vst v3  }
0x114: {  	vm14 =	vlt.u32 v59, $0x61A8;
	v54 =	vadd.s32 v9, v10;
	v5 =	vsel vm10, v51, v2;
	[tilespmem:$0x18838] =	vst v4  }
0x115: {  	v58 =	vshll.u32 v6, $0x6;
	v7 =	vsel vm11, v54, v2;
	v3 =	vadd.s32 v48, v55;
	[tilespmem:$0x18848] =	vst v5  }
0x116: {  	vm13 =	vlt.u32 v6, $0x61A8;
	v4 =	vadd.s32 v13, v58;
	[tilespmem:$0x18858] =	vst v7;
	v3 =	vsel vm12, v3, v2  }
0x117: {  	v62 =	vshll.u32 v61, $0x6;
	v4 =	vsel vm13, v4, v2;
	[tilespmem:$0x18868] =	vst v3;
	v3 =	vadd.s32 v56, v60  }
0x118: {  	vm15 =	vlt.u32 v61, $0x61A8;
	v63 =	vadd.s32 v57, v62;
	[tilespmem:$0x18878] =	vst v4;
	v3 =	vsel vm14, v3, v2  }
0x119: {  	[tilespmem:$0x18888] =	vst v3;
	v3 =	vsel vm15, v63, v2  }
0x11a: {  	[tilespmem:$0x18898] =	vst v3  }
0x11b: {  	[spmem:s3] =	stream.indirect.scatter.add.f32 [tilespmem:s22], [sflag:$0x7], $0x1, s29, s21, $0xb8;
	[tilespmem:$0x19378] =	vst v63  }
0x11c: {  	_ =	swait.ge [sflag:s15], $0x80  }
0x11d: {  	[sflag:s15] =	ssyncset.done $0x0  }
0x11e: {  	[sflag:s15] =	ssyncadd.s32 $0xFFFFFF80  }
.LBB2_9:
0x11f: {  	[bflag:$0x0] =	sbarrier.arrive $0xFFFF  }
0x120: {  	[tilespmem:s14], [sflag:$0x7] =	stream.linear.gather [spmem:s6], $0x7D0, $0x38;
	[tilespmem:$0x19378] =	vst v63  }
0x121: {  	_ =	swait.ge [sflag:s15], $0x7D0  }
0x122: {  	[sflag:s15] =	ssyncset.done $0x0  }
0x123: {  	s7 =	sadd.s32 $0x0, s13;
	[sflag:s15] =	ssyncadd.s32 $0xFFFFF830  }
0x124: {  	[hbm4b:s7+s4] =	stream.linear.scatter [tilespmem:s14], [sflag:$0x7], $0x7D0, $0x38;
	[tilespmem:$0x19378] =	vst v63  }
0x125: {  	_ =	swait.ge [sflag:s15], $0x7D0  }
0x126: {  	s9 =	smov.u32 s6;
	s7 =	simm.s32 $0xFA;
	[sflag:s15] =	ssyncset.done $0x0  }
.LBB2_10:
0x127: {  	p2 =	sne.s32 s7, $0x2FDA;
	[sflag:s15] =	ssyncadd.s32 $0xFFFFF830;
	s9 =	sadd.s32 $0x7D0, s9  }
0x128: {  	[tilespmem:s14], [sflag:$0x7] =	stream.linear.gather [spmem:s9], $0x7D0, $0x38;
	[tilespmem:$0x19378] =	vst v63  }
0x129: {  	s10 =	smov.u32 s7;
	s7 =	sadd.s32 $0xFA, s7;
	_ =	swait.ge [sflag:s15], $0x7D0  }
.Ltmp4:
0x12a: {  	[sflag:s15] =	ssyncset.done $0x0;
	(pc) =	sbr.rel @p2 .LBB2_10-.Ltmp4, $4  }
0x12b: {  	s10 =	sadd.s32 s10, s13;
	[sflag:s15] =	ssyncadd.s32 $0xFFFFF830  }
0x12c: {  	[hbm4b:s10+s4] =	stream.linear.scatter [tilespmem:s14], [sflag:$0x7], $0x7D0, $0x38;
	[tilespmem:$0x19378] =	vst v63  }
0x12d: {  	_ =	swait.ge [sflag:s15], $0x7D0  }
0x12e: {  	[sflag:s15] =	ssyncset.done $0x0  }
0x12f: {  	s8 =	sadd.s32 $0x1, s8;
	s7 =	rddreg [dreg:$0x7]  }
0x130: {  	p2 =	sne.s32 s8, s7  }
.Ltmp5:
0x131: {  	_ = 	snop;
	(pc) =	sbr.rel @p2 .LBB2_1-.Ltmp5, $2  }
0x132: {  	_ =	sdelay $0x2  }
0x133: {  	[sflag:s15] =	ssyncadd.s32 $0xFFFFF830  }
0x134: {  	_ =	sfence.sel $0x180000  }
0x135: {  	[bflag:$0x0] =	sbarrier.arrive $0xFFFF  }
0x136: {  	_ =	strace $0x9000004D  }
0x137: {  	s0 =	stileid.u32;
	[bflag:$0x2] =	sbarrier.arrive $0xFFFF  }
0x138: {  	p0 =	sne.s32 s0, $0x0;
	s0 =	rddreg [dreg:$0x3]  }
0x139: {  	s0 =	sadd.s32 @!p0 $0x100000, s0  }
0x13a: {  	[sflag:s0] =	ssyncadd.tile.s32 @!p0 $0x1;
	_ =	shalt  }
.Lfunc_end2:
_tile_overlayer_lowered:
.L_overlay_start_2:
0x13b: {  	(tag) =	ssettag $0x2  }
0x13c: {  	s0 =	rddreg [dreg:$0x0];
	s2 =	stileid.u32  }
0x13d: {  	s1 =	rddreg [dreg:$0x1];
	p0 =	sne.s32 s2, $0x0  }
0x13e: {  	s3 =	rddreg [dreg:$0x2];
	[bflag:$0x3] =	sbarrier.arrive $0xFFFF;
	s2 =	simm.s32 @!p0 $0x1C07  }
0x13f: {  	[timem:s3], [sflag:s2] =	dma.local @!p0 [hbm:s0], s1  }
0x140: {  	s0 =	simm.s32 @!p0 $0x7  }
0x141: {  	_ =	swait.ge @!p0 [sflag:s0], s1  }
0x142: {  	s1 =	ssub.s32 @!p0 $0x0, s1;
	[sflag:s0] =	ssyncset.done @!p0 $0x0  }
0x143: {  	[sflag:s0] =	ssyncadd.s32 @!p0 s1  }
0x144: {  	[bflag:$0x3] =	sbarrier.arrive $0xFFFF  }
0x145: {  	_ =	shalt  }

// kernel: kernel.8.cloned.1.call-start
scs
__scs_entry_jumppad:
0x0: {  	(pc) =	sbr.rel $0x88, $3  }
0x1: {  	(tag) =	ssettag $0x0;
	lr =	simm.s32 $0x1  }
0x2: {  	[smem:$0x3F90] =	sst lr;
	_ =	strace $0xD0000000  }
0x3: {  	_ = 	snop  }
0x4: {  	_ = 	snop  }
0x5: {  	_ = 	snop  }
0x6: {  	_ = 	snop  }
0x7: {  	_ = 	snop  }
__scs_overlays_trampoline_lowered:
0x8: {  	[smem:$0x3F9F] =	sst s0  }
0x9: {  	[smem:$0x3FA0] =	sst s1  }
0xa: {  	[smem:$0x3FA1] =	sst s2  }
0xb: {  	[smem:$0x3FA2] =	sst s3  }
0xc: {  	[smem:$0x3FA3] =	sst s4  }
0xd: {  	[smem:$0x3FA4] =	sst s5  }
0xe: {  	[smem:$0x3FA5] =	sst s6  }
0xf: {  	[smem:$0x3FA6] =	sst s7  }
0x10: {  	[smem:$0x3FA7] =	sst s8  }
0x11: {  	[smem:$0x3FA8] =	sst s9;
	s0 =	simm.s32 @!p0 $0x0  }
0x12: {  	s1 =	sld [smem:$0x3F8E];
	s0 =	simm.s32 @p0 $0x1  }
0x13: {  	[smem:$0x3FA9] =	sst s0;
	s0 =	simm.s32 @!p1 $0x0  }
0x14: {  	s2 =	sld [smem:$0x3F8D];
	s0 =	simm.s32 @p1 $0x1  }
0x15: {  	[smem:$0x3FAA] =	sst s0;
	s0 =	simm.s32 @!p2 $0x0  }
0x16: {  	s3 =	sld [smem:$0x3FDB];
	s0 =	simm.s32 @p2 $0x1  }
0x17: {  	s4 =	simm.s32 $0x1BF5;
	[smem:$0x3FAC] =	sst s0  }
0x18: {  	s0 =	sld [smem:$0x3F8F];
	_ =	swait.ge [sflag:s4], $0x0  }
0x19: {  	s7 =	sld [smem:$0x3F90]  }
0x1a: {  	s8 =	sadd.s32 $0xFFFFE003, lr  }
0x1b: {  	s9 =	sadd.s32 $0xFFFFFEF7, lr;
	s5 =	simm.s32 $0xFFFFFFFF;
	p2 =	slt.u32 s8, $0xFFFFF086  }
0x1c: {  	p1 =	slt.u32 s9, $0xF7A;
	s5 =	simm.s32 @!p2 $0x0  }
0x1d: {  	s5 =	simm.s32 @p1 $0x1;
	p0 =	seq.s32 s7, s2  }
0x1e: {  	s7 =	smul.u32 @!p0 $0xF7A, s2;
	p2 =	seq.s32 @!p0 s5, $0x0  }
0x1f: {  	s9 =	smul.u32 $0xF7A, s1;
	s8 =	simm.s32 @!p0 $0x1BF5;
	p2 =	por !p2, p0  }
0x20: {  	[sflag:s8] =	ssyncset.s32 @!p0 $0xFFFFF086;
	s6 =	sadd.s32 @!p0 s3, s7;
	s7 =	simm.s32 @!p0 $0x108  }
0x21: {  	s3 =	sadd.s32 s3, s9;
	s6 =	sadd.s32 @!p0 $0x88, s6;
	s7 =	simm.s32 @p2 $0x1082  }
0x22: {  	[simem:s7], [sflag:s8] =	dma.local @!p0 [hbm:s6], $0xF7A  }
0x23: {  	s9 =	sor.u32 $0xD0000000, s2;
	s6 =	simm.s32 $0x108;
	_ =	swait.ge @!p0 [sflag:s8], $0x0  }
0x24: {  	s3 =	sadd.s32 $0x88, s3;
	s6 =	simm.s32 @!p1 $0x1082;
	[sflag:s4] =	ssyncset.s32 $0xFFFFF086  }
0x25: {  	[simem:s6], [sflag:s4] =	dma.local [hbm:s3], $0xF7A  }
0x26: {  	[smem:$0x3F90] =	sst s1;
	(tag) =	ssettag s2;
	_ =	strace s9  }
0x27: {  	s1 =	sld [smem:$0x3FA0]  }
0x28: {  	s2 =	sld [smem:$0x3FA1]  }
0x29: {  	s4 =	sld [smem:$0x3FA3]  }
0x2a: {  	p0 =	seq.s32 s5, $0x0;
	s5 =	sld [smem:$0x3FA4]  }
0x2b: {  	s6 =	sld [smem:$0x3FA5]  }
0x2c: {  	s7 =	sld [smem:$0x3FA6]  }
0x2d: {  	s3 =	simm.s32 $0x108;
	s8 =	sld [smem:$0x3FA7]  }
0x2e: {  	s3 =	simm.s32 @!p0 $0x1082;
	s9 =	sld [smem:$0x3FA8]  }
0x2f: {  	lr =	sadd.s32 s0, s3;
	s0 =	sld [smem:$0x3F9F]  }
0x30: {  	s3 =	sld [smem:$0x3FA2]  }
0x31: {  	[smem:$0x3FAB] =	sst s10  }
0x32: {  	s10 =	sld [smem:$0x3FA9];
	_ =	sdelay $0x3  }
0x33: {  	p0 =	seq.s32 s10, $0x1;
	s10 =	sld [smem:$0x3FAB];
	_ =	sdelay $0x3  }
0x34: {  	[smem:$0x3FAB] =	sst s10  }
0x35: {  	s10 =	sld [smem:$0x3FAA];
	_ =	sdelay $0x3  }
0x36: {  	p1 =	seq.s32 s10, $0x1;
	s10 =	sld [smem:$0x3FAB];
	_ =	sdelay $0x3  }
0x37: {  	[smem:$0x3FAB] =	sst s10  }
0x38: {  	s10 =	sld [smem:$0x3FAC]  }
0x39: {  	_ = 	snop;
	(pc) =	sbr.ind lr, $3  }
0x3a: {  	_ = 	snop  }
0x3b: {  	_ = 	snop  }
0x3c: {  	p2 =	seq.s32 s10, $0x1;
	s10 =	sld [smem:$0x3FAB]  }
0x3d: {  	_ =	shalt  }
0x3e: {  	_ =	shalt  }
0x3f: {  	_ =	shalt  }
0x40: {  	_ =	shalt  }
0x41: {  	_ =	shalt  }
0x42: {  	_ =	shalt  }
0x43: {  	_ =	shalt  }
0x44: {  	_ =	shalt  }
0x45: {  	_ =	shalt  }
0x46: {  	_ =	shalt  }
0x47: {  	_ =	shalt  }
0x48: {  	_ =	shalt  }
0x49: {  	_ =	shalt  }
0x4a: {  	_ =	shalt  }
0x4b: {  	_ =	shalt  }
0x4c: {  	_ =	shalt  }
0x4d: {  	_ =	shalt  }
0x4e: {  	_ =	shalt  }
0x4f: {  	_ =	shalt  }
0x50: {  	_ =	shalt  }
0x51: {  	_ =	shalt  }
0x52: {  	_ =	shalt  }
0x53: {  	_ =	shalt  }
0x54: {  	_ =	shalt  }
0x55: {  	_ =	shalt  }
0x56: {  	_ =	shalt  }
0x57: {  	_ =	shalt  }
0x58: {  	_ =	shalt  }
0x59: {  	_ =	shalt  }
0x5a: {  	_ =	shalt  }
0x5b: {  	_ =	shalt  }
0x5c: {  	_ =	shalt  }
0x5d: {  	_ =	shalt  }
0x5e: {  	_ =	shalt  }
0x5f: {  	_ =	shalt  }
0x60: {  	_ =	shalt  }
0x61: {  	_ =	shalt  }
0x62: {  	_ =	shalt  }
0x63: {  	_ =	shalt  }
0x64: {  	_ =	shalt  }
0x65: {  	_ =	shalt  }
0x66: {  	_ =	shalt  }
0x67: {  	_ =	shalt  }
0x68: {  	_ =	shalt  }
0x69: {  	_ =	shalt  }
0x6a: {  	_ =	shalt  }
0x6b: {  	_ =	shalt  }
0x6c: {  	_ =	shalt  }
0x6d: {  	_ =	shalt  }
0x6e: {  	_ =	shalt  }
0x6f: {  	_ =	shalt  }
0x70: {  	_ =	shalt  }
0x71: {  	_ =	shalt  }
0x72: {  	_ =	shalt  }
0x73: {  	_ =	shalt  }
0x74: {  	_ =	shalt  }
0x75: {  	_ =	shalt  }
0x76: {  	_ =	shalt  }
0x77: {  	_ =	shalt  }
0x78: {  	_ =	shalt  }
0x79: {  	_ =	shalt  }
0x7a: {  	_ =	shalt  }
0x7b: {  	_ =	shalt  }
0x7c: {  	_ =	shalt  }
0x7d: {  	_ =	shalt  }
0x7e: {  	_ =	shalt  }
0x7f: {  	_ =	shalt  }
0x80: {  	_ =	shalt  }
0x81: {  	_ =	shalt  }
0x82: {  	_ =	shalt  }
0x83: {  	_ =	shalt  }
0x84: {  	_ =	shalt  }
0x85: {  	_ =	shalt  }
0x86: {  	_ =	shalt  }
0x87: {  	_ =	shalt  }
.Lfunc_end0:
.L_simem_size_0:
called_computation_lowered:
.L_overlay_start_0:
0x88: {  	s2 =	sld [smem:$0x3FD9]  }
0x89: {  	s3 =	sld [smem:$0x3FFE];
	_ =	sdelay $0x1  }
0x8a: {  	s1 =	srdreg.scid  }
0x8b: {  	s0 =	sand.u32 $0x1, s1  }
0x8c: {  	s16 =	sshll.u32 s0, $0xA;
	s2 =	sadd.s32 s3, s2  }
0x8d: {  	s2 =	sadd.s32 s2, s16  }
0x8e: {  	[smem:$0x3FB7] =	sst s2  }
0x8f: {  	_ = 	snop  }
0x90: {  	(tm) =	ssettm $0x1  }
0x91: {  	s17 =	sld [smem:$0x3FFB];
	_ =	sdelay $0x3  }
0x92: {  	_ =	strace s17  }
0x93: {  	s2 =	sld [smem:$0x3FFC];
	_ =	sdelay $0x3  }
0x94: {  	_ =	strace s2  }
0x95: {  	s2 =	sld [smem:$0x3FFD];
	_ =	sdelay $0x3  }
0x96: {  	_ =	strace s2  }
0x97: {  	_ =	strace $0x8FFFFFFF  }
0x98: {  	s18 =	sld [smem:$0x3FDB];
	_ =	sdelay $0x1  }
0x99: {  	s19 =	simm.s32 $_scs_section_size  }
0x9a: {  	s4 =	simm.s32 $_size__tile_overlayer_lowered;
	s5 =	simm.s32 $_tile_overlayer_lowered  }
0x9b: {  	s22 =	simm.s32 $0x1BFF;
	s21 =	sshll.u32 s5, $0x1;
	s2 =	sadd.s32 s19, s18  }
0x9c: {  	s6 =	simm.s32 $0x0;
	s20 =	sshll.u32 s4, $0x1;
	s4 =	sadd.s32 s21, s2  }
0x9d: {  	[timem:s6], [sflag:s22] =	dma.local [hbm:s4], s20  }
0x9e: {  	_ =	swait.ge [sflag:s22], s20  }
0x9f: {  	s3 =	ssub.s32 $0x0, s20;
	[sflag:s22] =	ssyncset.done $0x0  }
0xa0: {  	[sflag:s22] =	ssyncadd.s32 s3;
	_ =	sdelay $0x1  }
0xa1: {  	s23 =	simm.s32 $0x1B8B  }
0xa2: {  	_ =	swait.ge [sflag:s23], $0x1  }
0xa3: {  	[sflag:s23] =	ssyncset.done $0x0  }
0xa4: {  	s25 =	simm.s32 $0x1B8E;
	s24 =	sld [smem:$0x3FFE];
	[sflag:s23] =	ssyncadd.s32 $0xFFFFFFFF  }
0xa5: {  	s26 =	simm.s32 $execute0_lowered;
	[smem:$0x3FD2] =	sst s25  }
0xa6: {  	s4 =	sshll.u32 s26, $0x1;
	_ =	strace $0x80000046;
	[dreg:$0x1] =	wrdreg $0xFFFFFFFF  }
0xa7: {  	s28 =	simm.s32 $_size_execute0_lowered;
	s2 =	sadd.s32 s2, s4;
	[dreg:$0x0] =	wrdreg $0x0  }
0xa8: {  	s4 =	sshll.u32 s28, $0x1;
	[dreg:$0x2] =	wrdreg s2  }
0xa9: {  	[dreg:$0x3] =	wrdreg s4  }
0xaa: {  	[dreg:$0x4] =	wrdreg $0xC0  }
0xab: {  	_ =	task [dreg:s6], $0x5FFFF  }
0xac: {  	[dreg:$0x1] =	wrdreg $0xFFFFFFFF  }
0xad: {  	[dreg:$0x0] =	wrdreg $0x60  }
0xae: {  	[dreg:$0x2] =	wrdreg s24  }
0xaf: {  	[dreg:$0x3] =	wrdreg $0x0  }
0xb0: {  	[dreg:$0x4] =	wrdreg $0x9  }
0xb1: {  	_ =	task.clear_ibuf [dreg:s6], $0x5FFFF;
	_ =	strace $0x90000046  }
0xb2: {  	s29 =	simm.s32 $0x9;
	_ =	strace $0x80000048  }
0xb3: {  	_ =	swait.ge [sflag:s29], $0x1  }
0xb4: {  	[sflag:s29] =	ssyncadd.s32 $0xFFFFFFFF  }
0xb5: {  	_ =	strace $0x90000048  }
0xb6: {  	_ =	sfence  }
0xb7: {  	s30 =	sld [smem:$0x0];
	_ =	sdelay $0x2  }
0xb8: {  	s31 =	sshll.u32 s1, $0xD;
	s1 =	sshrl.u32 s1, $0x2  }
0xb9: {  	s3 =	sand.u32 $0x4000, s31;
	s1 =	sadd.s32 s1, s30  }
0xba: {  	s0 =	sor.u32 s3, s0;
	s1 =	sshll.u32 s1, $0x11  }
0xbb: {  	s0 =	sor.u32 s1, s0  }
0xbc: {  	s0 =	sadd.s32 $0x8F2B, s0  }
0xbd: {  	[sflag:s0] =	ssyncadd.remote.s32 $0x1  }
0xbe: {  	_ =	sfence.sel $0xFFFF  }
0xbf: {  	[dreg:$0x0] =	wrdreg $0xFFFFFFFF;
	(pc) =	sbr.abs _section_cstart, $3  }
0xc0: {  	[dreg:$0x1] =	wrdreg $0xFFFFFFFF  }
0xc1: {  	_ =	task.clear_ibuf [dreg:s6], $0x2FFFF;
	_ =	strace $0x9FFFFFFF  }
0xc2: {  	(tm) =	ssettm $0x7FFFFFFF  }
0xc3: {  	_ =	shalt  }
tec
execute0_lowered:
.L_overlay_start_1:
0x0: {  	(tag) =	ssettag $0x1  }
0x1: {  	s0 =	srdreg.scid;
	s6 =	rddreg [dreg:$0x0]  }
0x2: {  	s2 =	rddreg [dreg:$0x1];
	s4 =	sand.u32 $0x1, s0  }
0x3: {  	s0 =	stileid.u32;
	s5 =	smul.u32 $0xC30, s4  }
0x4: {  	s1 =	rddreg [dreg:$0x2];
	s11 =	simm.s32 $0xC80;
	s7 =	smul.u32 $0xC3, s0  }
0x5: {  	s12 =	simm.s32 $0x80;
	s13 =	simm.s32 $0xD00;
	s8 =	smul.u32 $0xC80, s0  }
0x6: {  	s14 =	simm.s32 $0x0;
	s3 =	sshll.u32 s4, $0x4;
	s10 =	smul.u32 $0xC800, s4  }
0x7: {  	s30 =	ssub.s32 $0x2, s4;
	s4 =	simm.s32 $0xC4;
	s9 =	sor.u32 s0, s3  }
0x8: {  	s3 =	simm.s32 $0x0;
	s31 =	sshrl.u32 s30, $0x1;
	s5 =	sadd.s32 s7, s5  }
0x9: {  	s26 =	smin.u32 s9, $0xA;
	[smem:$0x7FF] =	sst s3;
	s28 =	sadd.s32 s8, s10  }
0xa: {  	p0 =	slt.u32 s9, $0xA;
	s9 =	simm.s32 $0xD80;
	s5 =	sadd.s32 s26, s5  }
0xb: {  	s10 =	simm.s32 $0x1;
	_ =	strace $0x80000047;
	s5 =	sshll.u32 s5, $0x4  }
0xc: {  	s7 =	sshrl.u32 s28, $0x3;
	s4 =	simm.s32 @!p0 $0xC3;
	s29 =	sadd.s32 s5, s6  }
0xd: {  	s6 =	sadd.s32 s7, s6;
	s7 =	ssub.s32 s30, s31;
	s5 =	sadd.s32 s8, s2  }
0xe: {  	v0 =	vimm.f32 $0.0e+00;
	v1 =	vimm.f32 $1.000000000e+00;
	s6 =	sadd.s32 $0x36C00, s6;
	s7 =	smax.u32 s7, $0x1;
	s8 =	sadd.s32 $0x5C00, s29  }
.LBB2_1:
0xf: {  	s15 =	simm.s32 $0x40;
	s16 =	simm.s32 $0x0  }
.LBB2_2:
0x10: {  	p0 =	sne.s32 s15, $0x31C0;
	[tilespmem:s16+$0xD80] =	vst v0;
	s16 =	smov.u32 s15;
	s15 =	sadd.s32 $0x40, s15  }
.Ltmp0:
0x11: {  	(pc) =	sbr.rel @p0 .LBB2_2-.Ltmp0, $2  }
0x12: {  	_ =	sdelay $0x2  }
0x13: {  	s16 =	sshra.s32 s16, $0x2  }
0x14: {  	[tilespmem:s16+$0xD80] =	vst v0  }
0x15: {  	[tilespmem:$0xD00] =	vst v1  }
0x16: {  	[tilespmem:$0xD10] =	vst v1  }
0x17: {  	[tilespmem:$0xD20] =	vst v1  }
0x18: {  	[tilespmem:$0xD30] =	vst v1  }
0x19: {  	[tilespmem:$0xD40] =	vst v1  }
0x1a: {  	[tilespmem:$0xD50] =	vst v1  }
0x1b: {  	[tilespmem:$0xD60] =	vst v1  }
0x1c: {  	[tilespmem:$0xD70] =	vst v1  }
0x1d: {  	[spmem:s5] =	stream.linear.scatter [tilespmem:s9], [sflag:$0x1], $0xC80, $0x38;
	[tilespmem:$0x1A00] =	vst v63  }
0x1e: {  	_ =	swait.ge [sflag:s10], $0xC80  }
0x1f: {  	[sflag:s10] =	ssyncset.done $0x0  }
0x20: {  	[sflag:s10] =	ssyncadd.s32 $0xFFFFF380  }
0x21: {  	[bflag:$0x0] =	sbarrier.arrive $0xFFFF  }
0x22: {  	[tilespmem:s11], [sflag:$0x1] =	stream.linear.gather [hbm4b:s8+s3], $0x80, $0x38;
	[tilespmem:$0x1A00] =	vst v63  }
0x23: {  	p0 =	sne.s32 s4, $0x1;
	_ =	swait.ge [sflag:s10], $0x80  }
.Ltmp1:
0x24: {  	[sflag:s10] =	ssyncset.done $0x0;
	(pc) =	sbr.rel @!p0 .LBB2_5-.Ltmp1, $4  }
0x25: {  	[sflag:s10] =	ssyncadd.s32 $0xFFFFFF80  }
0x26: {  	[spmem:s2] =	stream.indirect.scatter.add.f32 [tilespmem:s13], [sflag:$0x1], $0x1, s11, s12, $0xb8;
	[tilespmem:$0x1A00] =	vst v63  }
0x27: {  	_ =	swait.ge [sflag:s10], $0x80  }
0x28: {  	s15 =	sadd.s32 $0xFFFFFFFF, s4;
	s16 =	smov.u32 s8;
	[sflag:s10] =	ssyncset.done $0x0  }
.LBB2_4:
0x29: {  	p0 =	sne.s32 s15, $0x1;
	[sflag:s10] =	ssyncadd.s32 $0xFFFFFF80;
	s16 =	sadd.s32 $0x10, s16  }
0x2a: {  	[tilespmem:s11], [sflag:$0x1] =	stream.linear.gather [hbm4b:s16+s3], $0x80, $0x38;
	[tilespmem:$0x1A00] =	vst v63  }
0x2b: {  	s15 =	sadd.s32 $0xFFFFFFFF, s15;
	_ =	swait.ge [sflag:s10], $0x80  }
.Ltmp2:
0x2c: {  	[sflag:s10] =	ssyncset.done $0x0;
	(pc) =	sbr.rel @p0 .LBB2_4-.Ltmp2, $4  }
0x2d: {  	[sflag:s10] =	ssyncadd.s32 $0xFFFFFF80  }
0x2e: {  	[spmem:s2] =	stream.indirect.scatter.add.f32 [tilespmem:s13], [sflag:$0x1], $0x1, s11, s12, $0xb8;
	[tilespmem:$0x1A00] =	vst v63  }
0x2f: {  	_ =	swait.ge [sflag:s10], $0x80  }
0x30: {  	[sflag:s10] =	ssyncset.done $0x0  }
.LBB2_5:
0x31: {  	[sflag:s10] =	ssyncadd.s32 $0xFFFFFF80  }
0x32: {  	[bflag:$0x0] =	sbarrier.arrive $0xFFFF  }
0x33: {  	[tilespmem:s9], [sflag:$0x1] =	stream.linear.gather [spmem:s5], $0xC80, $0x38;
	[tilespmem:$0x1A00] =	vst v63  }
0x34: {  	s14 =	sadd.s32 $0x1, s14;
	_ =	swait.ge [sflag:s10], $0xC80  }
0x35: {  	p0 =	sne.s32 s14, s7;
	[sflag:s10] =	ssyncset.done $0x0  }
.Ltmp3:
0x36: {  	[sflag:s10] =	ssyncadd.s32 $0xFFFFF380;
	(pc) =	sbr.rel @p0 .LBB2_1-.Ltmp3, $4  }
0x37: {  	[hbm4b:s6+s3] =	stream.linear.scatter [tilespmem:s9], [sflag:$0x1], $0xC80, $0x38;
	[tilespmem:$0x1A00] =	vst v63  }
0x38: {  	_ =	swait.ge [sflag:s10], $0xC80  }
0x39: {  	[sflag:s10] =	ssyncset.done $0x0  }
0x3a: {  	[sflag:s10] =	ssyncadd.s32 $0xFFFFF380  }
0x3b: {  	_ =	sfence.sel $0x180000  }
0x3c: {  	[bflag:$0x0] =	sbarrier.arrive $0xFFFF  }
0x3d: {  	p0 =	sne.s32 s0, $0x0;
	_ =	strace $0x90000047  }
0x3e: {  	s0 =	sadd.s32 @!p0 $0x100000, s1;
	[bflag:$0x2] =	sbarrier.arrive $0xFFFF  }
0x3f: {  	[sflag:s0] =	ssyncadd.tile.s32 @!p0 $0x1;
	_ =	shalt  }
.Lfunc_end2:
_tile_overlayer_lowered:
.L_overlay_start_2:
0x40: {  	(tag) =	ssettag $0x2  }
0x41: {  	s0 =	rddreg [dreg:$0x0];
	s2 =	stileid.u32  }
0x42: {  	s1 =	rddreg [dreg:$0x1];
	p0 =	sne.s32 s2, $0x0  }
0x43: {  	s3 =	rddreg [dreg:$0x2];
	[bflag:$0x3] =	sbarrier.arrive $0xFFFF;
	s2 =	simm.s32 @!p0 $0x1C01  }
0x44: {  	[timem:s3], [sflag:s2] =	dma.local @!p0 [hbm:s0], s1  }
0x45: {  	s0 =	simm.s32 @!p0 $0x1  }
0x46: {  	_ =	swait.ge @!p0 [sflag:s0], s1  }
0x47: {  	s1 =	ssub.s32 @!p0 $0x0, s1;
	[sflag:s0] =	ssyncset.done @!p0 $0x0  }
0x48: {  	[sflag:s0] =	ssyncadd.s32 @!p0 s1  }
0x49: {  	[bflag:$0x3] =	sbarrier.arrive $0xFFFF  }
0x4a: {  	_ =	shalt  }

</sc_bundles>
